<compile_context>
chip_gen: v7x
topology: tpu7x:2x2x1
jax: 0.10.2.dev20260603
libtpu: 0.0.44.dev20260713+nightly
codegen_flags: <defaults>
</compile_context>

<pallas_src>
import functools

import jax
import jax.numpy as jnp
from jax import lax
from jax.experimental import pallas as pl
from jax.experimental.pallas import tpu as pltpu
from jax.experimental.pallas import tpu_sc as plsc

N = 800000
DIM_COV = 16
EMB = 2
G = 25000
GS = 32
H = 150
VOCAB = 18


PACK = 8
NP_ROWS = N // PACK
TILE_A = 4000
KX = PACK * DIM_COV
KO = PACK * VOCAB
HO = PACK * H


def _mlp_rows_body(x_ref, km_ref, wcat_ref, r_ref, b1_ref, s_ref,
                   b2_ref, out_ref):
    c1 = jnp.dot(km_ref[:, :], r_ref[:, :],
                 preferred_element_type=jnp.float32)
    vmod = (lax.broadcasted_iota(jnp.int32, (1, KO), 1) % VOCAB
            ).astype(jnp.float32)
    oh = (c1 == vmod).astype(jnp.float32)
    z = jnp.concatenate([x_ref[:, :], oh], axis=1)
    h1 = jnp.maximum(
        jnp.dot(z, wcat_ref[:, :], preferred_element_type=jnp.float32)
        + b1_ref[:, :], 0.0)
    h2 = jnp.dot(h1, s_ref[:, :],
                 preferred_element_type=jnp.float32) + b2_ref[:, :]
    out_ref[:, :] = jnp.maximum(h2, 0.0)


def _mlp_rows(x2, kmp, wcat, r_mat, b1t, s_mat, b2r):
    grid = (NP_ROWS // TILE_A,)
    return pl.pallas_call(
        _mlp_rows_body,
        grid=grid,
        in_specs=[
            pl.BlockSpec((TILE_A, KX), lambda i: (i, 0)),
            pl.BlockSpec((TILE_A, PACK), lambda i: (i, 0)),
            pl.BlockSpec((KX + KO, HO), lambda i: (0, 0)),
            pl.BlockSpec((PACK, KO), lambda i: (0, 0)),
            pl.BlockSpec((1, HO), lambda i: (0, 0)),
            pl.BlockSpec((HO, PACK), lambda i: (0, 0)),
            pl.BlockSpec((1, 1), lambda i: (0, 0)),
        ],
        out_specs=pl.BlockSpec((TILE_A, PACK), lambda i: (i, 0)),
        out_shape=jax.ShapeDtypeStruct((NP_ROWS, PACK), jnp.float32),
    )(x2, kmp, wcat, r_mat, b1t, s_mat, b2r)



NC, NS = 2, 16
NW = NC * NS
G_PAD = 25600
GPW = G_PAD // NW
CHUNK_G = 16
N_CHUNK = GPW // CHUNK_G
IDX_PER_CHUNK = CHUNK_G * GS
STREAMS = IDX_PER_CHUNK // 128
IDX_ROWS = G_PAD * GS // 128


def _sortnet16(v):
    n = len(v)
    v = list(v)
    k = 2
    while k <= n:
        j = k // 2
        while j >= 1:
            for i in range(n):
                l = i ^ j
                if l > i:
                    a, b = v[i], v[l]
                    mn = jnp.minimum(a, b)
                    mx = jnp.maximum(a, b)
                    if (i & k) == 0:
                        v[i], v[l] = mn, mx
                    else:
                        v[i], v[l] = mx, mn
            j //= 2
        k *= 2
    return v


IDX_ALL = (N_CHUNK + 2) * IDX_PER_CHUNK
IDX_HBM = (NW - 1) * GPW * GS + IDX_ALL
STAGE_CHUNK = 25000


def _sc_compute_stats(buf, cc, st_m, st_v, st_mn, st_md, st_mx):
    lane = lax.iota(jnp.int32, 16) * GS
    vs = []
    ssum = None
    ssq = None
    smn = None
    smx = None
    for jv in range(GS):
        v = plsc.load_gather(buf, [lane + jv])
        vs.append(v)
        if jv == 0:
            ssum, ssq, smn, smx = v, v * v, v, v
        else:
            ssum = ssum + v
            ssq = ssq + v * v
            smn = jnp.minimum(smn, v)
            smx = jnp.maximum(smx, v)
    mean = ssum * (1.0 / GS)
    var = (ssq - ssum * mean) * (1.0 / (GS - 1))
    lo = _sortnet16(vs[:16])
    hi = _sortnet16(vs[16:])
    low16 = [jnp.minimum(lo[i], hi[15 - i]) for i in range(16)]
    med = low16[0]
    for i in range(1, 16):
        med = jnp.maximum(med, low16[i])
    off = cc * CHUNK_G
    st_m[pl.ds(off, 16)] = mean
    st_v[pl.ds(off, 16)] = var
    st_mn[pl.ds(off, 16)] = smn
    st_md[pl.ds(off, 16)] = med
    st_mx[pl.ds(off, 16)] = smx


def _sc_stats_body(h_ref, idx_ref, out_m, out_v, out_mn, out_md, out_mx,
                   sh_h, stage_v, idx_all, vals0, vals1,
                   st_m, st_v, st_mn, st_md, st_mx, sem0, sem1):
    wid = lax.axis_index("s") * NC + lax.axis_index("c")
    sid = lax.axis_index("s")
    g0 = wid * GPW
    stat_bufs = (st_m, st_v, st_mn, st_md, st_mx)

    nps = N // NS
    n_st = nps // STAGE_CHUNK
    for t in range(n_st):
        off = sid * nps + t * STAGE_CHUNK
        pltpu.sync_copy(h_ref.at[pl.ds(off, STAGE_CHUNK)], stage_v)
        pltpu.sync_copy(stage_v, sh_h.at[pl.ds(off, STAGE_CHUNK)])
    plsc.subcore_barrier()

    pltpu.sync_copy(idx_ref.at[pl.ds(wid * (GPW * GS), IDX_ALL)], idx_all)

    def fire(cc, buf, sem):
        for s in range(STREAMS):
            pltpu.async_copy(
                sh_h.at[idx_all.at[pl.ds(cc * IDX_PER_CHUNK + s * 128,
                                         128)]],
                buf.at[pl.ds(s * 128, 128)], sem)

    def drain(buf, sem):
        pltpu.make_async_copy(sh_h.at[pl.ds(0, IDX_PER_CHUNK)], buf,
                              sem).wait()

    fire(0, vals0, sem0)
    fire(1, vals1, sem1)

    def outer(o, carry):
        for par, (buf, sem) in enumerate(((vals0, sem0), (vals1, sem1))):
            cc = 2 * o + par
            drain(buf, sem)
            _sc_compute_stats(buf, cc, *stat_bufs)
            fire(cc + 2, buf, sem)
        return carry

    lax.fori_loop(0, N_CHUNK // 2, outer, 0)
    drain(vals0, sem0)
    drain(vals1, sem1)
    outs = (out_m, out_v, out_mn, out_md, out_mx)
    for st in range(5):
        pltpu.sync_copy(stat_bufs[st], outs[st].at[pl.ds(g0, GPW)])


def _sc_stats(h_flat, idx_flat):
    mesh = plsc.VectorSubcoreMesh(core_axis_name="c", subcore_axis_name="s",
                                  num_cores=NC, num_subcores=NS)
    f = functools.partial(
        pl.kernel,
        out_type=tuple(jax.ShapeDtypeStruct((G_PAD,), jnp.float32)
                       for _ in range(5)),
        mesh=mesh,
        scratch_types=[
            pltpu.VMEM_SHARED((N,), jnp.float32),
            pltpu.VMEM((STAGE_CHUNK,), jnp.float32),
            pltpu.VMEM((IDX_ALL,), jnp.int32),
            pltpu.VMEM((IDX_PER_CHUNK,), jnp.float32),
            pltpu.VMEM((IDX_PER_CHUNK,), jnp.float32),
            pltpu.VMEM((GPW,), jnp.float32),
            pltpu.VMEM((GPW,), jnp.float32),
            pltpu.VMEM((GPW,), jnp.float32),
            pltpu.VMEM((GPW,), jnp.float32),
            pltpu.VMEM((GPW,), jnp.float32),
            pltpu.SemaphoreType.DMA,
            pltpu.SemaphoreType.DMA,
        ],
        compiler_params=pltpu.CompilerParams(needs_layout_passes=False),
    )(_sc_stats_body)
    return f(h_flat, idx_flat)



TILE_C = 1024


def _group_mlp_body(sm_ref, sv_ref, smn_ref, smd_ref, smx_ref,
                    w3_ref, b3_ref, w4_ref, b4_ref, out_ref):
    st = jnp.concatenate(
        [sm_ref[:, :], sv_ref[:, :], smn_ref[:, :], smd_ref[:, :],
         smx_ref[:, :]], axis=0)
    a = jnp.dot(w3_ref[:, :], st,
                preferred_element_type=jnp.float32) + b3_ref[:, :]
    a = jnp.maximum(a, 0.0)
    o = jnp.dot(w4_ref[:, :], a,
                preferred_element_type=jnp.float32) + b4_ref[:, :]
    out_ref[:, :] = jax.nn.sigmoid(o)


def _group_mlp(stats5, w3, b3r, w4, b4r):
    grid = (G_PAD // TILE_C,)
    stat_spec = pl.BlockSpec((1, TILE_C), lambda i: (0, i))
    return pl.pallas_call(
        _group_mlp_body,
        grid=grid,
        in_specs=[
            stat_spec, stat_spec, stat_spec, stat_spec, stat_spec,
            pl.BlockSpec((H, 5), lambda i: (0, 0)),
            pl.BlockSpec((H, 1), lambda i: (0, 0)),
            pl.BlockSpec((1, H), lambda i: (0, 0)),
            pl.BlockSpec((1, 1), lambda i: (0, 0)),
        ],
        out_specs=pl.BlockSpec((1, TILE_C), lambda i: (0, i)),
        out_shape=jax.ShapeDtypeStruct((1, G_PAD), jnp.float32),
    )(*stats5, w3, b3r, w4, b4r)




def kernel(x, kmer, indices, emb, W1, b1, W2, b2, W3, b3, W4, b4):
    eye = jnp.eye(PACK, dtype=jnp.float32)
    x2 = x.reshape(NP_ROWS, KX)
    kmp = kmer.astype(jnp.float32).reshape(NP_ROWS, PACK)
    a1 = W1[:, :DIM_COV].T
    e1 = emb @ W1[:, DIM_COV:].T
    wbd = jnp.kron(eye, a1)
    ebd = jnp.kron(eye, e1)
    wcat = jnp.concatenate([wbd, ebd], axis=0)
    r_mat = jnp.kron(eye, jnp.ones((1, VOCAB), jnp.float32))
    b1t = jnp.tile(b1, PACK).reshape(1, HO)
    s_mat = jnp.kron(eye, W2.T)
    b2r = b2.reshape(1, 1)

    h = _mlp_rows(x2, kmp, wcat, r_mat, b1t, s_mat, b2r)
    h_flat = h.reshape(N)

    idx = indices.astype(jnp.int32)
    idx = jnp.pad(idx, ((0, G_PAD - G), (0, 0)))
    idx_flat = jnp.pad(idx.reshape(G_PAD * GS),
                       (0, IDX_HBM - G_PAD * GS))

    stats5 = _sc_stats(h_flat, idx_flat)
    stats5 = tuple(s.reshape(1, G_PAD) for s in stats5)

    b3r = b3.reshape(H, 1)
    b4r = b4.reshape(1, 1)
    out = _group_mlp(stats5, W3, b3r, W4, b4r)
    return out[0, :G].reshape(G, 1)

# --- scband reference (transcript-rebuilt; emitter-appended) ---
"""Pipeline reference for scband-multi-instance-nnembedding-3341484556547 (READ-ONLY COPY).

The authoritative reference and input builder live on the scoring server;
editing this copy changes nothing except your own understanding.
"""

import jax, jax.numpy as jnp
import numpy as np

N = 800000
DIM_COV = 16
EMB = 2
P = 1
G = 25000
GS = 32
H = 150
VOCAB = 18


def setup_inputs(seed: int = 0) -> dict:
    key = jax.random.key(seed)
    ks = jax.random.split(key, 12)
    x = jax.random.normal(ks[0], (N, DIM_COV), dtype=jnp.float32)
    kmer = jax.random.randint(ks[1], (N,), 0, VOCAB)
    indices = jax.random.randint(ks[2], (G, GS), 0, N)
    emb = jax.random.normal(ks[3], (VOCAB, EMB), dtype=jnp.float32) * 0.1
    W1 = jax.random.normal(ks[4], (H, DIM_COV + EMB), dtype=jnp.float32) * 0.05
    b1 = jnp.zeros((H,), dtype=jnp.float32)
    W2 = jax.random.normal(ks[5], (P, H), dtype=jnp.float32) * 0.05
    b2 = jnp.zeros((P,), dtype=jnp.float32)
    W3 = jax.random.normal(ks[6], (H, 5 * P), dtype=jnp.float32) * 0.05
    b3 = jnp.zeros((H,), dtype=jnp.float32)
    W4 = jax.random.normal(ks[7], (1, H), dtype=jnp.float32) * 0.05
    b4 = jnp.zeros((1,), dtype=jnp.float32)
    return {"x": x, "kmer": kmer, "indices": indices, "emb": emb,
            "W1": W1, "b1": b1, "W2": W2, "b2": b2,
            "W3": W3, "b3": b3, "W4": W4, "b4": b4}


def reference(x, kmer, indices, emb, W1, b1, W2, b2, W3, b3, W4, b4):
    # embedding lookup (gather)
    ke = jnp.take(emb, kmer, axis=0)
    h = jnp.concatenate([x, ke], axis=1)
    h = jax.nn.relu(h @ W1.T + b1)
    h = jax.nn.relu(h @ W2.T + b2)  # [N, P]
    # grouped gather: [G, GS, P]
    g = jnp.take(h, indices, axis=0)
    mean = jnp.mean(g, axis=1)
    var = jnp.var(g, axis=1, ddof=1)  # torch.var default unbiased
    mx = jnp.max(g, axis=1)
    mn = jnp.min(g, axis=1)
    # torch.median returns the lower middle value for even group size
    med = jnp.sort(g, axis=1)[:, (GS - 1) // 2, :]
    agg = jnp.stack([mean, var, mn, med, mx], axis=1)  # [G, 5, P]
    a = agg.reshape(-1, 5 * P)
    a = jax.nn.relu(a @ W3.T + b3)
    out = jax.nn.sigmoid(a @ W4.T + b4)
    return out

if __name__ == "__main__":
    import jax
    _d = setup_inputs()
    print(jax.jit(kernel)(*tuple(_d.values())))

</pallas_src>

<mosaic_0001>
#map = affine_map<(d0, d1) -> (0)>
module attributes {stable_mosaic.version = 14 : i64} {
  func.func @_sc_stats_body(%arg0: i32, %arg1: i32, %arg2: memref<800000xf32, #tpu.memory_space<hbm>>, %arg3: memref<820224xi32, #tpu.memory_space<hbm>>, %arg4: memref<25600xf32, #tpu.memory_space<hbm>>, %arg5: memref<25600xf32, #tpu.memory_space<hbm>>, %arg6: memref<25600xf32, #tpu.memory_space<hbm>>, %arg7: memref<25600xf32, #tpu.memory_space<hbm>>, %arg8: memref<25600xf32, #tpu.memory_space<hbm>>, %arg9: memref<800000xf32, #tpu.memory_space<vmem_shared>>, %arg10: memref<25000xf32, #tpu.memory_space<vmem>>, %arg11: memref<26624xi32, #tpu.memory_space<vmem>>, %arg12: memref<512xf32, #tpu.memory_space<vmem>>, %arg13: memref<512xf32, #tpu.memory_space<vmem>>, %arg14: memref<800xf32, #tpu.memory_space<vmem>>, %arg15: memref<800xf32, #tpu.memory_space<vmem>>, %arg16: memref<800xf32, #tpu.memory_space<vmem>>, %arg17: memref<800xf32, #tpu.memory_space<vmem>>, %arg18: memref<800xf32, #tpu.memory_space<vmem>>, %arg19: memref<!tpu.dma_semaphore, #tpu.memory_space<semaphore_mem>>, %arg20: memref<!tpu.dma_semaphore, #tpu.memory_space<semaphore_mem>>) attributes {dimension_semantics = [#tpu.dimension_semantics<core_parallel>, #tpu.dimension_semantics<subcore_parallel>], iteration_bounds = array<i64: 2, 16>, scalar_prefetch = 0 : i64, scratch_operands = 12 : i64, tpu.core_type = #tpu.core_type<sc_vector_subcore>, window_params = [{transform_indices = #map}, {transform_indices = #map}, {transform_indices = #map}, {transform_indices = #map}, {transform_indices = #map}, {transform_indices = #map}, {transform_indices = #map}]} {
    %mul3A = arith.constant 2 : i32
    %mul3A_0 = arith.muli %arg1, %mul3A : i32
    %add3A = arith.addi %mul3A_0, %arg0 : i32
    %mul3A_1 = arith.constant 800 : i32
    %mul3A_2 = arith.muli %add3A, %mul3A_1 : i32
    %mul3A_3 = arith.constant 50000 : i32
    %mul3A_4 = arith.muli %arg1, %mul3A_3 : i32
    %add3A_5 = arith.constant 0 : i32
    %add3A_6 = arith.addi %mul3A_4, %add3A_5 : i32
    "tpu.region"() ({
      %run_scoped3A = tpu.sem_alloc : memref<!tpu.dma_semaphore, #tpu.memory_space<semaphore_mem>>
      %dma_start3A_72 = tpu.memref_slice %arg2[%add3A_6] : memref<800000xf32, #tpu.memory_space<hbm>> -> memref<25000xf32, #tpu.memory_space<hbm>>
      %dma_start3A_73 = tpu.memref_slice %arg2[%add3A_6] : memref<800000xf32, #tpu.memory_space<hbm>> -> memref<25000xf32, #tpu.memory_space<hbm>>
      tpu.enqueue_dma source(%dma_start3A_73 : memref<25000xf32, #tpu.memory_space<hbm>>) target(%arg10 : memref<25000xf32, #tpu.memory_space<vmem>>) target_semaphore(%run_scoped3A : memref<!tpu.dma_semaphore, #tpu.memory_space<semaphore_mem>>)
      %dma_wait3A_74 = tpu.memref_slice %arg2[%add3A_6] : memref<800000xf32, #tpu.memory_space<hbm>> -> memref<25000xf32, #tpu.memory_space<hbm>>
      %dma_wait3A_75 = tpu.memref_slice %arg2[%add3A_6] : memref<800000xf32, #tpu.memory_space<hbm>> -> memref<25000xf32, #tpu.memory_space<hbm>>
      tpu.wait_dma2 semaphore(%run_scoped3A : memref<!tpu.dma_semaphore, #tpu.memory_space<semaphore_mem>>) src(%dma_wait3A_75 : memref<25000xf32, #tpu.memory_space<hbm>>) dst(%arg10 : memref<25000xf32, #tpu.memory_space<vmem>>)
      tpu.yield
    }) : () -> ()
    "tpu.region"() ({
      %run_scoped3A = tpu.sem_alloc : memref<!tpu.dma_semaphore, #tpu.memory_space<semaphore_mem>>
      %dma_start3A_72 = tpu.memref_slice %arg9[%add3A_6] : memref<800000xf32, #tpu.memory_space<vmem_shared>> -> memref<25000xf32, #tpu.memory_space<vmem_shared>>
      %dma_start3A_73 = tpu.memref_slice %arg9[%add3A_6] : memref<800000xf32, #tpu.memory_space<vmem_shared>> -> memref<25000xf32, #tpu.memory_space<vmem_shared>>
      tpu.enqueue_dma source(%arg10 : memref<25000xf32, #tpu.memory_space<vmem>>) target(%dma_start3A_73 : memref<25000xf32, #tpu.memory_space<vmem_shared>>) target_semaphore(%run_scoped3A : memref<!tpu.dma_semaphore, #tpu.memory_space<semaphore_mem>>)
      %dma_wait3A_74 = tpu.memref_slice %arg9[%add3A_6] : memref<800000xf32, #tpu.memory_space<vmem_shared>> -> memref<25000xf32, #tpu.memory_space<vmem_shared>>
      %dma_wait3A_75 = tpu.memref_slice %arg9[%add3A_6] : memref<800000xf32, #tpu.memory_space<vmem_shared>> -> memref<25000xf32, #tpu.memory_space<vmem_shared>>
      tpu.wait_dma2 semaphore(%run_scoped3A : memref<!tpu.dma_semaphore, #tpu.memory_space<semaphore_mem>>) src(%arg10 : memref<25000xf32, #tpu.memory_space<vmem>>) dst(%dma_wait3A_75 : memref<25000xf32, #tpu.memory_space<vmem_shared>>)
      tpu.yield
    }) : () -> ()
    %mul3A_7 = arith.constant 50000 : i32
    %mul3A_8 = arith.muli %arg1, %mul3A_7 : i32
    %add3A_9 = arith.constant 25000 : i32
    %add3A_10 = arith.addi %mul3A_8, %add3A_9 : i32
    "tpu.region"() ({
      %run_scoped3A = tpu.sem_alloc : memref<!tpu.dma_semaphore, #tpu.memory_space<semaphore_mem>>
      %dma_start3A_72 = tpu.memref_slice %arg2[%add3A_10] : memref<800000xf32, #tpu.memory_space<hbm>> -> memref<25000xf32, #tpu.memory_space<hbm>>
      %dma_start3A_73 = tpu.memref_slice %arg2[%add3A_10] : memref<800000xf32, #tpu.memory_space<hbm>> -> memref<25000xf32, #tpu.memory_space<hbm>>
      tpu.enqueue_dma source(%dma_start3A_73 : memref<25000xf32, #tpu.memory_space<hbm>>) target(%arg10 : memref<25000xf32, #tpu.memory_space<vmem>>) target_semaphore(%run_scoped3A : memref<!tpu.dma_semaphore, #tpu.memory_space<semaphore_mem>>)
      %dma_wait3A_74 = tpu.memref_slice %arg2[%add3A_10] : memref<800000xf32, #tpu.memory_space<hbm>> -> memref<25000xf32, #tpu.memory_space<hbm>>
      %dma_wait3A_75 = tpu.memref_slice %arg2[%add3A_10] : memref<800000xf32, #tpu.memory_space<hbm>> -> memref<25000xf32, #tpu.memory_space<hbm>>
      tpu.wait_dma2 semaphore(%run_scoped3A : memref<!tpu.dma_semaphore, #tpu.memory_space<semaphore_mem>>) src(%dma_wait3A_75 : memref<25000xf32, #tpu.memory_space<hbm>>) dst(%arg10 : memref<25000xf32, #tpu.memory_space<vmem>>)
      tpu.yield
    }) : () -> ()
    "tpu.region"() ({
      %run_scoped3A = tpu.sem_alloc : memref<!tpu.dma_semaphore, #tpu.memory_space<semaphore_mem>>
      %dma_start3A_72 = tpu.memref_slice %arg9[%add3A_10] : memref<800000xf32, #tpu.memory_space<vmem_shared>> -> memref<25000xf32, #tpu.memory_space<vmem_shared>>
      %dma_start3A_73 = tpu.memref_slice %arg9[%add3A_10] : memref<800000xf32, #tpu.memory_space<vmem_shared>> -> memref<25000xf32, #tpu.memory_space<vmem_shared>>
      tpu.enqueue_dma source(%arg10 : memref<25000xf32, #tpu.memory_space<vmem>>) target(%dma_start3A_73 : memref<25000xf32, #tpu.memory_space<vmem_shared>>) target_semaphore(%run_scoped3A : memref<!tpu.dma_semaphore, #tpu.memory_space<semaphore_mem>>)
      %dma_wait3A_74 = tpu.memref_slice %arg9[%add3A_10] : memref<800000xf32, #tpu.memory_space<vmem_shared>> -> memref<25000xf32, #tpu.memory_space<vmem_shared>>
      %dma_wait3A_75 = tpu.memref_slice %arg9[%add3A_10] : memref<800000xf32, #tpu.memory_space<vmem_shared>> -> memref<25000xf32, #tpu.memory_space<vmem_shared>>
      tpu.wait_dma2 semaphore(%run_scoped3A : memref<!tpu.dma_semaphore, #tpu.memory_space<semaphore_mem>>) src(%arg10 : memref<25000xf32, #tpu.memory_space<vmem>>) dst(%dma_wait3A_75 : memref<25000xf32, #tpu.memory_space<vmem_shared>>)
      tpu.yield
    }) : () -> ()
    %barrier3A = arith.constant 0 : index
    tpu.barrier barrier_id(%barrier3A)
    %mul3A_11 = arith.constant 25600 : i32
    %mul3A_12 = arith.muli %add3A, %mul3A_11 : i32
    "tpu.region"() ({
      %run_scoped3A = tpu.sem_alloc : memref<!tpu.dma_semaphore, #tpu.memory_space<semaphore_mem>>
      %dma_start3A_72 = tpu.memref_slice %arg3[%mul3A_12] : memref<820224xi32, #tpu.memory_space<hbm>> -> memref<26624xi32, #tpu.memory_space<hbm>>
      %dma_start3A_73 = tpu.memref_slice %arg3[%mul3A_12] : memref<820224xi32, #tpu.memory_space<hbm>> -> memref<26624xi32, #tpu.memory_space<hbm>>
      tpu.enqueue_dma source(%dma_start3A_73 : memref<26624xi32, #tpu.memory_space<hbm>>) target(%arg11 : memref<26624xi32, #tpu.memory_space<vmem>>) target_semaphore(%run_scoped3A : memref<!tpu.dma_semaphore, #tpu.memory_space<semaphore_mem>>)
      %dma_wait3A_74 = tpu.memref_slice %arg3[%mul3A_12] : memref<820224xi32, #tpu.memory_space<hbm>> -> memref<26624xi32, #tpu.memory_space<hbm>>
      %dma_wait3A_75 = tpu.memref_slice %arg3[%mul3A_12] : memref<820224xi32, #tpu.memory_space<hbm>> -> memref<26624xi32, #tpu.memory_space<hbm>>
      tpu.wait_dma2 semaphore(%run_scoped3A : memref<!tpu.dma_semaphore, #tpu.memory_space<semaphore_mem>>) src(%dma_wait3A_75 : memref<26624xi32, #tpu.memory_space<hbm>>) dst(%arg11 : memref<26624xi32, #tpu.memory_space<vmem>>)
      tpu.yield
    }) : () -> ()
    %dma_start3A = arith.constant 0 : i32
    %dma_start3A_13 = tpu.memref_slice %arg12[%dma_start3A] : memref<512xf32, #tpu.memory_space<vmem>> -> memref<128xf32, #tpu.memory_space<vmem>>
    %dma_start3A_14 = arith.constant 0 : i32
    %dma_start3A_15 = tpu.memref_slice %arg11[%dma_start3A_14] : memref<26624xi32, #tpu.memory_space<vmem>> -> memref<128xi32, #tpu.memory_space<vmem>>
    %dma_start3A_16 = arith.constant 0 : i32
    %dma_start3A_17 = tpu.memref_slice %arg9[%dma_start3A_16] : memref<800000xf32, #tpu.memory_space<vmem_shared>> -> memref<800000xf32, #tpu.memory_space<vmem_shared>>
    tpu.enqueue_indirect_dma source(%dma_start3A_17 : memref<800000xf32, #tpu.memory_space<vmem_shared>>) target(%dma_start3A_13 : memref<128xf32, #tpu.memory_space<vmem>>) offsets(%dma_start3A_15 : memref<128xi32, #tpu.memory_space<vmem>>) semaphore(%arg19 : memref<!tpu.dma_semaphore, #tpu.memory_space<semaphore_mem>>)
    %dma_start3A_18 = arith.constant 128 : i32
    %dma_start3A_19 = tpu.memref_slice %arg12[%dma_start3A_18] : memref<512xf32, #tpu.memory_space<vmem>> -> memref<128xf32, #tpu.memory_space<vmem>>
    %dma_start3A_20 = arith.constant 128 : i32
    %dma_start3A_21 = tpu.memref_slice %arg11[%dma_start3A_20] : memref<26624xi32, #tpu.memory_space<vmem>> -> memref<128xi32, #tpu.memory_space<vmem>>
    %dma_start3A_22 = arith.constant 0 : i32
    %dma_start3A_23 = tpu.memref_slice %arg9[%dma_start3A_22] : memref<800000xf32, #tpu.memory_space<vmem_shared>> -> memref<800000xf32, #tpu.memory_space<vmem_shared>>
    tpu.enqueue_indirect_dma source(%dma_start3A_23 : memref<800000xf32, #tpu.memory_space<vmem_shared>>) target(%dma_start3A_19 : memref<128xf32, #tpu.memory_space<vmem>>) offsets(%dma_start3A_21 : memref<128xi32, #tpu.memory_space<vmem>>) semaphore(%arg19 : memref<!tpu.dma_semaphore, #tpu.memory_space<semaphore_mem>>)
    %dma_start3A_24 = arith.constant 256 : i32
    %dma_start3A_25 = tpu.memref_slice %arg12[%dma_start3A_24] : memref<512xf32, #tpu.memory_space<vmem>> -> memref<128xf32, #tpu.memory_space<vmem>>
    %dma_start3A_26 = arith.constant 256 : i32
    %dma_start3A_27 = tpu.memref_slice %arg11[%dma_start3A_26] : memref<26624xi32, #tpu.memory_space<vmem>> -> memref<128xi32, #tpu.memory_space<vmem>>
    %dma_start3A_28 = arith.constant 0 : i32
    %dma_start3A_29 = tpu.memref_slice %arg9[%dma_start3A_28] : memref<800000xf32, #tpu.memory_space<vmem_shared>> -> memref<800000xf32, #tpu.memory_space<vmem_shared>>
    tpu.enqueue_indirect_dma source(%dma_start3A_29 : memref<800000xf32, #tpu.memory_space<vmem_shared>>) target(%dma_start3A_25 : memref<128xf32, #tpu.memory_space<vmem>>) offsets(%dma_start3A_27 : memref<128xi32, #tpu.memory_space<vmem>>) semaphore(%arg19 : memref<!tpu.dma_semaphore, #tpu.memory_space<semaphore_mem>>)
    %dma_start3A_30 = arith.constant 384 : i32
    %dma_start3A_31 = tpu.memref_slice %arg12[%dma_start3A_30] : memref<512xf32, #tpu.memory_space<vmem>> -> memref<128xf32, #tpu.memory_space<vmem>>
    %dma_start3A_32 = arith.constant 384 : i32
    %dma_start3A_33 = tpu.memref_slice %arg11[%dma_start3A_32] : memref<26624xi32, #tpu.memory_space<vmem>> -> memref<128xi32, #tpu.memory_space<vmem>>
    %dma_start3A_34 = arith.constant 0 : i32
    %dma_start3A_35 = tpu.memref_slice %arg9[%dma_start3A_34] : memref<800000xf32, #tpu.memory_space<vmem_shared>> -> memref<800000xf32, #tpu.memory_space<vmem_shared>>
    tpu.enqueue_indirect_dma source(%dma_start3A_35 : memref<800000xf32, #tpu.memory_space<vmem_shared>>) target(%dma_start3A_31 : memref<128xf32, #tpu.memory_space<vmem>>) offsets(%dma_start3A_33 : memref<128xi32, #tpu.memory_space<vmem>>) semaphore(%arg19 : memref<!tpu.dma_semaphore, #tpu.memory_space<semaphore_mem>>)
    %dma_start3A_36 = arith.constant 0 : i32
    %dma_start3A_37 = tpu.memref_slice %arg13[%dma_start3A_36] : memref<512xf32, #tpu.memory_space<vmem>> -> memref<128xf32, #tpu.memory_space<vmem>>
    %dma_start3A_38 = arith.constant 512 : i32
    %dma_start3A_39 = tpu.memref_slice %arg11[%dma_start3A_38] : memref<26624xi32, #tpu.memory_space<vmem>> -> memref<128xi32, #tpu.memory_space<vmem>>
    %dma_start3A_40 = arith.constant 0 : i32
    %dma_start3A_41 = tpu.memref_slice %arg9[%dma_start3A_40] : memref<800000xf32, #tpu.memory_space<vmem_shared>> -> memref<800000xf32, #tpu.memory_space<vmem_shared>>
    tpu.enqueue_indirect_dma source(%dma_start3A_41 : memref<800000xf32, #tpu.memory_space<vmem_shared>>) target(%dma_start3A_37 : memref<128xf32, #tpu.memory_space<vmem>>) offsets(%dma_start3A_39 : memref<128xi32, #tpu.memory_space<vmem>>) semaphore(%arg20 : memref<!tpu.dma_semaphore, #tpu.memory_space<semaphore_mem>>)
    %dma_start3A_42 = arith.constant 128 : i32
    %dma_start3A_43 = tpu.memref_slice %arg13[%dma_start3A_42] : memref<512xf32, #tpu.memory_space<vmem>> -> memref<128xf32, #tpu.memory_space<vmem>>
    %dma_start3A_44 = arith.constant 640 : i32
    %dma_start3A_45 = tpu.memref_slice %arg11[%dma_start3A_44] : memref<26624xi32, #tpu.memory_space<vmem>> -> memref<128xi32, #tpu.memory_space<vmem>>
    %dma_start3A_46 = arith.constant 0 : i32
    %dma_start3A_47 = tpu.memref_slice %arg9[%dma_start3A_46] : memref<800000xf32, #tpu.memory_space<vmem_shared>> -> memref<800000xf32, #tpu.memory_space<vmem_shared>>
    tpu.enqueue_indirect_dma source(%dma_start3A_47 : memref<800000xf32, #tpu.memory_space<vmem_shared>>) target(%dma_start3A_43 : memref<128xf32, #tpu.memory_space<vmem>>) offsets(%dma_start3A_45 : memref<128xi32, #tpu.memory_space<vmem>>) semaphore(%arg20 : memref<!tpu.dma_semaphore, #tpu.memory_space<semaphore_mem>>)
    %dma_start3A_48 = arith.constant 256 : i32
    %dma_start3A_49 = tpu.memref_slice %arg13[%dma_start3A_48] : memref<512xf32, #tpu.memory_space<vmem>> -> memref<128xf32, #tpu.memory_space<vmem>>
    %dma_start3A_50 = arith.constant 768 : i32
    %dma_start3A_51 = tpu.memref_slice %arg11[%dma_start3A_50] : memref<26624xi32, #tpu.memory_space<vmem>> -> memref<128xi32, #tpu.memory_space<vmem>>
    %dma_start3A_52 = arith.constant 0 : i32
    %dma_start3A_53 = tpu.memref_slice %arg9[%dma_start3A_52] : memref<800000xf32, #tpu.memory_space<vmem_shared>> -> memref<800000xf32, #tpu.memory_space<vmem_shared>>
    tpu.enqueue_indirect_dma source(%dma_start3A_53 : memref<800000xf32, #tpu.memory_space<vmem_shared>>) target(%dma_start3A_49 : memref<128xf32, #tpu.memory_space<vmem>>) offsets(%dma_start3A_51 : memref<128xi32, #tpu.memory_space<vmem>>) semaphore(%arg20 : memref<!tpu.dma_semaphore, #tpu.memory_space<semaphore_mem>>)
    %dma_start3A_54 = arith.constant 384 : i32
    %dma_start3A_55 = tpu.memref_slice %arg13[%dma_start3A_54] : memref<512xf32, #tpu.memory_space<vmem>> -> memref<128xf32, #tpu.memory_space<vmem>>
    %dma_start3A_56 = arith.constant 896 : i32
    %dma_start3A_57 = tpu.memref_slice %arg11[%dma_start3A_56] : memref<26624xi32, #tpu.memory_space<vmem>> -> memref<128xi32, #tpu.memory_space<vmem>>
    %dma_start3A_58 = arith.constant 0 : i32
    %dma_start3A_59 = tpu.memref_slice %arg9[%dma_start3A_58] : memref<800000xf32, #tpu.memory_space<vmem_shared>> -> memref<800000xf32, #tpu.memory_space<vmem_shared>>
    tpu.enqueue_indirect_dma source(%dma_start3A_59 : memref<800000xf32, #tpu.memory_space<vmem_shared>>) target(%dma_start3A_55 : memref<128xf32, #tpu.memory_space<vmem>>) offsets(%dma_start3A_57 : memref<128xi32, #tpu.memory_space<vmem>>) semaphore(%arg20 : memref<!tpu.dma_semaphore, #tpu.memory_space<semaphore_mem>>)
    %scan3A = arith.constant 0 : i32
    %scan3A_60 = arith.constant 0 : i32
    %scan3A_61 = arith.constant 25 : i32
    %scan3A_62 = arith.addi %scan3A_60, %scan3A_61 : i32
    %scan3A_63 = arith.constant 1 : i32
    scf.for %scan3A_72 = %scan3A_60 to %scan3A_62 step %scan3A_63  : i32 {
      %mul3A_73 = arith.constant 2 : i32
      %mul3A_74 = arith.muli %mul3A_73, %scan3A_72 : i32
      %add3A_75 = arith.constant 0 : i32
      %add3A_76 = arith.addi %mul3A_74, %add3A_75 : i32
      %dma_wait3A_77 = arith.constant 0 : i32
      %dma_wait3A_78 = tpu.memref_slice %arg9[%dma_wait3A_77] : memref<800000xf32, #tpu.memory_space<vmem_shared>> -> memref<512xf32, #tpu.memory_space<vmem_shared>>
      %dma_wait3A_79 = arith.constant 0 : i32
      %dma_wait3A_80 = tpu.memref_slice %arg9[%dma_wait3A_79] : memref<800000xf32, #tpu.memory_space<vmem_shared>> -> memref<512xf32, #tpu.memory_space<vmem_shared>>
      tpu.wait_dma2 semaphore(%arg19 : memref<!tpu.dma_semaphore, #tpu.memory_space<semaphore_mem>>) src(%dma_wait3A_80 : memref<512xf32, #tpu.memory_space<vmem_shared>>) dst(%arg12 : memref<512xf32, #tpu.memory_space<vmem>>)
      %iota3A = tpu.iota {dimensions = array<i32: 0>} : vector<16xi32>
      %mul3A_81 = arith.constant 32 : i32
      %mul3A_82 = vector.broadcast %mul3A_81 : i32 to vector<16xi32>
      %mul3A_83 = arith.muli %iota3A, %mul3A_82 : vector<16xi32>
      %add3A_84 = arith.constant 0 : i32
      %add3A_85 = vector.broadcast %add3A_84 : i32 to vector<16xi32>
      %add3A_86 = arith.addi %mul3A_83, %add3A_85 : vector<16xi32>
      %gather3A = tpu.vector_load_idx %arg12[%add3A_86] : memref<512xf32, #tpu.memory_space<vmem>>[vector<16xi32>], vector<16xf32>,
      %mul3A_87 = arith.mulf %gather3A, %gather3A : vector<16xf32>
      %add3A_88 = arith.constant 1 : i32
      %add3A_89 = vector.broadcast %add3A_88 : i32 to vector<16xi32>
      %add3A_90 = arith.addi %mul3A_83, %add3A_89 : vector<16xi32>
      %gather3A_91 = tpu.vector_load_idx %arg12[%add3A_90] : memref<512xf32, #tpu.memory_space<vmem>>[vector<16xi32>], vector<16xf32>,
      %add3A_92 = arith.addf %gather3A, %gather3A_91 : vector<16xf32>
      %mul3A_93 = arith.mulf %gather3A_91, %gather3A_91 : vector<16xf32>
      %add3A_94 = arith.addf %mul3A_87, %mul3A_93 : vector<16xf32>
      %min3A = arith.minimumf %gather3A, %gather3A_91 : vector<16xf32>
      %max3A = arith.maximumf %gather3A, %gather3A_91 : vector<16xf32>
      %add3A_95 = arith.constant 2 : i32
      %add3A_96 = vector.broadcast %add3A_95 : i32 to vector<16xi32>
      %add3A_97 = arith.addi %mul3A_83, %add3A_96 : vector<16xi32>
      %gather3A_98 = tpu.vector_load_idx %arg12[%add3A_97] : memref<512xf32, #tpu.memory_space<vmem>>[vector<16xi32>], vector<16xf32>,
      %add3A_99 = arith.addf %add3A_92, %gather3A_98 : vector<16xf32>
      %mul3A_100 = arith.mulf %gather3A_98, %gather3A_98 : vector<16xf32>
      %add3A_101 = arith.addf %add3A_94, %mul3A_100 : vector<16xf32>
      %min3A_102 = arith.minimumf %min3A, %gather3A_98 : vector<16xf32>
      %max3A_103 = arith.maximumf %max3A, %gather3A_98 : vector<16xf32>
      %add3A_104 = arith.constant 3 : i32
      %add3A_105 = vector.broadcast %add3A_104 : i32 to vector<16xi32>
      %add3A_106 = arith.addi %mul3A_83, %add3A_105 : vector<16xi32>
      %gather3A_107 = tpu.vector_load_idx %arg12[%add3A_106] : memref<512xf32, #tpu.memory_space<vmem>>[vector<16xi32>], vector<16xf32>,
      %add3A_108 = arith.addf %add3A_99, %gather3A_107 : vector<16xf32>
      %mul3A_109 = arith.mulf %gather3A_107, %gather3A_107 : vector<16xf32>
      %add3A_110 = arith.addf %add3A_101, %mul3A_109 : vector<16xf32>
      %min3A_111 = arith.minimumf %min3A_102, %gather3A_107 : vector<16xf32>
      %max3A_112 = arith.maximumf %max3A_103, %gather3A_107 : vector<16xf32>
      %add3A_113 = arith.constant 4 : i32
      %add3A_114 = vector.broadcast %add3A_113 : i32 to vector<16xi32>
      %add3A_115 = arith.addi %mul3A_83, %add3A_114 : vector<16xi32>
      %gather3A_116 = tpu.vector_load_idx %arg12[%add3A_115] : memref<512xf32, #tpu.memory_space<vmem>>[vector<16xi32>], vector<16xf32>,
      %add3A_117 = arith.addf %add3A_108, %gather3A_116 : vector<16xf32>
      %mul3A_118 = arith.mulf %gather3A_116, %gather3A_116 : vector<16xf32>
      %add3A_119 = arith.addf %add3A_110, %mul3A_118 : vector<16xf32>
      %min3A_120 = arith.minimumf %min3A_111, %gather3A_116 : vector<16xf32>
      %max3A_121 = arith.maximumf %max3A_112, %gather3A_116 : vector<16xf32>
      %add3A_122 = arith.constant 5 : i32
      %add3A_123 = vector.broadcast %add3A_122 : i32 to vector<16xi32>
      %add3A_124 = arith.addi %mul3A_83, %add3A_123 : vector<16xi32>
      %gather3A_125 = tpu.vector_load_idx %arg12[%add3A_124] : memref<512xf32, #tpu.memory_space<vmem>>[vector<16xi32>], vector<16xf32>,
      %add3A_126 = arith.addf %add3A_117, %gather3A_125 : vector<16xf32>
      %mul3A_127 = arith.mulf %gather3A_125, %gather3A_125 : vector<16xf32>
      %add3A_128 = arith.addf %add3A_119, %mul3A_127 : vector<16xf32>
      %min3A_129 = arith.minimumf %min3A_120, %gather3A_125 : vector<16xf32>
      %max3A_130 = arith.maximumf %max3A_121, %gather3A_125 : vector<16xf32>
      %add3A_131 = arith.constant 6 : i32
      %add3A_132 = vector.broadcast %add3A_131 : i32 to vector<16xi32>
      %add3A_133 = arith.addi %mul3A_83, %add3A_132 : vector<16xi32>
      %gather3A_134 = tpu.vector_load_idx %arg12[%add3A_133] : memref<512xf32, #tpu.memory_space<vmem>>[vector<16xi32>], vector<16xf32>,
      %add3A_135 = arith.addf %add3A_126, %gather3A_134 : vector<16xf32>
      %mul3A_136 = arith.mulf %gather3A_134, %gather3A_134 : vector<16xf32>
      %add3A_137 = arith.addf %add3A_128, %mul3A_136 : vector<16xf32>
      %min3A_138 = arith.minimumf %min3A_129, %gather3A_134 : vector<16xf32>
      %max3A_139 = arith.maximumf %max3A_130, %gather3A_134 : vector<16xf32>
      %add3A_140 = arith.constant 7 : i32
      %add3A_141 = vector.broadcast %add3A_140 : i32 to vector<16xi32>
      %add3A_142 = arith.addi %mul3A_83, %add3A_141 : vector<16xi32>
      %gather3A_143 = tpu.vector_load_idx %arg12[%add3A_142] : memref<512xf32, #tpu.memory_space<vmem>>[vector<16xi32>], vector<16xf32>,
      %add3A_144 = arith.addf %add3A_135, %gather3A_143 : vector<16xf32>
      %mul3A_145 = arith.mulf %gather3A_143, %gather3A_143 : vector<16xf32>
      %add3A_146 = arith.addf %add3A_137, %mul3A_145 : vector<16xf32>
      %min3A_147 = arith.minimumf %min3A_138, %gather3A_143 : vector<16xf32>
      %max3A_148 = arith.maximumf %max3A_139, %gather3A_143 : vector<16xf32>
      %add3A_149 = arith.constant 8 : i32
      %add3A_150 = vector.broadcast %add3A_149 : i32 to vector<16xi32>
      %add3A_151 = arith.addi %mul3A_83, %add3A_150 : vector<16xi32>
      %gather3A_152 = tpu.vector_load_idx %arg12[%add3A_151] : memref<512xf32, #tpu.memory_space<vmem>>[vector<16xi32>], vector<16xf32>,
      %add3A_153 = arith.addf %add3A_144, %gather3A_152 : vector<16xf32>
      %mul3A_154 = arith.mulf %gather3A_152, %gather3A_152 : vector<16xf32>
      %add3A_155 = arith.addf %add3A_146, %mul3A_154 : vector<16xf32>
      %min3A_156 = arith.minimumf %min3A_147, %gather3A_152 : vector<16xf32>
      %max3A_157 = arith.maximumf %max3A_148, %gather3A_152 : vector<16xf32>
      %add3A_158 = arith.constant 9 : i32
      %add3A_159 = vector.broadcast %add3A_158 : i32 to vector<16xi32>
      %add3A_160 = arith.addi %mul3A_83, %add3A_159 : vector<16xi32>
      %gather3A_161 = tpu.vector_load_idx %arg12[%add3A_160] : memref<512xf32, #tpu.memory_space<vmem>>[vector<16xi32>], vector<16xf32>,
      %add3A_162 = arith.addf %add3A_153, %gather3A_161 : vector<16xf32>
      %mul3A_163 = arith.mulf %gather3A_161, %gather3A_161 : vector<16xf32>
      %add3A_164 = arith.addf %add3A_155, %mul3A_163 : vector<16xf32>
      %min3A_165 = arith.minimumf %min3A_156, %gather3A_161 : vector<16xf32>
      %max3A_166 = arith.maximumf %max3A_157, %gather3A_161 : vector<16xf32>
      %add3A_167 = arith.constant 10 : i32
      %add3A_168 = vector.broadcast %add3A_167 : i32 to vector<16xi32>
      %add3A_169 = arith.addi %mul3A_83, %add3A_168 : vector<16xi32>
      %gather3A_170 = tpu.vector_load_idx %arg12[%add3A_169] : memref<512xf32, #tpu.memory_space<vmem>>[vector<16xi32>], vector<16xf32>,
      %add3A_171 = arith.addf %add3A_162, %gather3A_170 : vector<16xf32>
      %mul3A_172 = arith.mulf %gather3A_170, %gather3A_170 : vector<16xf32>
      %add3A_173 = arith.addf %add3A_164, %mul3A_172 : vector<16xf32>
      %min3A_174 = arith.minimumf %min3A_165, %gather3A_170 : vector<16xf32>
      %max3A_175 = arith.maximumf %max3A_166, %gather3A_170 : vector<16xf32>
      %add3A_176 = arith.constant 11 : i32
      %add3A_177 = vector.broadcast %add3A_176 : i32 to vector<16xi32>
      %add3A_178 = arith.addi %mul3A_83, %add3A_177 : vector<16xi32>
      %gather3A_179 = tpu.vector_load_idx %arg12[%add3A_178] : memref<512xf32, #tpu.memory_space<vmem>>[vector<16xi32>], vector<16xf32>,
      %add3A_180 = arith.addf %add3A_171, %gather3A_179 : vector<16xf32>
      %mul3A_181 = arith.mulf %gather3A_179, %gather3A_179 : vector<16xf32>
      %add3A_182 = arith.addf %add3A_173, %mul3A_181 : vector<16xf32>
      %min3A_183 = arith.minimumf %min3A_174, %gather3A_179 : vector<16xf32>
      %max3A_184 = arith.maximumf %max3A_175, %gather3A_179 : vector<16xf32>
      %add3A_185 = arith.constant 12 : i32
      %add3A_186 = vector.broadcast %add3A_185 : i32 to vector<16xi32>
      %add3A_187 = arith.addi %mul3A_83, %add3A_186 : vector<16xi32>
      %gather3A_188 = tpu.vector_load_idx %arg12[%add3A_187] : memref<512xf32, #tpu.memory_space<vmem>>[vector<16xi32>], vector<16xf32>,
      %add3A_189 = arith.addf %add3A_180, %gather3A_188 : vector<16xf32>
      %mul3A_190 = arith.mulf %gather3A_188, %gather3A_188 : vector<16xf32>
      %add3A_191 = arith.addf %add3A_182, %mul3A_190 : vector<16xf32>
      %min3A_192 = arith.minimumf %min3A_183, %gather3A_188 : vector<16xf32>
      %max3A_193 = arith.maximumf %max3A_184, %gather3A_188 : vector<16xf32>
      %add3A_194 = arith.constant 13 : i32
      %add3A_195 = vector.broadcast %add3A_194 : i32 to vector<16xi32>
      %add3A_196 = arith.addi %mul3A_83, %add3A_195 : vector<16xi32>
      %gather3A_197 = tpu.vector_load_idx %arg12[%add3A_196] : memref<512xf32, #tpu.memory_space<vmem>>[vector<16xi32>], vector<16xf32>,
      %add3A_198 = arith.addf %add3A_189, %gather3A_197 : vector<16xf32>
      %mul3A_199 = arith.mulf %gather3A_197, %gather3A_197 : vector<16xf32>
      %add3A_200 = arith.addf %add3A_191, %mul3A_199 : vector<16xf32>
      %min3A_201 = arith.minimumf %min3A_192, %gather3A_197 : vector<16xf32>
      %max3A_202 = arith.maximumf %max3A_193, %gather3A_197 : vector<16xf32>
      %add3A_203 = arith.constant 14 : i32
      %add3A_204 = vector.broadcast %add3A_203 : i32 to vector<16xi32>
      %add3A_205 = arith.addi %mul3A_83, %add3A_204 : vector<16xi32>
      %gather3A_206 = tpu.vector_load_idx %arg12[%add3A_205] : memref<512xf32, #tpu.memory_space<vmem>>[vector<16xi32>], vector<16xf32>,
      %add3A_207 = arith.addf %add3A_198, %gather3A_206 : vector<16xf32>
      %mul3A_208 = arith.mulf %gather3A_206, %gather3A_206 : vector<16xf32>
      %add3A_209 = arith.addf %add3A_200, %mul3A_208 : vector<16xf32>
      %min3A_210 = arith.minimumf %min3A_201, %gather3A_206 : vector<16xf32>
      %max3A_211 = arith.maximumf %max3A_202, %gather3A_206 : vector<16xf32>
      %add3A_212 = arith.constant 15 : i32
      %add3A_213 = vector.broadcast %add3A_212 : i32 to vector<16xi32>
      %add3A_214 = arith.addi %mul3A_83, %add3A_213 : vector<16xi32>
      %gather3A_215 = tpu.vector_load_idx %arg12[%add3A_214] : memref<512xf32, #tpu.memory_space<vmem>>[vector<16xi32>], vector<16xf32>,
      %add3A_216 = arith.addf %add3A_207, %gather3A_215 : vector<16xf32>
      %mul3A_217 = arith.mulf %gather3A_215, %gather3A_215 : vector<16xf32>
      %add3A_218 = arith.addf %add3A_209, %mul3A_217 : vector<16xf32>
      %min3A_219 = arith.minimumf %min3A_210, %gather3A_215 : vector<16xf32>
      %max3A_220 = arith.maximumf %max3A_211, %gather3A_215 : vector<16xf32>
      %add3A_221 = arith.constant 16 : i32
      %add3A_222 = vector.broadcast %add3A_221 : i32 to vector<16xi32>
      %add3A_223 = arith.addi %mul3A_83, %add3A_222 : vector<16xi32>
      %gather3A_224 = tpu.vector_load_idx %arg12[%add3A_223] : memref<512xf32, #tpu.memory_space<vmem>>[vector<16xi32>], vector<16xf32>,
      %add3A_225 = arith.addf %add3A_216, %gather3A_224 : vector<16xf32>
      %mul3A_226 = arith.mulf %gather3A_224, %gather3A_224 : vector<16xf32>
      %add3A_227 = arith.addf %add3A_218, %mul3A_226 : vector<16xf32>
      %min3A_228 = arith.minimumf %min3A_219, %gather3A_224 : vector<16xf32>
      %max3A_229 = arith.maximumf %max3A_220, %gather3A_224 : vector<16xf32>
      %add3A_230 = arith.constant 17 : i32
      %add3A_231 = vector.broadcast %add3A_230 : i32 to vector<16xi32>
      %add3A_232 = arith.addi %mul3A_83, %add3A_231 : vector<16xi32>
      %gather3A_233 = tpu.vector_load_idx %arg12[%add3A_232] : memref<512xf32, #tpu.memory_space<vmem>>[vector<16xi32>], vector<16xf32>,
      %add3A_234 = arith.addf %add3A_225, %gather3A_233 : vector<16xf32>
      %mul3A_235 = arith.mulf %gather3A_233, %gather3A_233 : vector<16xf32>
      %add3A_236 = arith.addf %add3A_227, %mul3A_235 : vector<16xf32>
      %min3A_237 = arith.minimumf %min3A_228, %gather3A_233 : vector<16xf32>
      %max3A_238 = arith.maximumf %max3A_229, %gather3A_233 : vector<16xf32>
      %add3A_239 = arith.constant 18 : i32
      %add3A_240 = vector.broadcast %add3A_239 : i32 to vector<16xi32>
      %add3A_241 = arith.addi %mul3A_83, %add3A_240 : vector<16xi32>
      %gather3A_242 = tpu.vector_load_idx %arg12[%add3A_241] : memref<512xf32, #tpu.memory_space<vmem>>[vector<16xi32>], vector<16xf32>,
      %add3A_243 = arith.addf %add3A_234, %gather3A_242 : vector<16xf32>
      %mul3A_244 = arith.mulf %gather3A_242, %gather3A_242 : vector<16xf32>
      %add3A_245 = arith.addf %add3A_236, %mul3A_244 : vector<16xf32>
      %min3A_246 = arith.minimumf %min3A_237, %gather3A_242 : vector<16xf32>
      %max3A_247 = arith.maximumf %max3A_238, %gather3A_242 : vector<16xf32>
      %add3A_248 = arith.constant 19 : i32
      %add3A_249 = vector.broadcast %add3A_248 : i32 to vector<16xi32>
      %add3A_250 = arith.addi %mul3A_83, %add3A_249 : vector<16xi32>
      %gather3A_251 = tpu.vector_load_idx %arg12[%add3A_250] : memref<512xf32, #tpu.memory_space<vmem>>[vector<16xi32>], vector<16xf32>,
      %add3A_252 = arith.addf %add3A_243, %gather3A_251 : vector<16xf32>
      %mul3A_253 = arith.mulf %gather3A_251, %gather3A_251 : vector<16xf32>
      %add3A_254 = arith.addf %add3A_245, %mul3A_253 : vector<16xf32>
      %min3A_255 = arith.minimumf %min3A_246, %gather3A_251 : vector<16xf32>
      %max3A_256 = arith.maximumf %max3A_247, %gather3A_251 : vector<16xf32>
      %add3A_257 = arith.constant 20 : i32
      %add3A_258 = vector.broadcast %add3A_257 : i32 to vector<16xi32>
      %add3A_259 = arith.addi %mul3A_83, %add3A_258 : vector<16xi32>
      %gather3A_260 = tpu.vector_load_idx %arg12[%add3A_259] : memref<512xf32, #tpu.memory_space<vmem>>[vector<16xi32>], vector<16xf32>,
      %add3A_261 = arith.addf %add3A_252, %gather3A_260 : vector<16xf32>
      %mul3A_262 = arith.mulf %gather3A_260, %gather3A_260 : vector<16xf32>
      %add3A_263 = arith.addf %add3A_254, %mul3A_262 : vector<16xf32>
      %min3A_264 = arith.minimumf %min3A_255, %gather3A_260 : vector<16xf32>
      %max3A_265 = arith.maximumf %max3A_256, %gather3A_260 : vector<16xf32>
      %add3A_266 = arith.constant 21 : i32
      %add3A_267 = vector.broadcast %add3A_266 : i32 to vector<16xi32>
      %add3A_268 = arith.addi %mul3A_83, %add3A_267 : vector<16xi32>
      %gather3A_269 = tpu.vector_load_idx %arg12[%add3A_268] : memref<512xf32, #tpu.memory_space<vmem>>[vector<16xi32>], vector<16xf32>,
      %add3A_270 = arith.addf %add3A_261, %gather3A_269 : vector<16xf32>
      %mul3A_271 = arith.mulf %gather3A_269, %gather3A_269 : vector<16xf32>
      %add3A_272 = arith.addf %add3A_263, %mul3A_271 : vector<16xf32>
      %min3A_273 = arith.minimumf %min3A_264, %gather3A_269 : vector<16xf32>
      %max3A_274 = arith.maximumf %max3A_265, %gather3A_269 : vector<16xf32>
      %add3A_275 = arith.constant 22 : i32
      %add3A_276 = vector.broadcast %add3A_275 : i32 to vector<16xi32>
      %add3A_277 = arith.addi %mul3A_83, %add3A_276 : vector<16xi32>
      %gather3A_278 = tpu.vector_load_idx %arg12[%add3A_277] : memref<512xf32, #tpu.memory_space<vmem>>[vector<16xi32>], vector<16xf32>,
      %add3A_279 = arith.addf %add3A_270, %gather3A_278 : vector<16xf32>
      %mul3A_280 = arith.mulf %gather3A_278, %gather3A_278 : vector<16xf32>
      %add3A_281 = arith.addf %add3A_272, %mul3A_280 : vector<16xf32>
      %min3A_282 = arith.minimumf %min3A_273, %gather3A_278 : vector<16xf32>
      %max3A_283 = arith.maximumf %max3A_274, %gather3A_278 : vector<16xf32>
      %add3A_284 = arith.constant 23 : i32
      %add3A_285 = vector.broadcast %add3A_284 : i32 to vector<16xi32>
      %add3A_286 = arith.addi %mul3A_83, %add3A_285 : vector<16xi32>
      %gather3A_287 = tpu.vector_load_idx %arg12[%add3A_286] : memref<512xf32, #tpu.memory_space<vmem>>[vector<16xi32>], vector<16xf32>,
      %add3A_288 = arith.addf %add3A_279, %gather3A_287 : vector<16xf32>
      %mul3A_289 = arith.mulf %gather3A_287, %gather3A_287 : vector<16xf32>
      %add3A_290 = arith.addf %add3A_281, %mul3A_289 : vector<16xf32>
      %min3A_291 = arith.minimumf %min3A_282, %gather3A_287 : vector<16xf32>
      %max3A_292 = arith.maximumf %max3A_283, %gather3A_287 : vector<16xf32>
      %add3A_293 = arith.constant 24 : i32
      %add3A_294 = vector.broadcast %add3A_293 : i32 to vector<16xi32>
      %add3A_295 = arith.addi %mul3A_83, %add3A_294 : vector<16xi32>
      %gather3A_296 = tpu.vector_load_idx %arg12[%add3A_295] : memref<512xf32, #tpu.memory_space<vmem>>[vector<16xi32>], vector<16xf32>,
      %add3A_297 = arith.addf %add3A_288, %gather3A_296 : vector<16xf32>
      %mul3A_298 = arith.mulf %gather3A_296, %gather3A_296 : vector<16xf32>
      %add3A_299 = arith.addf %add3A_290, %mul3A_298 : vector<16xf32>
      %min3A_300 = arith.minimumf %min3A_291, %gather3A_296 : vector<16xf32>
      %max3A_301 = arith.maximumf %max3A_292, %gather3A_296 : vector<16xf32>
      %add3A_302 = arith.constant 25 : i32
      %add3A_303 = vector.broadcast %add3A_302 : i32 to vector<16xi32>
      %add3A_304 = arith.addi %mul3A_83, %add3A_303 : vector<16xi32>
      %gather3A_305 = tpu.vector_load_idx %arg12[%add3A_304] : memref<512xf32, #tpu.memory_space<vmem>>[vector<16xi32>], vector<16xf32>,
      %add3A_306 = arith.addf %add3A_297, %gather3A_305 : vector<16xf32>
      %mul3A_307 = arith.mulf %gather3A_305, %gather3A_305 : vector<16xf32>
      %add3A_308 = arith.addf %add3A_299, %mul3A_307 : vector<16xf32>
      %min3A_309 = arith.minimumf %min3A_300, %gather3A_305 : vector<16xf32>
      %max3A_310 = arith.maximumf %max3A_301, %gather3A_305 : vector<16xf32>
      %add3A_311 = arith.constant 26 : i32
      %add3A_312 = vector.broadcast %add3A_311 : i32 to vector<16xi32>
      %add3A_313 = arith.addi %mul3A_83, %add3A_312 : vector<16xi32>
      %gather3A_314 = tpu.vector_load_idx %arg12[%add3A_313] : memref<512xf32, #tpu.memory_space<vmem>>[vector<16xi32>], vector<16xf32>,
      %add3A_315 = arith.addf %add3A_306, %gather3A_314 : vector<16xf32>
      %mul3A_316 = arith.mulf %gather3A_314, %gather3A_314 : vector<16xf32>
      %add3A_317 = arith.addf %add3A_308, %mul3A_316 : vector<16xf32>
      %min3A_318 = arith.minimumf %min3A_309, %gather3A_314 : vector<16xf32>
      %max3A_319 = arith.maximumf %max3A_310, %gather3A_314 : vector<16xf32>
      %add3A_320 = arith.constant 27 : i32
      %add3A_321 = vector.broadcast %add3A_320 : i32 to vector<16xi32>
      %add3A_322 = arith.addi %mul3A_83, %add3A_321 : vector<16xi32>
      %gather3A_323 = tpu.vector_load_idx %arg12[%add3A_322] : memref<512xf32, #tpu.memory_space<vmem>>[vector<16xi32>], vector<16xf32>,
      %add3A_324 = arith.addf %add3A_315, %gather3A_323 : vector<16xf32>
      %mul3A_325 = arith.mulf %gather3A_323, %gather3A_323 : vector<16xf32>
      %add3A_326 = arith.addf %add3A_317, %mul3A_325 : vector<16xf32>
      %min3A_327 = arith.minimumf %min3A_318, %gather3A_323 : vector<16xf32>
      %max3A_328 = arith.maximumf %max3A_319, %gather3A_323 : vector<16xf32>
      %add3A_329 = arith.constant 28 : i32
      %add3A_330 = vector.broadcast %add3A_329 : i32 to vector<16xi32>
      %add3A_331 = arith.addi %mul3A_83, %add3A_330 : vector<16xi32>
      %gather3A_332 = tpu.vector_load_idx %arg12[%add3A_331] : memref<512xf32, #tpu.memory_space<vmem>>[vector<16xi32>], vector<16xf32>,
      %add3A_333 = arith.addf %add3A_324, %gather3A_332 : vector<16xf32>
      %mul3A_334 = arith.mulf %gather3A_332, %gather3A_332 : vector<16xf32>
      %add3A_335 = arith.addf %add3A_326, %mul3A_334 : vector<16xf32>
      %min3A_336 = arith.minimumf %min3A_327, %gather3A_332 : vector<16xf32>
      %max3A_337 = arith.maximumf %max3A_328, %gather3A_332 : vector<16xf32>
      %add3A_338 = arith.constant 29 : i32
      %add3A_339 = vector.broadcast %add3A_338 : i32 to vector<16xi32>
      %add3A_340 = arith.addi %mul3A_83, %add3A_339 : vector<16xi32>
      %gather3A_341 = tpu.vector_load_idx %arg12[%add3A_340] : memref<512xf32, #tpu.memory_space<vmem>>[vector<16xi32>], vector<16xf32>,
      %add3A_342 = arith.addf %add3A_333, %gather3A_341 : vector<16xf32>
      %mul3A_343 = arith.mulf %gather3A_341, %gather3A_341 : vector<16xf32>
      %add3A_344 = arith.addf %add3A_335, %mul3A_343 : vector<16xf32>
      %min3A_345 = arith.minimumf %min3A_336, %gather3A_341 : vector<16xf32>
      %max3A_346 = arith.maximumf %max3A_337, %gather3A_341 : vector<16xf32>
      %add3A_347 = arith.constant 30 : i32
      %add3A_348 = vector.broadcast %add3A_347 : i32 to vector<16xi32>
      %add3A_349 = arith.addi %mul3A_83, %add3A_348 : vector<16xi32>
      %gather3A_350 = tpu.vector_load_idx %arg12[%add3A_349] : memref<512xf32, #tpu.memory_space<vmem>>[vector<16xi32>], vector<16xf32>,
      %add3A_351 = arith.addf %add3A_342, %gather3A_350 : vector<16xf32>
      %mul3A_352 = arith.mulf %gather3A_350, %gather3A_350 : vector<16xf32>
      %add3A_353 = arith.addf %add3A_344, %mul3A_352 : vector<16xf32>
      %min3A_354 = arith.minimumf %min3A_345, %gather3A_350 : vector<16xf32>
      %max3A_355 = arith.maximumf %max3A_346, %gather3A_350 : vector<16xf32>
      %add3A_356 = arith.constant 31 : i32
      %add3A_357 = vector.broadcast %add3A_356 : i32 to vector<16xi32>
      %add3A_358 = arith.addi %mul3A_83, %add3A_357 : vector<16xi32>
      %gather3A_359 = tpu.vector_load_idx %arg12[%add3A_358] : memref<512xf32, #tpu.memory_space<vmem>>[vector<16xi32>], vector<16xf32>,
      %add3A_360 = arith.addf %add3A_351, %gather3A_359 : vector<16xf32>
      %mul3A_361 = arith.mulf %gather3A_359, %gather3A_359 : vector<16xf32>
      %add3A_362 = arith.addf %add3A_353, %mul3A_361 : vector<16xf32>
      %min3A_363 = arith.minimumf %min3A_354, %gather3A_359 : vector<16xf32>
      %max3A_364 = arith.maximumf %max3A_355, %gather3A_359 : vector<16xf32>
      %mul3A_365 = arith.constant 3.125000e-02 : f32
      %mul3A_366 = vector.broadcast %mul3A_365 : f32 to vector<16xf32>
      %mul3A_367 = arith.mulf %add3A_360, %mul3A_366 : vector<16xf32>
      %mul3A_368 = arith.mulf %add3A_360, %mul3A_367 : vector<16xf32>
      %sub3A = arith.subf %add3A_362, %mul3A_368 : vector<16xf32>
      %mul3A_369 = arith.constant 0.0322580636 : f32
      %mul3A_370 = vector.broadcast %mul3A_369 : f32 to vector<16xf32>
      %mul3A_371 = arith.mulf %sub3A, %mul3A_370 : vector<16xf32>
      %min3A_372 = arith.minimumf %gather3A, %gather3A_91 : vector<16xf32>
      %max3A_373 = arith.maximumf %gather3A, %gather3A_91 : vector<16xf32>
      %min3A_374 = arith.minimumf %gather3A_98, %gather3A_107 : vector<16xf32>
      %max3A_375 = arith.maximumf %gather3A_98, %gather3A_107 : vector<16xf32>
      %min3A_376 = arith.minimumf %gather3A_116, %gather3A_125 : vector<16xf32>
      %max3A_377 = arith.maximumf %gather3A_116, %gather3A_125 : vector<16xf32>
      %min3A_378 = arith.minimumf %gather3A_134, %gather3A_143 : vector<16xf32>
      %max3A_379 = arith.maximumf %gather3A_134, %gather3A_143 : vector<16xf32>
      %min3A_380 = arith.minimumf %gather3A_152, %gather3A_161 : vector<16xf32>
      %max3A_381 = arith.maximumf %gather3A_152, %gather3A_161 : vector<16xf32>
      %min3A_382 = arith.minimumf %gather3A_170, %gather3A_179 : vector<16xf32>
      %max3A_383 = arith.maximumf %gather3A_170, %gather3A_179 : vector<16xf32>
      %min3A_384 = arith.minimumf %gather3A_188, %gather3A_197 : vector<16xf32>
      %max3A_385 = arith.maximumf %gather3A_188, %gather3A_197 : vector<16xf32>
      %min3A_386 = arith.minimumf %gather3A_206, %gather3A_215 : vector<16xf32>
      %max3A_387 = arith.maximumf %gather3A_206, %gather3A_215 : vector<16xf32>
      %min3A_388 = arith.minimumf %min3A_372, %max3A_375 : vector<16xf32>
      %max3A_389 = arith.maximumf %min3A_372, %max3A_375 : vector<16xf32>
      %min3A_390 = arith.minimumf %max3A_373, %min3A_374 : vector<16xf32>
      %max3A_391 = arith.maximumf %max3A_373, %min3A_374 : vector<16xf32>
      %min3A_392 = arith.minimumf %min3A_376, %max3A_379 : vector<16xf32>
      %max3A_393 = arith.maximumf %min3A_376, %max3A_379 : vector<16xf32>
      %min3A_394 = arith.minimumf %max3A_377, %min3A_378 : vector<16xf32>
      %max3A_395 = arith.maximumf %max3A_377, %min3A_378 : vector<16xf32>
      %min3A_396 = arith.minimumf %min3A_380, %max3A_383 : vector<16xf32>
      %max3A_397 = arith.maximumf %min3A_380, %max3A_383 : vector<16xf32>
      %min3A_398 = arith.minimumf %max3A_381, %min3A_382 : vector<16xf32>
      %max3A_399 = arith.maximumf %max3A_381, %min3A_382 : vector<16xf32>
      %min3A_400 = arith.minimumf %min3A_384, %max3A_387 : vector<16xf32>
      %max3A_401 = arith.maximumf %min3A_384, %max3A_387 : vector<16xf32>
      %min3A_402 = arith.minimumf %max3A_385, %min3A_386 : vector<16xf32>
      %max3A_403 = arith.maximumf %max3A_385, %min3A_386 : vector<16xf32>
      %min3A_404 = arith.minimumf %min3A_388, %min3A_390 : vector<16xf32>
      %max3A_405 = arith.maximumf %min3A_388, %min3A_390 : vector<16xf32>
      %min3A_406 = arith.minimumf %max3A_389, %max3A_391 : vector<16xf32>
      %max3A_407 = arith.maximumf %max3A_389, %max3A_391 : vector<16xf32>
      %min3A_408 = arith.minimumf %max3A_393, %max3A_395 : vector<16xf32>
      %max3A_409 = arith.maximumf %max3A_393, %max3A_395 : vector<16xf32>
      %min3A_410 = arith.minimumf %min3A_392, %min3A_394 : vector<16xf32>
      %max3A_411 = arith.maximumf %min3A_392, %min3A_394 : vector<16xf32>
      %min3A_412 = arith.minimumf %min3A_396, %min3A_398 : vector<16xf32>
      %max3A_413 = arith.maximumf %min3A_396, %min3A_398 : vector<16xf32>
      %min3A_414 = arith.minimumf %max3A_397, %max3A_399 : vector<16xf32>
      %max3A_415 = arith.maximumf %max3A_397, %max3A_399 : vector<16xf32>
      %min3A_416 = arith.minimumf %max3A_401, %max3A_403 : vector<16xf32>
      %max3A_417 = arith.maximumf %max3A_401, %max3A_403 : vector<16xf32>
      %min3A_418 = arith.minimumf %min3A_400, %min3A_402 : vector<16xf32>
      %max3A_419 = arith.maximumf %min3A_400, %min3A_402 : vector<16xf32>
      %min3A_420 = arith.minimumf %min3A_404, %max3A_409 : vector<16xf32>
      %max3A_421 = arith.maximumf %min3A_404, %max3A_409 : vector<16xf32>
      %min3A_422 = arith.minimumf %max3A_405, %min3A_408 : vector<16xf32>
      %max3A_423 = arith.maximumf %max3A_405, %min3A_408 : vector<16xf32>
      %min3A_424 = arith.minimumf %min3A_406, %max3A_411 : vector<16xf32>
      %max3A_425 = arith.maximumf %min3A_406, %max3A_411 : vector<16xf32>
      %min3A_426 = arith.minimumf %max3A_407, %min3A_410 : vector<16xf32>
      %max3A_427 = arith.maximumf %max3A_407, %min3A_410 : vector<16xf32>
      %min3A_428 = arith.minimumf %min3A_412, %max3A_417 : vector<16xf32>
      %max3A_429 = arith.maximumf %min3A_412, %max3A_417 : vector<16xf32>
      %min3A_430 = arith.minimumf %max3A_413, %min3A_416 : vector<16xf32>
      %max3A_431 = arith.maximumf %max3A_413, %min3A_416 : vector<16xf32>
      %min3A_432 = arith.minimumf %min3A_414, %max3A_419 : vector<16xf32>
      %max3A_433 = arith.maximumf %min3A_414, %max3A_419 : vector<16xf32>
      %min3A_434 = arith.minimumf %max3A_415, %min3A_418 : vector<16xf32>
      %max3A_435 = arith.maximumf %max3A_415, %min3A_418 : vector<16xf32>
      %min3A_436 = arith.minimumf %min3A_420, %min3A_424 : vector<16xf32>
      %max3A_437 = arith.maximumf %min3A_420, %min3A_424 : vector<16xf32>
      %min3A_438 = arith.minimumf %min3A_422, %min3A_426 : vector<16xf32>
      %max3A_439 = arith.maximumf %min3A_422, %min3A_426 : vector<16xf32>
      %min3A_440 = arith.minimumf %max3A_421, %max3A_425 : vector<16xf32>
      %max3A_441 = arith.maximumf %max3A_421, %max3A_425 : vector<16xf32>
      %min3A_442 = arith.minimumf %max3A_423, %max3A_427 : vector<16xf32>
      %max3A_443 = arith.maximumf %max3A_423, %max3A_427 : vector<16xf32>
      %min3A_444 = arith.minimumf %max3A_429, %max3A_433 : vector<16xf32>
      %max3A_445 = arith.maximumf %max3A_429, %max3A_433 : vector<16xf32>
      %min3A_446 = arith.minimumf %max3A_431, %max3A_435 : vector<16xf32>
      %max3A_447 = arith.maximumf %max3A_431, %max3A_435 : vector<16xf32>
      %min3A_448 = arith.minimumf %min3A_428, %min3A_432 : vector<16xf32>
      %max3A_449 = arith.maximumf %min3A_428, %min3A_432 : vector<16xf32>
      %min3A_450 = arith.minimumf %min3A_430, %min3A_434 : vector<16xf32>
      %max3A_451 = arith.maximumf %min3A_430, %min3A_434 : vector<16xf32>
      %min3A_452 = arith.minimumf %min3A_436, %min3A_438 : vector<16xf32>
      %max3A_453 = arith.maximumf %min3A_436, %min3A_438 : vector<16xf32>
      %min3A_454 = arith.minimumf %max3A_437, %max3A_439 : vector<16xf32>
      %max3A_455 = arith.maximumf %max3A_437, %max3A_439 : vector<16xf32>
      %min3A_456 = arith.minimumf %min3A_440, %min3A_442 : vector<16xf32>
      %max3A_457 = arith.maximumf %min3A_440, %min3A_442 : vector<16xf32>
      %min3A_458 = arith.minimumf %max3A_441, %max3A_443 : vector<16xf32>
      %max3A_459 = arith.maximumf %max3A_441, %max3A_443 : vector<16xf32>
      %min3A_460 = arith.minimumf %max3A_445, %max3A_447 : vector<16xf32>
      %max3A_461 = arith.maximumf %max3A_445, %max3A_447 : vector<16xf32>
      %min3A_462 = arith.minimumf %min3A_444, %min3A_446 : vector<16xf32>
      %max3A_463 = arith.maximumf %min3A_444, %min3A_446 : vector<16xf32>
      %min3A_464 = arith.minimumf %max3A_449, %max3A_451 : vector<16xf32>
      %max3A_465 = arith.maximumf %max3A_449, %max3A_451 : vector<16xf32>
      %min3A_466 = arith.minimumf %min3A_448, %min3A_450 : vector<16xf32>
      %max3A_467 = arith.maximumf %min3A_448, %min3A_450 : vector<16xf32>
      %min3A_468 = arith.minimumf %min3A_452, %max3A_461 : vector<16xf32>
      %max3A_469 = arith.maximumf %min3A_452, %max3A_461 : vector<16xf32>
      %min3A_470 = arith.minimumf %max3A_453, %min3A_460 : vector<16xf32>
      %max3A_471 = arith.maximumf %max3A_453, %min3A_460 : vector<16xf32>
      %min3A_472 = arith.minimumf %min3A_454, %max3A_463 : vector<16xf32>
      %max3A_473 = arith.maximumf %min3A_454, %max3A_463 : vector<16xf32>
      %min3A_474 = arith.minimumf %max3A_455, %min3A_462 : vector<16xf32>
      %max3A_475 = arith.maximumf %max3A_455, %min3A_462 : vector<16xf32>
      %min3A_476 = arith.minimumf %min3A_456, %max3A_465 : vector<16xf32>
      %max3A_477 = arith.maximumf %min3A_456, %max3A_465 : vector<16xf32>
      %min3A_478 = arith.minimumf %max3A_457, %min3A_464 : vector<16xf32>
      %max3A_479 = arith.maximumf %max3A_457, %min3A_464 : vector<16xf32>
      %min3A_480 = arith.minimumf %min3A_458, %max3A_467 : vector<16xf32>
      %max3A_481 = arith.maximumf %min3A_458, %max3A_467 : vector<16xf32>
      %min3A_482 = arith.minimumf %max3A_459, %min3A_466 : vector<16xf32>
      %max3A_483 = arith.maximumf %max3A_459, %min3A_466 : vector<16xf32>
      %min3A_484 = arith.minimumf %min3A_468, %min3A_476 : vector<16xf32>
      %max3A_485 = arith.maximumf %min3A_468, %min3A_476 : vector<16xf32>
      %min3A_486 = arith.minimumf %min3A_470, %min3A_478 : vector<16xf32>
      %max3A_487 = arith.maximumf %min3A_470, %min3A_478 : vector<16xf32>
      %min3A_488 = arith.minimumf %min3A_472, %min3A_480 : vector<16xf32>
      %max3A_489 = arith.maximumf %min3A_472, %min3A_480 : vector<16xf32>
      %min3A_490 = arith.minimumf %min3A_474, %min3A_482 : vector<16xf32>
      %max3A_491 = arith.maximumf %min3A_474, %min3A_482 : vector<16xf32>
      %min3A_492 = arith.minimumf %max3A_469, %max3A_477 : vector<16xf32>
      %max3A_493 = arith.maximumf %max3A_469, %max3A_477 : vector<16xf32>
      %min3A_494 = arith.minimumf %max3A_471, %max3A_479 : vector<16xf32>
      %max3A_495 = arith.maximumf %max3A_471, %max3A_479 : vector<16xf32>
      %min3A_496 = arith.minimumf %max3A_473, %max3A_481 : vector<16xf32>
      %max3A_497 = arith.maximumf %max3A_473, %max3A_481 : vector<16xf32>
      %min3A_498 = arith.minimumf %max3A_475, %max3A_483 : vector<16xf32>
      %max3A_499 = arith.maximumf %max3A_475, %max3A_483 : vector<16xf32>
      %min3A_500 = arith.minimumf %min3A_484, %min3A_488 : vector<16xf32>
      %max3A_501 = arith.maximumf %min3A_484, %min3A_488 : vector<16xf32>
      %min3A_502 = arith.minimumf %min3A_486, %min3A_490 : vector<16xf32>
      %max3A_503 = arith.maximumf %min3A_486, %min3A_490 : vector<16xf32>
      %min3A_504 = arith.minimumf %max3A_485, %max3A_489 : vector<16xf32>
      %max3A_505 = arith.maximumf %max3A_485, %max3A_489 : vector<16xf32>
      %min3A_506 = arith.minimumf %max3A_487, %max3A_491 : vector<16xf32>
      %max3A_507 = arith.maximumf %max3A_487, %max3A_491 : vector<16xf32>
      %min3A_508 = arith.minimumf %min3A_492, %min3A_496 : vector<16xf32>
      %max3A_509 = arith.maximumf %min3A_492, %min3A_496 : vector<16xf32>
      %min3A_510 = arith.minimumf %min3A_494, %min3A_498 : vector<16xf32>
      %max3A_511 = arith.maximumf %min3A_494, %min3A_498 : vector<16xf32>
      %min3A_512 = arith.minimumf %max3A_493, %max3A_497 : vector<16xf32>
      %max3A_513 = arith.maximumf %max3A_493, %max3A_497 : vector<16xf32>
      %min3A_514 = arith.minimumf %max3A_495, %max3A_499 : vector<16xf32>
      %max3A_515 = arith.maximumf %max3A_495, %max3A_499 : vector<16xf32>
      %min3A_516 = arith.minimumf %min3A_500, %min3A_502 : vector<16xf32>
      %max3A_517 = arith.maximumf %min3A_500, %min3A_502 : vector<16xf32>
      %min3A_518 = arith.minimumf %max3A_501, %max3A_503 : vector<16xf32>
      %max3A_519 = arith.maximumf %max3A_501, %max3A_503 : vector<16xf32>
      %min3A_520 = arith.minimumf %min3A_504, %min3A_506 : vector<16xf32>
      %max3A_521 = arith.maximumf %min3A_504, %min3A_506 : vector<16xf32>
      %min3A_522 = arith.minimumf %max3A_505, %max3A_507 : vector<16xf32>
      %max3A_523 = arith.maximumf %max3A_505, %max3A_507 : vector<16xf32>
      %min3A_524 = arith.minimumf %min3A_508, %min3A_510 : vector<16xf32>
      %max3A_525 = arith.maximumf %min3A_508, %min3A_510 : vector<16xf32>
      %min3A_526 = arith.minimumf %max3A_509, %max3A_511 : vector<16xf32>
      %max3A_527 = arith.maximumf %max3A_509, %max3A_511 : vector<16xf32>
      %min3A_528 = arith.minimumf %min3A_512, %min3A_514 : vector<16xf32>
      %max3A_529 = arith.maximumf %min3A_512, %min3A_514 : vector<16xf32>
      %min3A_530 = arith.minimumf %max3A_513, %max3A_515 : vector<16xf32>
      %max3A_531 = arith.maximumf %max3A_513, %max3A_515 : vector<16xf32>
      %min3A_532 = arith.minimumf %gather3A_224, %gather3A_233 : vector<16xf32>
      %max3A_533 = arith.maximumf %gather3A_224, %gather3A_233 : vector<16xf32>
      %min3A_534 = arith.minimumf %gather3A_242, %gather3A_251 : vector<16xf32>
      %max3A_535 = arith.maximumf %gather3A_242, %gather3A_251 : vector<16xf32>
      %min3A_536 = arith.minimumf %gather3A_260, %gather3A_269 : vector<16xf32>
      %max3A_537 = arith.maximumf %gather3A_260, %gather3A_269 : vector<16xf32>
      %min3A_538 = arith.minimumf %gather3A_278, %gather3A_287 : vector<16xf32>
      %max3A_539 = arith.maximumf %gather3A_278, %gather3A_287 : vector<16xf32>
      %min3A_540 = arith.minimumf %gather3A_296, %gather3A_305 : vector<16xf32>
      %max3A_541 = arith.maximumf %gather3A_296, %gather3A_305 : vector<16xf32>
      %min3A_542 = arith.minimumf %gather3A_314, %gather3A_323 : vector<16xf32>
      %max3A_543 = arith.maximumf %gather3A_314, %gather3A_323 : vector<16xf32>
      %min3A_544 = arith.minimumf %gather3A_332, %gather3A_341 : vector<16xf32>
      %max3A_545 = arith.maximumf %gather3A_332, %gather3A_341 : vector<16xf32>
      %min3A_546 = arith.minimumf %gather3A_350, %gather3A_359 : vector<16xf32>
      %max3A_547 = arith.maximumf %gather3A_350, %gather3A_359 : vector<16xf32>
      %min3A_548 = arith.minimumf %min3A_532, %max3A_535 : vector<16xf32>
      %max3A_549 = arith.maximumf %min3A_532, %max3A_535 : vector<16xf32>
      %min3A_550 = arith.minimumf %max3A_533, %min3A_534 : vector<16xf32>
      %max3A_551 = arith.maximumf %max3A_533, %min3A_534 : vector<16xf32>
      %min3A_552 = arith.minimumf %min3A_536, %max3A_539 : vector<16xf32>
      %max3A_553 = arith.maximumf %min3A_536, %max3A_539 : vector<16xf32>
      %min3A_554 = arith.minimumf %max3A_537, %min3A_538 : vector<16xf32>
      %max3A_555 = arith.maximumf %max3A_537, %min3A_538 : vector<16xf32>
      %min3A_556 = arith.minimumf %min3A_540, %max3A_543 : vector<16xf32>
      %max3A_557 = arith.maximumf %min3A_540, %max3A_543 : vector<16xf32>
      %min3A_558 = arith.minimumf %max3A_541, %min3A_542 : vector<16xf32>
      %max3A_559 = arith.maximumf %max3A_541, %min3A_542 : vector<16xf32>
      %min3A_560 = arith.minimumf %min3A_544, %max3A_547 : vector<16xf32>
      %max3A_561 = arith.maximumf %min3A_544, %max3A_547 : vector<16xf32>
      %min3A_562 = arith.minimumf %max3A_545, %min3A_546 : vector<16xf32>
      %max3A_563 = arith.maximumf %max3A_545, %min3A_546 : vector<16xf32>
      %min3A_564 = arith.minimumf %min3A_548, %min3A_550 : vector<16xf32>
      %max3A_565 = arith.maximumf %min3A_548, %min3A_550 : vector<16xf32>
      %min3A_566 = arith.minimumf %max3A_549, %max3A_551 : vector<16xf32>
      %max3A_567 = arith.maximumf %max3A_549, %max3A_551 : vector<16xf32>
      %min3A_568 = arith.minimumf %max3A_553, %max3A_555 : vector<16xf32>
      %max3A_569 = arith.maximumf %max3A_553, %max3A_555 : vector<16xf32>
      %min3A_570 = arith.minimumf %min3A_552, %min3A_554 : vector<16xf32>
      %max3A_571 = arith.maximumf %min3A_552, %min3A_554 : vector<16xf32>
      %min3A_572 = arith.minimumf %min3A_556, %min3A_558 : vector<16xf32>
      %max3A_573 = arith.maximumf %min3A_556, %min3A_558 : vector<16xf32>
      %min3A_574 = arith.minimumf %max3A_557, %max3A_559 : vector<16xf32>
      %max3A_575 = arith.maximumf %max3A_557, %max3A_559 : vector<16xf32>
      %min3A_576 = arith.minimumf %max3A_561, %max3A_563 : vector<16xf32>
      %max3A_577 = arith.maximumf %max3A_561, %max3A_563 : vector<16xf32>
      %min3A_578 = arith.minimumf %min3A_560, %min3A_562 : vector<16xf32>
      %max3A_579 = arith.maximumf %min3A_560, %min3A_562 : vector<16xf32>
      %min3A_580 = arith.minimumf %min3A_564, %max3A_569 : vector<16xf32>
      %max3A_581 = arith.maximumf %min3A_564, %max3A_569 : vector<16xf32>
      %min3A_582 = arith.minimumf %max3A_565, %min3A_568 : vector<16xf32>
      %max3A_583 = arith.maximumf %max3A_565, %min3A_568 : vector<16xf32>
      %min3A_584 = arith.minimumf %min3A_566, %max3A_571 : vector<16xf32>
      %max3A_585 = arith.maximumf %min3A_566, %max3A_571 : vector<16xf32>
      %min3A_586 = arith.minimumf %max3A_567, %min3A_570 : vector<16xf32>
      %max3A_587 = arith.maximumf %max3A_567, %min3A_570 : vector<16xf32>
      %min3A_588 = arith.minimumf %min3A_572, %max3A_577 : vector<16xf32>
      %max3A_589 = arith.maximumf %min3A_572, %max3A_577 : vector<16xf32>
      %min3A_590 = arith.minimumf %max3A_573, %min3A_576 : vector<16xf32>
      %max3A_591 = arith.maximumf %max3A_573, %min3A_576 : vector<16xf32>
      %min3A_592 = arith.minimumf %min3A_574, %max3A_579 : vector<16xf32>
      %max3A_593 = arith.maximumf %min3A_574, %max3A_579 : vector<16xf32>
      %min3A_594 = arith.minimumf %max3A_575, %min3A_578 : vector<16xf32>
      %max3A_595 = arith.maximumf %max3A_575, %min3A_578 : vector<16xf32>
      %min3A_596 = arith.minimumf %min3A_580, %min3A_584 : vector<16xf32>
      %max3A_597 = arith.maximumf %min3A_580, %min3A_584 : vector<16xf32>
      %min3A_598 = arith.minimumf %min3A_582, %min3A_586 : vector<16xf32>
      %max3A_599 = arith.maximumf %min3A_582, %min3A_586 : vector<16xf32>
      %min3A_600 = arith.minimumf %max3A_581, %max3A_585 : vector<16xf32>
      %max3A_601 = arith.maximumf %max3A_581, %max3A_585 : vector<16xf32>
      %min3A_602 = arith.minimumf %max3A_583, %max3A_587 : vector<16xf32>
      %max3A_603 = arith.maximumf %max3A_583, %max3A_587 : vector<16xf32>
      %min3A_604 = arith.minimumf %max3A_589, %max3A_593 : vector<16xf32>
      %max3A_605 = arith.maximumf %max3A_589, %max3A_593 : vector<16xf32>
      %min3A_606 = arith.minimumf %max3A_591, %max3A_595 : vector<16xf32>
      %max3A_607 = arith.maximumf %max3A_591, %max3A_595 : vector<16xf32>
      %min3A_608 = arith.minimumf %min3A_588, %min3A_592 : vector<16xf32>
      %max3A_609 = arith.maximumf %min3A_588, %min3A_592 : vector<16xf32>
      %min3A_610 = arith.minimumf %min3A_590, %min3A_594 : vector<16xf32>
      %max3A_611 = arith.maximumf %min3A_590, %min3A_594 : vector<16xf32>
      %min3A_612 = arith.minimumf %min3A_596, %min3A_598 : vector<16xf32>
      %max3A_613 = arith.maximumf %min3A_596, %min3A_598 : vector<16xf32>
      %min3A_614 = arith.minimumf %max3A_597, %max3A_599 : vector<16xf32>
      %max3A_615 = arith.maximumf %max3A_597, %max3A_599 : vector<16xf32>
      %min3A_616 = arith.minimumf %min3A_600, %min3A_602 : vector<16xf32>
      %max3A_617 = arith.maximumf %min3A_600, %min3A_602 : vector<16xf32>
      %min3A_618 = arith.minimumf %max3A_601, %max3A_603 : vector<16xf32>
      %max3A_619 = arith.maximumf %max3A_601, %max3A_603 : vector<16xf32>
      %min3A_620 = arith.minimumf %max3A_605, %max3A_607 : vector<16xf32>
      %max3A_621 = arith.maximumf %max3A_605, %max3A_607 : vector<16xf32>
      %min3A_622 = arith.minimumf %min3A_604, %min3A_606 : vector<16xf32>
      %max3A_623 = arith.maximumf %min3A_604, %min3A_606 : vector<16xf32>
      %min3A_624 = arith.minimumf %max3A_609, %max3A_611 : vector<16xf32>
      %max3A_625 = arith.maximumf %max3A_609, %max3A_611 : vector<16xf32>
      %min3A_626 = arith.minimumf %min3A_608, %min3A_610 : vector<16xf32>
      %max3A_627 = arith.maximumf %min3A_608, %min3A_610 : vector<16xf32>
      %min3A_628 = arith.minimumf %min3A_612, %max3A_621 : vector<16xf32>
      %max3A_629 = arith.maximumf %min3A_612, %max3A_621 : vector<16xf32>
      %min3A_630 = arith.minimumf %max3A_613, %min3A_620 : vector<16xf32>
      %max3A_631 = arith.maximumf %max3A_613, %min3A_620 : vector<16xf32>
      %min3A_632 = arith.minimumf %min3A_614, %max3A_623 : vector<16xf32>
      %max3A_633 = arith.maximumf %min3A_614, %max3A_623 : vector<16xf32>
      %min3A_634 = arith.minimumf %max3A_615, %min3A_622 : vector<16xf32>
      %max3A_635 = arith.maximumf %max3A_615, %min3A_622 : vector<16xf32>
      %min3A_636 = arith.minimumf %min3A_616, %max3A_625 : vector<16xf32>
      %max3A_637 = arith.maximumf %min3A_616, %max3A_625 : vector<16xf32>
      %min3A_638 = arith.minimumf %max3A_617, %min3A_624 : vector<16xf32>
      %max3A_639 = arith.maximumf %max3A_617, %min3A_624 : vector<16xf32>
      %min3A_640 = arith.minimumf %min3A_618, %max3A_627 : vector<16xf32>
      %max3A_641 = arith.maximumf %min3A_618, %max3A_627 : vector<16xf32>
      %min3A_642 = arith.minimumf %max3A_619, %min3A_626 : vector<16xf32>
      %max3A_643 = arith.maximumf %max3A_619, %min3A_626 : vector<16xf32>
      %min3A_644 = arith.minimumf %min3A_628, %min3A_636 : vector<16xf32>
      %max3A_645 = arith.maximumf %min3A_628, %min3A_636 : vector<16xf32>
      %min3A_646 = arith.minimumf %min3A_630, %min3A_638 : vector<16xf32>
      %max3A_647 = arith.maximumf %min3A_630, %min3A_638 : vector<16xf32>
      %min3A_648 = arith.minimumf %min3A_632, %min3A_640 : vector<16xf32>
      %max3A_649 = arith.maximumf %min3A_632, %min3A_640 : vector<16xf32>
      %min3A_650 = arith.minimumf %min3A_634, %min3A_642 : vector<16xf32>
      %max3A_651 = arith.maximumf %min3A_634, %min3A_642 : vector<16xf32>
      %min3A_652 = arith.minimumf %max3A_629, %max3A_637 : vector<16xf32>
      %max3A_653 = arith.maximumf %max3A_629, %max3A_637 : vector<16xf32>
      %min3A_654 = arith.minimumf %max3A_631, %max3A_639 : vector<16xf32>
      %max3A_655 = arith.maximumf %max3A_631, %max3A_639 : vector<16xf32>
      %min3A_656 = arith.minimumf %max3A_633, %max3A_641 : vector<16xf32>
      %max3A_657 = arith.maximumf %max3A_633, %max3A_641 : vector<16xf32>
      %min3A_658 = arith.minimumf %max3A_635, %max3A_643 : vector<16xf32>
      %max3A_659 = arith.maximumf %max3A_635, %max3A_643 : vector<16xf32>
      %min3A_660 = arith.minimumf %min3A_644, %min3A_648 : vector<16xf32>
      %max3A_661 = arith.maximumf %min3A_644, %min3A_648 : vector<16xf32>
      %min3A_662 = arith.minimumf %min3A_646, %min3A_650 : vector<16xf32>
      %max3A_663 = arith.maximumf %min3A_646, %min3A_650 : vector<16xf32>
      %min3A_664 = arith.minimumf %max3A_645, %max3A_649 : vector<16xf32>
      %max3A_665 = arith.maximumf %max3A_645, %max3A_649 : vector<16xf32>
      %min3A_666 = arith.minimumf %max3A_647, %max3A_651 : vector<16xf32>
      %max3A_667 = arith.maximumf %max3A_647, %max3A_651 : vector<16xf32>
      %min3A_668 = arith.minimumf %min3A_652, %min3A_656 : vector<16xf32>
      %max3A_669 = arith.maximumf %min3A_652, %min3A_656 : vector<16xf32>
      %min3A_670 = arith.minimumf %min3A_654, %min3A_658 : vector<16xf32>
      %max3A_671 = arith.maximumf %min3A_654, %min3A_658 : vector<16xf32>
      %min3A_672 = arith.minimumf %max3A_653, %max3A_657 : vector<16xf32>
      %max3A_673 = arith.maximumf %max3A_653, %max3A_657 : vector<16xf32>
      %min3A_674 = arith.minimumf %max3A_655, %max3A_659 : vector<16xf32>
      %max3A_675 = arith.maximumf %max3A_655, %max3A_659 : vector<16xf32>
      %min3A_676 = arith.minimumf %min3A_660, %min3A_662 : vector<16xf32>
      %max3A_677 = arith.maximumf %min3A_660, %min3A_662 : vector<16xf32>
      %min3A_678 = arith.minimumf %max3A_661, %max3A_663 : vector<16xf32>
      %max3A_679 = arith.maximumf %max3A_661, %max3A_663 : vector<16xf32>
      %min3A_680 = arith.minimumf %min3A_664, %min3A_666 : vector<16xf32>
      %max3A_681 = arith.maximumf %min3A_664, %min3A_666 : vector<16xf32>
      %min3A_682 = arith.minimumf %max3A_665, %max3A_667 : vector<16xf32>
      %max3A_683 = arith.maximumf %max3A_665, %max3A_667 : vector<16xf32>
      %min3A_684 = arith.minimumf %min3A_668, %min3A_670 : vector<16xf32>
      %max3A_685 = arith.maximumf %min3A_668, %min3A_670 : vector<16xf32>
      %min3A_686 = arith.minimumf %max3A_669, %max3A_671 : vector<16xf32>
      %max3A_687 = arith.maximumf %max3A_669, %max3A_671 : vector<16xf32>
      %min3A_688 = arith.minimumf %min3A_672, %min3A_674 : vector<16xf32>
      %max3A_689 = arith.maximumf %min3A_672, %min3A_674 : vector<16xf32>
      %min3A_690 = arith.minimumf %max3A_673, %max3A_675 : vector<16xf32>
      %max3A_691 = arith.maximumf %max3A_673, %max3A_675 : vector<16xf32>
      %min3A_692 = arith.minimumf %min3A_516, %max3A_691 : vector<16xf32>
      %min3A_693 = arith.minimumf %max3A_517, %min3A_690 : vector<16xf32>
      %min3A_694 = arith.minimumf %min3A_518, %max3A_689 : vector<16xf32>
      %min3A_695 = arith.minimumf %max3A_519, %min3A_688 : vector<16xf32>
      %min3A_696 = arith.minimumf %min3A_520, %max3A_687 : vector<16xf32>
      %min3A_697 = arith.minimumf %max3A_521, %min3A_686 : vector<16xf32>
      %min3A_698 = arith.minimumf %min3A_522, %max3A_685 : vector<16xf32>
      %min3A_699 = arith.minimumf %max3A_523, %min3A_684 : vector<16xf32>
      %min3A_700 = arith.minimumf %min3A_524, %max3A_683 : vector<16xf32>
      %min3A_701 = arith.minimumf %max3A_525, %min3A_682 : vector<16xf32>
      %min3A_702 = arith.minimumf %min3A_526, %max3A_681 : vector<16xf32>
      %min3A_703 = arith.minimumf %max3A_527, %min3A_680 : vector<16xf32>
      %min3A_704 = arith.minimumf %min3A_528, %max3A_679 : vector<16xf32>
      %min3A_705 = arith.minimumf %max3A_529, %min3A_678 : vector<16xf32>
      %min3A_706 = arith.minimumf %min3A_530, %max3A_677 : vector<16xf32>
      %min3A_707 = arith.minimumf %max3A_531, %min3A_676 : vector<16xf32>
      %max3A_708 = arith.maximumf %min3A_692, %min3A_693 : vector<16xf32>
      %max3A_709 = arith.maximumf %max3A_708, %min3A_694 : vector<16xf32>
      %max3A_710 = arith.maximumf %max3A_709, %min3A_695 : vector<16xf32>
      %max3A_711 = arith.maximumf %max3A_710, %min3A_696 : vector<16xf32>
      %max3A_712 = arith.maximumf %max3A_711, %min3A_697 : vector<16xf32>
      %max3A_713 = arith.maximumf %max3A_712, %min3A_698 : vector<16xf32>
      %max3A_714 = arith.maximumf %max3A_713, %min3A_699 : vector<16xf32>
      %max3A_715 = arith.maximumf %max3A_714, %min3A_700 : vector<16xf32>
      %max3A_716 = arith.maximumf %max3A_715, %min3A_701 : vector<16xf32>
      %max3A_717 = arith.maximumf %max3A_716, %min3A_702 : vector<16xf32>
      %max3A_718 = arith.maximumf %max3A_717, %min3A_703 : vector<16xf32>
      %max3A_719 = arith.maximumf %max3A_718, %min3A_704 : vector<16xf32>
      %max3A_720 = arith.maximumf %max3A_719, %min3A_705 : vector<16xf32>
      %max3A_721 = arith.maximumf %max3A_720, %min3A_706 : vector<16xf32>
      %max3A_722 = arith.maximumf %max3A_721, %min3A_707 : vector<16xf32>
      %mul3A_723 = arith.constant 16 : i32
      %mul3A_724 = arith.muli %add3A_76, %mul3A_723 : i32
      %swap3A = arith.index_cast %mul3A_724 : i32 to index
      %swap3A_725 = tpu.vector_load %arg14[%swap3A] {strides = array<i32>} : memref<800xf32, #tpu.memory_space<vmem>>, vector<16xf32>,
      tpu.vector_store %arg14[%swap3A], %mul3A_367 {strides = array<i32>} : memref<800xf32, #tpu.memory_space<vmem>>, vector<16xf32>,
      %swap3A_726 = arith.index_cast %mul3A_724 : i32 to index
      %swap3A_727 = tpu.vector_load %arg15[%swap3A_726] {strides = array<i32>} : memref<800xf32, #tpu.memory_space<vmem>>, vector<16xf32>,
      tpu.vector_store %arg15[%swap3A_726], %mul3A_371 {strides = array<i32>} : memref<800xf32, #tpu.memory_space<vmem>>, vector<16xf32>,
      %swap3A_728 = arith.index_cast %mul3A_724 : i32 to index
      %swap3A_729 = tpu.vector_load %arg16[%swap3A_728] {strides = array<i32>} : memref<800xf32, #tpu.memory_space<vmem>>, vector<16xf32>,
      tpu.vector_store %arg16[%swap3A_728], %min3A_363 {strides = array<i32>} : memref<800xf32, #tpu.memory_space<vmem>>, vector<16xf32>,
      %swap3A_730 = arith.index_cast %mul3A_724 : i32 to index
      %swap3A_731 = tpu.vector_load %arg17[%swap3A_730] {strides = array<i32>} : memref<800xf32, #tpu.memory_space<vmem>>, vector<16xf32>,
      tpu.vector_store %arg17[%swap3A_730], %max3A_722 {strides = array<i32>} : memref<800xf32, #tpu.memory_space<vmem>>, vector<16xf32>,
      %swap3A_732 = arith.index_cast %mul3A_724 : i32 to index
      %swap3A_733 = tpu.vector_load %arg18[%swap3A_732] {strides = array<i32>} : memref<800xf32, #tpu.memory_space<vmem>>, vector<16xf32>,
      tpu.vector_store %arg18[%swap3A_732], %max3A_364 {strides = array<i32>} : memref<800xf32, #tpu.memory_space<vmem>>, vector<16xf32>,
      %add3A_734 = arith.constant 2 : i32
      %add3A_735 = arith.addi %add3A_76, %add3A_734 : i32
      %mul3A_736 = arith.constant 512 : i32
      %mul3A_737 = arith.muli %add3A_735, %mul3A_736 : i32
      %add3A_738 = arith.constant 0 : i32
      %add3A_739 = arith.addi %mul3A_737, %add3A_738 : i32
      %dma_start3A_740 = arith.constant 0 : i32
      %dma_start3A_741 = tpu.memref_slice %arg12[%dma_start3A_740] : memref<512xf32, #tpu.memory_space<vmem>> -> memref<128xf32, #tpu.memory_space<vmem>>
      %dma_start3A_742 = tpu.memref_slice %arg11[%add3A_739] : memref<26624xi32, #tpu.memory_space<vmem>> -> memref<128xi32, #tpu.memory_space<vmem>>
      %dma_start3A_743 = arith.constant 0 : i32
      %dma_start3A_744 = tpu.memref_slice %arg9[%dma_start3A_743] : memref<800000xf32, #tpu.memory_space<vmem_shared>> -> memref<800000xf32, #tpu.memory_space<vmem_shared>>
      tpu.enqueue_indirect_dma source(%dma_start3A_744 : memref<800000xf32, #tpu.memory_space<vmem_shared>>) target(%dma_start3A_741 : memref<128xf32, #tpu.memory_space<vmem>>) offsets(%dma_start3A_742 : memref<128xi32, #tpu.memory_space<vmem>>) semaphore(%arg19 : memref<!tpu.dma_semaphore, #tpu.memory_space<semaphore_mem>>)
      %mul3A_745 = arith.constant 512 : i32
      %mul3A_746 = arith.muli %add3A_735, %mul3A_745 : i32
      %add3A_747 = arith.constant 128 : i32
      %add3A_748 = arith.addi %mul3A_746, %add3A_747 : i32
      %dma_start3A_749 = arith.constant 128 : i32
      %dma_start3A_750 = tpu.memref_slice %arg12[%dma_start3A_749] : memref<512xf32, #tpu.memory_space<vmem>> -> memref<128xf32, #tpu.memory_space<vmem>>
      %dma_start3A_751 = tpu.memref_slice %arg11[%add3A_748] : memref<26624xi32, #tpu.memory_space<vmem>> -> memref<128xi32, #tpu.memory_space<vmem>>
      %dma_start3A_752 = arith.constant 0 : i32
      %dma_start3A_753 = tpu.memref_slice %arg9[%dma_start3A_752] : memref<800000xf32, #tpu.memory_space<vmem_shared>> -> memref<800000xf32, #tpu.memory_space<vmem_shared>>
      tpu.enqueue_indirect_dma source(%dma_start3A_753 : memref<800000xf32, #tpu.memory_space<vmem_shared>>) target(%dma_start3A_750 : memref<128xf32, #tpu.memory_space<vmem>>) offsets(%dma_start3A_751 : memref<128xi32, #tpu.memory_space<vmem>>) semaphore(%arg19 : memref<!tpu.dma_semaphore, #tpu.memory_space<semaphore_mem>>)
      %mul3A_754 = arith.constant 512 : i32
      %mul3A_755 = arith.muli %add3A_735, %mul3A_754 : i32
      %add3A_756 = arith.constant 256 : i32
      %add3A_757 = arith.addi %mul3A_755, %add3A_756 : i32
      %dma_start3A_758 = arith.constant 256 : i32
      %dma_start3A_759 = tpu.memref_slice %arg12[%dma_start3A_758] : memref<512xf32, #tpu.memory_space<vmem>> -> memref<128xf32, #tpu.memory_space<vmem>>
      %dma_start3A_760 = tpu.memref_slice %arg11[%add3A_757] : memref<26624xi32, #tpu.memory_space<vmem>> -> memref<128xi32, #tpu.memory_space<vmem>>
      %dma_start3A_761 = arith.constant 0 : i32
      %dma_start3A_762 = tpu.memref_slice %arg9[%dma_start3A_761] : memref<800000xf32, #tpu.memory_space<vmem_shared>> -> memref<800000xf32, #tpu.memory_space<vmem_shared>>
      tpu.enqueue_indirect_dma source(%dma_start3A_762 : memref<800000xf32, #tpu.memory_space<vmem_shared>>) target(%dma_start3A_759 : memref<128xf32, #tpu.memory_space<vmem>>) offsets(%dma_start3A_760 : memref<128xi32, #tpu.memory_space<vmem>>) semaphore(%arg19 : memref<!tpu.dma_semaphore, #tpu.memory_space<semaphore_mem>>)
      %mul3A_763 = arith.constant 512 : i32
      %mul3A_764 = arith.muli %add3A_735, %mul3A_763 : i32
      %add3A_765 = arith.constant 384 : i32
      %add3A_766 = arith.addi %mul3A_764, %add3A_765 : i32
      %dma_start3A_767 = arith.constant 384 : i32
      %dma_start3A_768 = tpu.memref_slice %arg12[%dma_start3A_767] : memref<512xf32, #tpu.memory_space<vmem>> -> memref<128xf32, #tpu.memory_space<vmem>>
      %dma_start3A_769 = tpu.memref_slice %arg11[%add3A_766] : memref<26624xi32, #tpu.memory_space<vmem>> -> memref<128xi32, #tpu.memory_space<vmem>>
      %dma_start3A_770 = arith.constant 0 : i32
      %dma_start3A_771 = tpu.memref_slice %arg9[%dma_start3A_770] : memref<800000xf32, #tpu.memory_space<vmem_shared>> -> memref<800000xf32, #tpu.memory_space<vmem_shared>>
      tpu.enqueue_indirect_dma source(%dma_start3A_771 : memref<800000xf32, #tpu.memory_space<vmem_shared>>) target(%dma_start3A_768 : memref<128xf32, #tpu.memory_space<vmem>>) offsets(%dma_start3A_769 : memref<128xi32, #tpu.memory_space<vmem>>) semaphore(%arg19 : memref<!tpu.dma_semaphore, #tpu.memory_space<semaphore_mem>>)
      %mul3A_772 = arith.constant 2 : i32
      %mul3A_773 = arith.muli %mul3A_772, %scan3A_72 : i32
      %add3A_774 = arith.constant 1 : i32
      %add3A_775 = arith.addi %mul3A_773, %add3A_774 : i32
      %dma_wait3A_776 = arith.constant 0 : i32
      %dma_wait3A_777 = tpu.memref_slice %arg9[%dma_wait3A_776] : memref<800000xf32, #tpu.memory_space<vmem_shared>> -> memref<512xf32, #tpu.memory_space<vmem_shared>>
      %dma_wait3A_778 = arith.constant 0 : i32
      %dma_wait3A_779 = tpu.memref_slice %arg9[%dma_wait3A_778] : memref<800000xf32, #tpu.memory_space<vmem_shared>> -> memref<512xf32, #tpu.memory_space<vmem_shared>>
      tpu.wait_dma2 semaphore(%arg20 : memref<!tpu.dma_semaphore, #tpu.memory_space<semaphore_mem>>) src(%dma_wait3A_779 : memref<512xf32, #tpu.memory_space<vmem_shared>>) dst(%arg13 : memref<512xf32, #tpu.memory_space<vmem>>)
      %iota3A_780 = tpu.iota {dimensions = array<i32: 0>} : vector<16xi32>
      %mul3A_781 = arith.constant 32 : i32
      %mul3A_782 = vector.broadcast %mul3A_781 : i32 to vector<16xi32>
      %mul3A_783 = arith.muli %iota3A_780, %mul3A_782 : vector<16xi32>
      %add3A_784 = arith.constant 0 : i32
      %add3A_785 = vector.broadcast %add3A_784 : i32 to vector<16xi32>
      %add3A_786 = arith.addi %mul3A_783, %add3A_785 : vector<16xi32>
      %gather3A_787 = tpu.vector_load_idx %arg13[%add3A_786] : memref<512xf32, #tpu.memory_space<vmem>>[vector<16xi32>], vector<16xf32>,
      %mul3A_788 = arith.mulf %gather3A_787, %gather3A_787 : vector<16xf32>
      %add3A_789 = arith.constant 1 : i32
      %add3A_790 = vector.broadcast %add3A_789 : i32 to vector<16xi32>
      %add3A_791 = arith.addi %mul3A_783, %add3A_790 : vector<16xi32>
      %gather3A_792 = tpu.vector_load_idx %arg13[%add3A_791] : memref<512xf32, #tpu.memory_space<vmem>>[vector<16xi32>], vector<16xf32>,
      %add3A_793 = arith.addf %gather3A_787, %gather3A_792 : vector<16xf32>
      %mul3A_794 = arith.mulf %gather3A_792, %gather3A_792 : vector<16xf32>
      %add3A_795 = arith.addf %mul3A_788, %mul3A_794 : vector<16xf32>
      %min3A_796 = arith.minimumf %gather3A_787, %gather3A_792 : vector<16xf32>
      %max3A_797 = arith.maximumf %gather3A_787, %gather3A_792 : vector<16xf32>
      %add3A_798 = arith.constant 2 : i32
      %add3A_799 = vector.broadcast %add3A_798 : i32 to vector<16xi32>
      %add3A_800 = arith.addi %mul3A_783, %add3A_799 : vector<16xi32>
      %gather3A_801 = tpu.vector_load_idx %arg13[%add3A_800] : memref<512xf32, #tpu.memory_space<vmem>>[vector<16xi32>], vector<16xf32>,
      %add3A_802 = arith.addf %add3A_793, %gather3A_801 : vector<16xf32>
      %mul3A_803 = arith.mulf %gather3A_801, %gather3A_801 : vector<16xf32>
      %add3A_804 = arith.addf %add3A_795, %mul3A_803 : vector<16xf32>
      %min3A_805 = arith.minimumf %min3A_796, %gather3A_801 : vector<16xf32>
      %max3A_806 = arith.maximumf %max3A_797, %gather3A_801 : vector<16xf32>
      %add3A_807 = arith.constant 3 : i32
      %add3A_808 = vector.broadcast %add3A_807 : i32 to vector<16xi32>
      %add3A_809 = arith.addi %mul3A_783, %add3A_808 : vector<16xi32>
      %gather3A_810 = tpu.vector_load_idx %arg13[%add3A_809] : memref<512xf32, #tpu.memory_space<vmem>>[vector<16xi32>], vector<16xf32>,
      %add3A_811 = arith.addf %add3A_802, %gather3A_810 : vector<16xf32>
      %mul3A_812 = arith.mulf %gather3A_810, %gather3A_810 : vector<16xf32>
      %add3A_813 = arith.addf %add3A_804, %mul3A_812 : vector<16xf32>
      %min3A_814 = arith.minimumf %min3A_805, %gather3A_810 : vector<16xf32>
      %max3A_815 = arith.maximumf %max3A_806, %gather3A_810 : vector<16xf32>
      %add3A_816 = arith.constant 4 : i32
      %add3A_817 = vector.broadcast %add3A_816 : i32 to vector<16xi32>
      %add3A_818 = arith.addi %mul3A_783, %add3A_817 : vector<16xi32>
      %gather3A_819 = tpu.vector_load_idx %arg13[%add3A_818] : memref<512xf32, #tpu.memory_space<vmem>>[vector<16xi32>], vector<16xf32>,
      %add3A_820 = arith.addf %add3A_811, %gather3A_819 : vector<16xf32>
      %mul3A_821 = arith.mulf %gather3A_819, %gather3A_819 : vector<16xf32>
      %add3A_822 = arith.addf %add3A_813, %mul3A_821 : vector<16xf32>
      %min3A_823 = arith.minimumf %min3A_814, %gather3A_819 : vector<16xf32>
      %max3A_824 = arith.maximumf %max3A_815, %gather3A_819 : vector<16xf32>
      %add3A_825 = arith.constant 5 : i32
      %add3A_826 = vector.broadcast %add3A_825 : i32 to vector<16xi32>
      %add3A_827 = arith.addi %mul3A_783, %add3A_826 : vector<16xi32>
      %gather3A_828 = tpu.vector_load_idx %arg13[%add3A_827] : memref<512xf32, #tpu.memory_space<vmem>>[vector<16xi32>], vector<16xf32>,
      %add3A_829 = arith.addf %add3A_820, %gather3A_828 : vector<16xf32>
      %mul3A_830 = arith.mulf %gather3A_828, %gather3A_828 : vector<16xf32>
      %add3A_831 = arith.addf %add3A_822, %mul3A_830 : vector<16xf32>
      %min3A_832 = arith.minimumf %min3A_823, %gather3A_828 : vector<16xf32>
      %max3A_833 = arith.maximumf %max3A_824, %gather3A_828 : vector<16xf32>
      %add3A_834 = arith.constant 6 : i32
      %add3A_835 = vector.broadcast %add3A_834 : i32 to vector<16xi32>
      %add3A_836 = arith.addi %mul3A_783, %add3A_835 : vector<16xi32>
      %gather3A_837 = tpu.vector_load_idx %arg13[%add3A_836] : memref<512xf32, #tpu.memory_space<vmem>>[vector<16xi32>], vector<16xf32>,
      %add3A_838 = arith.addf %add3A_829, %gather3A_837 : vector<16xf32>
      %mul3A_839 = arith.mulf %gather3A_837, %gather3A_837 : vector<16xf32>
      %add3A_840 = arith.addf %add3A_831, %mul3A_839 : vector<16xf32>
      %min3A_841 = arith.minimumf %min3A_832, %gather3A_837 : vector<16xf32>
      %max3A_842 = arith.maximumf %max3A_833, %gather3A_837 : vector<16xf32>
      %add3A_843 = arith.constant 7 : i32
      %add3A_844 = vector.broadcast %add3A_843 : i32 to vector<16xi32>
      %add3A_845 = arith.addi %mul3A_783, %add3A_844 : vector<16xi32>
      %gather3A_846 = tpu.vector_load_idx %arg13[%add3A_845] : memref<512xf32, #tpu.memory_space<vmem>>[vector<16xi32>], vector<16xf32>,
      %add3A_847 = arith.addf %add3A_838, %gather3A_846 : vector<16xf32>
      %mul3A_848 = arith.mulf %gather3A_846, %gather3A_846 : vector<16xf32>
      %add3A_849 = arith.addf %add3A_840, %mul3A_848 : vector<16xf32>
      %min3A_850 = arith.minimumf %min3A_841, %gather3A_846 : vector<16xf32>
      %max3A_851 = arith.maximumf %max3A_842, %gather3A_846 : vector<16xf32>
      %add3A_852 = arith.constant 8 : i32
      %add3A_853 = vector.broadcast %add3A_852 : i32 to vector<16xi32>
      %add3A_854 = arith.addi %mul3A_783, %add3A_853 : vector<16xi32>
      %gather3A_855 = tpu.vector_load_idx %arg13[%add3A_854] : memref<512xf32, #tpu.memory_space<vmem>>[vector<16xi32>], vector<16xf32>,
      %add3A_856 = arith.addf %add3A_847, %gather3A_855 : vector<16xf32>
      %mul3A_857 = arith.mulf %gather3A_855, %gather3A_855 : vector<16xf32>
      %add3A_858 = arith.addf %add3A_849, %mul3A_857 : vector<16xf32>
      %min3A_859 = arith.minimumf %min3A_850, %gather3A_855 : vector<16xf32>
      %max3A_860 = arith.maximumf %max3A_851, %gather3A_855 : vector<16xf32>
      %add3A_861 = arith.constant 9 : i32
      %add3A_862 = vector.broadcast %add3A_861 : i32 to vector<16xi32>
      %add3A_863 = arith.addi %mul3A_783, %add3A_862 : vector<16xi32>
      %gather3A_864 = tpu.vector_load_idx %arg13[%add3A_863] : memref<512xf32, #tpu.memory_space<vmem>>[vector<16xi32>], vector<16xf32>,
      %add3A_865 = arith.addf %add3A_856, %gather3A_864 : vector<16xf32>
      %mul3A_866 = arith.mulf %gather3A_864, %gather3A_864 : vector<16xf32>
      %add3A_867 = arith.addf %add3A_858, %mul3A_866 : vector<16xf32>
      %min3A_868 = arith.minimumf %min3A_859, %gather3A_864 : vector<16xf32>
      %max3A_869 = arith.maximumf %max3A_860, %gather3A_864 : vector<16xf32>
      %add3A_870 = arith.constant 10 : i32
      %add3A_871 = vector.broadcast %add3A_870 : i32 to vector<16xi32>
      %add3A_872 = arith.addi %mul3A_783, %add3A_871 : vector<16xi32>
      %gather3A_873 = tpu.vector_load_idx %arg13[%add3A_872] : memref<512xf32, #tpu.memory_space<vmem>>[vector<16xi32>], vector<16xf32>,
      %add3A_874 = arith.addf %add3A_865, %gather3A_873 : vector<16xf32>
      %mul3A_875 = arith.mulf %gather3A_873, %gather3A_873 : vector<16xf32>
      %add3A_876 = arith.addf %add3A_867, %mul3A_875 : vector<16xf32>
      %min3A_877 = arith.minimumf %min3A_868, %gather3A_873 : vector<16xf32>
      %max3A_878 = arith.maximumf %max3A_869, %gather3A_873 : vector<16xf32>
      %add3A_879 = arith.constant 11 : i32
      %add3A_880 = vector.broadcast %add3A_879 : i32 to vector<16xi32>
      %add3A_881 = arith.addi %mul3A_783, %add3A_880 : vector<16xi32>
      %gather3A_882 = tpu.vector_load_idx %arg13[%add3A_881] : memref<512xf32, #tpu.memory_space<vmem>>[vector<16xi32>], vector<16xf32>,
      %add3A_883 = arith.addf %add3A_874, %gather3A_882 : vector<16xf32>
      %mul3A_884 = arith.mulf %gather3A_882, %gather3A_882 : vector<16xf32>
      %add3A_885 = arith.addf %add3A_876, %mul3A_884 : vector<16xf32>
      %min3A_886 = arith.minimumf %min3A_877, %gather3A_882 : vector<16xf32>
      %max3A_887 = arith.maximumf %max3A_878, %gather3A_882 : vector<16xf32>
      %add3A_888 = arith.constant 12 : i32
      %add3A_889 = vector.broadcast %add3A_888 : i32 to vector<16xi32>
      %add3A_890 = arith.addi %mul3A_783, %add3A_889 : vector<16xi32>
      %gather3A_891 = tpu.vector_load_idx %arg13[%add3A_890] : memref<512xf32, #tpu.memory_space<vmem>>[vector<16xi32>], vector<16xf32>,
      %add3A_892 = arith.addf %add3A_883, %gather3A_891 : vector<16xf32>
      %mul3A_893 = arith.mulf %gather3A_891, %gather3A_891 : vector<16xf32>
      %add3A_894 = arith.addf %add3A_885, %mul3A_893 : vector<16xf32>
      %min3A_895 = arith.minimumf %min3A_886, %gather3A_891 : vector<16xf32>
      %max3A_896 = arith.maximumf %max3A_887, %gather3A_891 : vector<16xf32>
      %add3A_897 = arith.constant 13 : i32
      %add3A_898 = vector.broadcast %add3A_897 : i32 to vector<16xi32>
      %add3A_899 = arith.addi %mul3A_783, %add3A_898 : vector<16xi32>
      %gather3A_900 = tpu.vector_load_idx %arg13[%add3A_899] : memref<512xf32, #tpu.memory_space<vmem>>[vector<16xi32>], vector<16xf32>,
      %add3A_901 = arith.addf %add3A_892, %gather3A_900 : vector<16xf32>
      %mul3A_902 = arith.mulf %gather3A_900, %gather3A_900 : vector<16xf32>
      %add3A_903 = arith.addf %add3A_894, %mul3A_902 : vector<16xf32>
      %min3A_904 = arith.minimumf %min3A_895, %gather3A_900 : vector<16xf32>
      %max3A_905 = arith.maximumf %max3A_896, %gather3A_900 : vector<16xf32>
      %add3A_906 = arith.constant 14 : i32
      %add3A_907 = vector.broadcast %add3A_906 : i32 to vector<16xi32>
      %add3A_908 = arith.addi %mul3A_783, %add3A_907 : vector<16xi32>
      %gather3A_909 = tpu.vector_load_idx %arg13[%add3A_908] : memref<512xf32, #tpu.memory_space<vmem>>[vector<16xi32>], vector<16xf32>,
      %add3A_910 = arith.addf %add3A_901, %gather3A_909 : vector<16xf32>
      %mul3A_911 = arith.mulf %gather3A_909, %gather3A_909 : vector<16xf32>
      %add3A_912 = arith.addf %add3A_903, %mul3A_911 : vector<16xf32>
      %min3A_913 = arith.minimumf %min3A_904, %gather3A_909 : vector<16xf32>
      %max3A_914 = arith.maximumf %max3A_905, %gather3A_909 : vector<16xf32>
      %add3A_915 = arith.constant 15 : i32
      %add3A_916 = vector.broadcast %add3A_915 : i32 to vector<16xi32>
      %add3A_917 = arith.addi %mul3A_783, %add3A_916 : vector<16xi32>
      %gather3A_918 = tpu.vector_load_idx %arg13[%add3A_917] : memref<512xf32, #tpu.memory_space<vmem>>[vector<16xi32>], vector<16xf32>,
      %add3A_919 = arith.addf %add3A_910, %gather3A_918 : vector<16xf32>
      %mul3A_920 = arith.mulf %gather3A_918, %gather3A_918 : vector<16xf32>
      %add3A_921 = arith.addf %add3A_912, %mul3A_920 : vector<16xf32>
      %min3A_922 = arith.minimumf %min3A_913, %gather3A_918 : vector<16xf32>
      %max3A_923 = arith.maximumf %max3A_914, %gather3A_918 : vector<16xf32>
      %add3A_924 = arith.constant 16 : i32
      %add3A_925 = vector.broadcast %add3A_924 : i32 to vector<16xi32>
      %add3A_926 = arith.addi %mul3A_783, %add3A_925 : vector<16xi32>
      %gather3A_927 = tpu.vector_load_idx %arg13[%add3A_926] : memref<512xf32, #tpu.memory_space<vmem>>[vector<16xi32>], vector<16xf32>,
      %add3A_928 = arith.addf %add3A_919, %gather3A_927 : vector<16xf32>
      %mul3A_929 = arith.mulf %gather3A_927, %gather3A_927 : vector<16xf32>
      %add3A_930 = arith.addf %add3A_921, %mul3A_929 : vector<16xf32>
      %min3A_931 = arith.minimumf %min3A_922, %gather3A_927 : vector<16xf32>
      %max3A_932 = arith.maximumf %max3A_923, %gather3A_927 : vector<16xf32>
      %add3A_933 = arith.constant 17 : i32
      %add3A_934 = vector.broadcast %add3A_933 : i32 to vector<16xi32>
      %add3A_935 = arith.addi %mul3A_783, %add3A_934 : vector<16xi32>
      %gather3A_936 = tpu.vector_load_idx %arg13[%add3A_935] : memref<512xf32, #tpu.memory_space<vmem>>[vector<16xi32>], vector<16xf32>,
      %add3A_937 = arith.addf %add3A_928, %gather3A_936 : vector<16xf32>
      %mul3A_938 = arith.mulf %gather3A_936, %gather3A_936 : vector<16xf32>
      %add3A_939 = arith.addf %add3A_930, %mul3A_938 : vector<16xf32>
      %min3A_940 = arith.minimumf %min3A_931, %gather3A_936 : vector<16xf32>
      %max3A_941 = arith.maximumf %max3A_932, %gather3A_936 : vector<16xf32>
      %add3A_942 = arith.constant 18 : i32
      %add3A_943 = vector.broadcast %add3A_942 : i32 to vector<16xi32>
      %add3A_944 = arith.addi %mul3A_783, %add3A_943 : vector<16xi32>
      %gather3A_945 = tpu.vector_load_idx %arg13[%add3A_944] : memref<512xf32, #tpu.memory_space<vmem>>[vector<16xi32>], vector<16xf32>,
      %add3A_946 = arith.addf %add3A_937, %gather3A_945 : vector<16xf32>
      %mul3A_947 = arith.mulf %gather3A_945, %gather3A_945 : vector<16xf32>
      %add3A_948 = arith.addf %add3A_939, %mul3A_947 : vector<16xf32>
      %min3A_949 = arith.minimumf %min3A_940, %gather3A_945 : vector<16xf32>
      %max3A_950 = arith.maximumf %max3A_941, %gather3A_945 : vector<16xf32>
      %add3A_951 = arith.constant 19 : i32
      %add3A_952 = vector.broadcast %add3A_951 : i32 to vector<16xi32>
      %add3A_953 = arith.addi %mul3A_783, %add3A_952 : vector<16xi32>
      %gather3A_954 = tpu.vector_load_idx %arg13[%add3A_953] : memref<512xf32, #tpu.memory_space<vmem>>[vector<16xi32>], vector<16xf32>,
      %add3A_955 = arith.addf %add3A_946, %gather3A_954 : vector<16xf32>
      %mul3A_956 = arith.mulf %gather3A_954, %gather3A_954 : vector<16xf32>
      %add3A_957 = arith.addf %add3A_948, %mul3A_956 : vector<16xf32>
      %min3A_958 = arith.minimumf %min3A_949, %gather3A_954 : vector<16xf32>
      %max3A_959 = arith.maximumf %max3A_950, %gather3A_954 : vector<16xf32>
      %add3A_960 = arith.constant 20 : i32
      %add3A_961 = vector.broadcast %add3A_960 : i32 to vector<16xi32>
      %add3A_962 = arith.addi %mul3A_783, %add3A_961 : vector<16xi32>
      %gather3A_963 = tpu.vector_load_idx %arg13[%add3A_962] : memref<512xf32, #tpu.memory_space<vmem>>[vector<16xi32>], vector<16xf32>,
      %add3A_964 = arith.addf %add3A_955, %gather3A_963 : vector<16xf32>
      %mul3A_965 = arith.mulf %gather3A_963, %gather3A_963 : vector<16xf32>
      %add3A_966 = arith.addf %add3A_957, %mul3A_965 : vector<16xf32>
      %min3A_967 = arith.minimumf %min3A_958, %gather3A_963 : vector<16xf32>
      %max3A_968 = arith.maximumf %max3A_959, %gather3A_963 : vector<16xf32>
      %add3A_969 = arith.constant 21 : i32
      %add3A_970 = vector.broadcast %add3A_969 : i32 to vector<16xi32>
      %add3A_971 = arith.addi %mul3A_783, %add3A_970 : vector<16xi32>
      %gather3A_972 = tpu.vector_load_idx %arg13[%add3A_971] : memref<512xf32, #tpu.memory_space<vmem>>[vector<16xi32>], vector<16xf32>,
      %add3A_973 = arith.addf %add3A_964, %gather3A_972 : vector<16xf32>
      %mul3A_974 = arith.mulf %gather3A_972, %gather3A_972 : vector<16xf32>
      %add3A_975 = arith.addf %add3A_966, %mul3A_974 : vector<16xf32>
      %min3A_976 = arith.minimumf %min3A_967, %gather3A_972 : vector<16xf32>
      %max3A_977 = arith.maximumf %max3A_968, %gather3A_972 : vector<16xf32>
      %add3A_978 = arith.constant 22 : i32
      %add3A_979 = vector.broadcast %add3A_978 : i32 to vector<16xi32>
      %add3A_980 = arith.addi %mul3A_783, %add3A_979 : vector<16xi32>
      %gather3A_981 = tpu.vector_load_idx %arg13[%add3A_980] : memref<512xf32, #tpu.memory_space<vmem>>[vector<16xi32>], vector<16xf32>,
      %add3A_982 = arith.addf %add3A_973, %gather3A_981 : vector<16xf32>
      %mul3A_983 = arith.mulf %gather3A_981, %gather3A_981 : vector<16xf32>
      %add3A_984 = arith.addf %add3A_975, %mul3A_983 : vector<16xf32>
      %min3A_985 = arith.minimumf %min3A_976, %gather3A_981 : vector<16xf32>
      %max3A_986 = arith.maximumf %max3A_977, %gather3A_981 : vector<16xf32>
      %add3A_987 = arith.constant 23 : i32
      %add3A_988 = vector.broadcast %add3A_987 : i32 to vector<16xi32>
      %add3A_989 = arith.addi %mul3A_783, %add3A_988 : vector<16xi32>
      %gather3A_990 = tpu.vector_load_idx %arg13[%add3A_989] : memref<512xf32, #tpu.memory_space<vmem>>[vector<16xi32>], vector<16xf32>,
      %add3A_991 = arith.addf %add3A_982, %gather3A_990 : vector<16xf32>
      %mul3A_992 = arith.mulf %gather3A_990, %gather3A_990 : vector<16xf32>
      %add3A_993 = arith.addf %add3A_984, %mul3A_992 : vector<16xf32>
      %min3A_994 = arith.minimumf %min3A_985, %gather3A_990 : vector<16xf32>
      %max3A_995 = arith.maximumf %max3A_986, %gather3A_990 : vector<16xf32>
      %add3A_996 = arith.constant 24 : i32
      %add3A_997 = vector.broadcast %add3A_996 : i32 to vector<16xi32>
      %add3A_998 = arith.addi %mul3A_783, %add3A_997 : vector<16xi32>
      %gather3A_999 = tpu.vector_load_idx %arg13[%add3A_998] : memref<512xf32, #tpu.memory_space<vmem>>[vector<16xi32>], vector<16xf32>,
      %add3A_1000 = arith.addf %add3A_991, %gather3A_999 : vector<16xf32>
      %mul3A_1001 = arith.mulf %gather3A_999, %gather3A_999 : vector<16xf32>
      %add3A_1002 = arith.addf %add3A_993, %mul3A_1001 : vector<16xf32>
      %min3A_1003 = arith.minimumf %min3A_994, %gather3A_999 : vector<16xf32>
      %max3A_1004 = arith.maximumf %max3A_995, %gather3A_999 : vector<16xf32>
      %add3A_1005 = arith.constant 25 : i32
      %add3A_1006 = vector.broadcast %add3A_1005 : i32 to vector<16xi32>
      %add3A_1007 = arith.addi %mul3A_783, %add3A_1006 : vector<16xi32>
      %gather3A_1008 = tpu.vector_load_idx %arg13[%add3A_1007] : memref<512xf32, #tpu.memory_space<vmem>>[vector<16xi32>], vector<16xf32>,
      %add3A_1009 = arith.addf %add3A_1000, %gather3A_1008 : vector<16xf32>
      %mul3A_1010 = arith.mulf %gather3A_1008, %gather3A_1008 : vector<16xf32>
      %add3A_1011 = arith.addf %add3A_1002, %mul3A_1010 : vector<16xf32>
      %min3A_1012 = arith.minimumf %min3A_1003, %gather3A_1008 : vector<16xf32>
      %max3A_1013 = arith.maximumf %max3A_1004, %gather3A_1008 : vector<16xf32>
      %add3A_1014 = arith.constant 26 : i32
      %add3A_1015 = vector.broadcast %add3A_1014 : i32 to vector<16xi32>
      %add3A_1016 = arith.addi %mul3A_783, %add3A_1015 : vector<16xi32>
      %gather3A_1017 = tpu.vector_load_idx %arg13[%add3A_1016] : memref<512xf32, #tpu.memory_space<vmem>>[vector<16xi32>], vector<16xf32>,
      %add3A_1018 = arith.addf %add3A_1009, %gather3A_1017 : vector<16xf32>
      %mul3A_1019 = arith.mulf %gather3A_1017, %gather3A_1017 : vector<16xf32>
      %add3A_1020 = arith.addf %add3A_1011, %mul3A_1019 : vector<16xf32>
      %min3A_1021 = arith.minimumf %min3A_1012, %gather3A_1017 : vector<16xf32>
      %max3A_1022 = arith.maximumf %max3A_1013, %gather3A_1017 : vector<16xf32>
      %add3A_1023 = arith.constant 27 : i32
      %add3A_1024 = vector.broadcast %add3A_1023 : i32 to vector<16xi32>
      %add3A_1025 = arith.addi %mul3A_783, %add3A_1024 : vector<16xi32>
      %gather3A_1026 = tpu.vector_load_idx %arg13[%add3A_1025] : memref<512xf32, #tpu.memory_space<vmem>>[vector<16xi32>], vector<16xf32>,
      %add3A_1027 = arith.addf %add3A_1018, %gather3A_1026 : vector<16xf32>
      %mul3A_1028 = arith.mulf %gather3A_1026, %gather3A_1026 : vector<16xf32>
      %add3A_1029 = arith.addf %add3A_1020, %mul3A_1028 : vector<16xf32>
      %min3A_1030 = arith.minimumf %min3A_1021, %gather3A_1026 : vector<16xf32>
      %max3A_1031 = arith.maximumf %max3A_1022, %gather3A_1026 : vector<16xf32>
      %add3A_1032 = arith.constant 28 : i32
      %add3A_1033 = vector.broadcast %add3A_1032 : i32 to vector<16xi32>
      %add3A_1034 = arith.addi %mul3A_783, %add3A_1033 : vector<16xi32>
      %gather3A_1035 = tpu.vector_load_idx %arg13[%add3A_1034] : memref<512xf32, #tpu.memory_space<vmem>>[vector<16xi32>], vector<16xf32>,
      %add3A_1036 = arith.addf %add3A_1027, %gather3A_1035 : vector<16xf32>
      %mul3A_1037 = arith.mulf %gather3A_1035, %gather3A_1035 : vector<16xf32>
      %add3A_1038 = arith.addf %add3A_1029, %mul3A_1037 : vector<16xf32>
      %min3A_1039 = arith.minimumf %min3A_1030, %gather3A_1035 : vector<16xf32>
      %max3A_1040 = arith.maximumf %max3A_1031, %gather3A_1035 : vector<16xf32>
      %add3A_1041 = arith.constant 29 : i32
      %add3A_1042 = vector.broadcast %add3A_1041 : i32 to vector<16xi32>
      %add3A_1043 = arith.addi %mul3A_783, %add3A_1042 : vector<16xi32>
      %gather3A_1044 = tpu.vector_load_idx %arg13[%add3A_1043] : memref<512xf32, #tpu.memory_space<vmem>>[vector<16xi32>], vector<16xf32>,
      %add3A_1045 = arith.addf %add3A_1036, %gather3A_1044 : vector<16xf32>
      %mul3A_1046 = arith.mulf %gather3A_1044, %gather3A_1044 : vector<16xf32>
      %add3A_1047 = arith.addf %add3A_1038, %mul3A_1046 : vector<16xf32>
      %min3A_1048 = arith.minimumf %min3A_1039, %gather3A_1044 : vector<16xf32>
      %max3A_1049 = arith.maximumf %max3A_1040, %gather3A_1044 : vector<16xf32>
      %add3A_1050 = arith.constant 30 : i32
      %add3A_1051 = vector.broadcast %add3A_1050 : i32 to vector<16xi32>
      %add3A_1052 = arith.addi %mul3A_783, %add3A_1051 : vector<16xi32>
      %gather3A_1053 = tpu.vector_load_idx %arg13[%add3A_1052] : memref<512xf32, #tpu.memory_space<vmem>>[vector<16xi32>], vector<16xf32>,
      %add3A_1054 = arith.addf %add3A_1045, %gather3A_1053 : vector<16xf32>
      %mul3A_1055 = arith.mulf %gather3A_1053, %gather3A_1053 : vector<16xf32>
      %add3A_1056 = arith.addf %add3A_1047, %mul3A_1055 : vector<16xf32>
      %min3A_1057 = arith.minimumf %min3A_1048, %gather3A_1053 : vector<16xf32>
      %max3A_1058 = arith.maximumf %max3A_1049, %gather3A_1053 : vector<16xf32>
      %add3A_1059 = arith.constant 31 : i32
      %add3A_1060 = vector.broadcast %add3A_1059 : i32 to vector<16xi32>
      %add3A_1061 = arith.addi %mul3A_783, %add3A_1060 : vector<16xi32>
      %gather3A_1062 = tpu.vector_load_idx %arg13[%add3A_1061] : memref<512xf32, #tpu.memory_space<vmem>>[vector<16xi32>], vector<16xf32>,
      %add3A_1063 = arith.addf %add3A_1054, %gather3A_1062 : vector<16xf32>
      %mul3A_1064 = arith.mulf %gather3A_1062, %gather3A_1062 : vector<16xf32>
      %add3A_1065 = arith.addf %add3A_1056, %mul3A_1064 : vector<16xf32>
      %min3A_1066 = arith.minimumf %min3A_1057, %gather3A_1062 : vector<16xf32>
      %max3A_1067 = arith.maximumf %max3A_1058, %gather3A_1062 : vector<16xf32>
      %mul3A_1068 = arith.constant 3.125000e-02 : f32
      %mul3A_1069 = vector.broadcast %mul3A_1068 : f32 to vector<16xf32>
      %mul3A_1070 = arith.mulf %add3A_1063, %mul3A_1069 : vector<16xf32>
      %mul3A_1071 = arith.mulf %add3A_1063, %mul3A_1070 : vector<16xf32>
      %sub3A_1072 = arith.subf %add3A_1065, %mul3A_1071 : vector<16xf32>
      %mul3A_1073 = arith.constant 0.0322580636 : f32
      %mul3A_1074 = vector.broadcast %mul3A_1073 : f32 to vector<16xf32>
      %mul3A_1075 = arith.mulf %sub3A_1072, %mul3A_1074 : vector<16xf32>
      %min3A_1076 = arith.minimumf %gather3A_787, %gather3A_792 : vector<16xf32>
      %max3A_1077 = arith.maximumf %gather3A_787, %gather3A_792 : vector<16xf32>
      %min3A_1078 = arith.minimumf %gather3A_801, %gather3A_810 : vector<16xf32>
      %max3A_1079 = arith.maximumf %gather3A_801, %gather3A_810 : vector<16xf32>
      %min3A_1080 = arith.minimumf %gather3A_819, %gather3A_828 : vector<16xf32>
      %max3A_1081 = arith.maximumf %gather3A_819, %gather3A_828 : vector<16xf32>
      %min3A_1082 = arith.minimumf %gather3A_837, %gather3A_846 : vector<16xf32>
      %max3A_1083 = arith.maximumf %gather3A_837, %gather3A_846 : vector<16xf32>
      %min3A_1084 = arith.minimumf %gather3A_855, %gather3A_864 : vector<16xf32>
      %max3A_1085 = arith.maximumf %gather3A_855, %gather3A_864 : vector<16xf32>
      %min3A_1086 = arith.minimumf %gather3A_873, %gather3A_882 : vector<16xf32>
      %max3A_1087 = arith.maximumf %gather3A_873, %gather3A_882 : vector<16xf32>
      %min3A_1088 = arith.minimumf %gather3A_891, %gather3A_900 : vector<16xf32>
      %max3A_1089 = arith.maximumf %gather3A_891, %gather3A_900 : vector<16xf32>
      %min3A_1090 = arith.minimumf %gather3A_909, %gather3A_918 : vector<16xf32>
      %max3A_1091 = arith.maximumf %gather3A_909, %gather3A_918 : vector<16xf32>
      %min3A_1092 = arith.minimumf %min3A_1076, %max3A_1079 : vector<16xf32>
      %max3A_1093 = arith.maximumf %min3A_1076, %max3A_1079 : vector<16xf32>
      %min3A_1094 = arith.minimumf %max3A_1077, %min3A_1078 : vector<16xf32>
      %max3A_1095 = arith.maximumf %max3A_1077, %min3A_1078 : vector<16xf32>
      %min3A_1096 = arith.minimumf %min3A_1080, %max3A_1083 : vector<16xf32>
      %max3A_1097 = arith.maximumf %min3A_1080, %max3A_1083 : vector<16xf32>
      %min3A_1098 = arith.minimumf %max3A_1081, %min3A_1082 : vector<16xf32>
      %max3A_1099 = arith.maximumf %max3A_1081, %min3A_1082 : vector<16xf32>
      %min3A_1100 = arith.minimumf %min3A_1084, %max3A_1087 : vector<16xf32>
      %max3A_1101 = arith.maximumf %min3A_1084, %max3A_1087 : vector<16xf32>
      %min3A_1102 = arith.minimumf %max3A_1085, %min3A_1086 : vector<16xf32>
      %max3A_1103 = arith.maximumf %max3A_1085, %min3A_1086 : vector<16xf32>
      %min3A_1104 = arith.minimumf %min3A_1088, %max3A_1091 : vector<16xf32>
      %max3A_1105 = arith.maximumf %min3A_1088, %max3A_1091 : vector<16xf32>
      %min3A_1106 = arith.minimumf %max3A_1089, %min3A_1090 : vector<16xf32>
      %max3A_1107 = arith.maximumf %max3A_1089, %min3A_1090 : vector<16xf32>
      %min3A_1108 = arith.minimumf %min3A_1092, %min3A_1094 : vector<16xf32>
      %max3A_1109 = arith.maximumf %min3A_1092, %min3A_1094 : vector<16xf32>
      %min3A_1110 = arith.minimumf %max3A_1093, %max3A_1095 : vector<16xf32>
      %max3A_1111 = arith.maximumf %max3A_1093, %max3A_1095 : vector<16xf32>
      %min3A_1112 = arith.minimumf %max3A_1097, %max3A_1099 : vector<16xf32>
      %max3A_1113 = arith.maximumf %max3A_1097, %max3A_1099 : vector<16xf32>
      %min3A_1114 = arith.minimumf %min3A_1096, %min3A_1098 : vector<16xf32>
      %max3A_1115 = arith.maximumf %min3A_1096, %min3A_1098 : vector<16xf32>
      %min3A_1116 = arith.minimumf %min3A_1100, %min3A_1102 : vector<16xf32>
      %max3A_1117 = arith.maximumf %min3A_1100, %min3A_1102 : vector<16xf32>
      %min3A_1118 = arith.minimumf %max3A_1101, %max3A_1103 : vector<16xf32>
      %max3A_1119 = arith.maximumf %max3A_1101, %max3A_1103 : vector<16xf32>
      %min3A_1120 = arith.minimumf %max3A_1105, %max3A_1107 : vector<16xf32>
      %max3A_1121 = arith.maximumf %max3A_1105, %max3A_1107 : vector<16xf32>
      %min3A_1122 = arith.minimumf %min3A_1104, %min3A_1106 : vector<16xf32>
      %max3A_1123 = arith.maximumf %min3A_1104, %min3A_1106 : vector<16xf32>
      %min3A_1124 = arith.minimumf %min3A_1108, %max3A_1113 : vector<16xf32>
      %max3A_1125 = arith.maximumf %min3A_1108, %max3A_1113 : vector<16xf32>
      %min3A_1126 = arith.minimumf %max3A_1109, %min3A_1112 : vector<16xf32>
      %max3A_1127 = arith.maximumf %max3A_1109, %min3A_1112 : vector<16xf32>
      %min3A_1128 = arith.minimumf %min3A_1110, %max3A_1115 : vector<16xf32>
      %max3A_1129 = arith.maximumf %min3A_1110, %max3A_1115 : vector<16xf32>
      %min3A_1130 = arith.minimumf %max3A_1111, %min3A_1114 : vector<16xf32>
      %max3A_1131 = arith.maximumf %max3A_1111, %min3A_1114 : vector<16xf32>
      %min3A_1132 = arith.minimumf %min3A_1116, %max3A_1121 : vector<16xf32>
      %max3A_1133 = arith.maximumf %min3A_1116, %max3A_1121 : vector<16xf32>
      %min3A_1134 = arith.minimumf %max3A_1117, %min3A_1120 : vector<16xf32>
      %max3A_1135 = arith.maximumf %max3A_1117, %min3A_1120 : vector<16xf32>
      %min3A_1136 = arith.minimumf %min3A_1118, %max3A_1123 : vector<16xf32>
      %max3A_1137 = arith.maximumf %min3A_1118, %max3A_1123 : vector<16xf32>
      %min3A_1138 = arith.minimumf %max3A_1119, %min3A_1122 : vector<16xf32>
      %max3A_1139 = arith.maximumf %max3A_1119, %min3A_1122 : vector<16xf32>
      %min3A_1140 = arith.minimumf %min3A_1124, %min3A_1128 : vector<16xf32>
      %max3A_1141 = arith.maximumf %min3A_1124, %min3A_1128 : vector<16xf32>
      %min3A_1142 = arith.minimumf %min3A_1126, %min3A_1130 : vector<16xf32>
      %max3A_1143 = arith.maximumf %min3A_1126, %min3A_1130 : vector<16xf32>
      %min3A_1144 = arith.minimumf %max3A_1125, %max3A_1129 : vector<16xf32>
      %max3A_1145 = arith.maximumf %max3A_1125, %max3A_1129 : vector<16xf32>
      %min3A_1146 = arith.minimumf %max3A_1127, %max3A_1131 : vector<16xf32>
      %max3A_1147 = arith.maximumf %max3A_1127, %max3A_1131 : vector<16xf32>
      %min3A_1148 = arith.minimumf %max3A_1133, %max3A_1137 : vector<16xf32>
      %max3A_1149 = arith.maximumf %max3A_1133, %max3A_1137 : vector<16xf32>
      %min3A_1150 = arith.minimumf %max3A_1135, %max3A_1139 : vector<16xf32>
      %max3A_1151 = arith.maximumf %max3A_1135, %max3A_1139 : vector<16xf32>
      %min3A_1152 = arith.minimumf %min3A_1132, %min3A_1136 : vector<16xf32>
      %max3A_1153 = arith.maximumf %min3A_1132, %min3A_1136 : vector<16xf32>
      %min3A_1154 = arith.minimumf %min3A_1134, %min3A_1138 : vector<16xf32>
      %max3A_1155 = arith.maximumf %min3A_1134, %min3A_1138 : vector<16xf32>
      %min3A_1156 = arith.minimumf %min3A_1140, %min3A_1142 : vector<16xf32>
      %max3A_1157 = arith.maximumf %min3A_1140, %min3A_1142 : vector<16xf32>
      %min3A_1158 = arith.minimumf %max3A_1141, %max3A_1143 : vector<16xf32>
      %max3A_1159 = arith.maximumf %max3A_1141, %max3A_1143 : vector<16xf32>
      %min3A_1160 = arith.minimumf %min3A_1144, %min3A_1146 : vector<16xf32>
      %max3A_1161 = arith.maximumf %min3A_1144, %min3A_1146 : vector<16xf32>
      %min3A_1162 = arith.minimumf %max3A_1145, %max3A_1147 : vector<16xf32>
      %max3A_1163 = arith.maximumf %max3A_1145, %max3A_1147 : vector<16xf32>
      %min3A_1164 = arith.minimumf %max3A_1149, %max3A_1151 : vector<16xf32>
      %max3A_1165 = arith.maximumf %max3A_1149, %max3A_1151 : vector<16xf32>
      %min3A_1166 = arith.minimumf %min3A_1148, %min3A_1150 : vector<16xf32>
      %max3A_1167 = arith.maximumf %min3A_1148, %min3A_1150 : vector<16xf32>
      %min3A_1168 = arith.minimumf %max3A_1153, %max3A_1155 : vector<16xf32>
      %max3A_1169 = arith.maximumf %max3A_1153, %max3A_1155 : vector<16xf32>
      %min3A_1170 = arith.minimumf %min3A_1152, %min3A_1154 : vector<16xf32>
      %max3A_1171 = arith.maximumf %min3A_1152, %min3A_1154 : vector<16xf32>
      %min3A_1172 = arith.minimumf %min3A_1156, %max3A_1165 : vector<16xf32>
      %max3A_1173 = arith.maximumf %min3A_1156, %max3A_1165 : vector<16xf32>
      %min3A_1174 = arith.minimumf %max3A_1157, %min3A_1164 : vector<16xf32>
      %max3A_1175 = arith.maximumf %max3A_1157, %min3A_1164 : vector<16xf32>
      %min3A_1176 = arith.minimumf %min3A_1158, %max3A_1167 : vector<16xf32>
      %max3A_1177 = arith.maximumf %min3A_1158, %max3A_1167 : vector<16xf32>
      %min3A_1178 = arith.minimumf %max3A_1159, %min3A_1166 : vector<16xf32>
      %max3A_1179 = arith.maximumf %max3A_1159, %min3A_1166 : vector<16xf32>
      %min3A_1180 = arith.minimumf %min3A_1160, %max3A_1169 : vector<16xf32>
      %max3A_1181 = arith.maximumf %min3A_1160, %max3A_1169 : vector<16xf32>
      %min3A_1182 = arith.minimumf %max3A_1161, %min3A_1168 : vector<16xf32>
      %max3A_1183 = arith.maximumf %max3A_1161, %min3A_1168 : vector<16xf32>
      %min3A_1184 = arith.minimumf %min3A_1162, %max3A_1171 : vector<16xf32>
      %max3A_1185 = arith.maximumf %min3A_1162, %max3A_1171 : vector<16xf32>
      %min3A_1186 = arith.minimumf %max3A_1163, %min3A_1170 : vector<16xf32>
      %max3A_1187 = arith.maximumf %max3A_1163, %min3A_1170 : vector<16xf32>
      %min3A_1188 = arith.minimumf %min3A_1172, %min3A_1180 : vector<16xf32>
      %max3A_1189 = arith.maximumf %min3A_1172, %min3A_1180 : vector<16xf32>
      %min3A_1190 = arith.minimumf %min3A_1174, %min3A_1182 : vector<16xf32>
      %max3A_1191 = arith.maximumf %min3A_1174, %min3A_1182 : vector<16xf32>
      %min3A_1192 = arith.minimumf %min3A_1176, %min3A_1184 : vector<16xf32>
      %max3A_1193 = arith.maximumf %min3A_1176, %min3A_1184 : vector<16xf32>
      %min3A_1194 = arith.minimumf %min3A_1178, %min3A_1186 : vector<16xf32>
      %max3A_1195 = arith.maximumf %min3A_1178, %min3A_1186 : vector<16xf32>
      %min3A_1196 = arith.minimumf %max3A_1173, %max3A_1181 : vector<16xf32>
      %max3A_1197 = arith.maximumf %max3A_1173, %max3A_1181 : vector<16xf32>
      %min3A_1198 = arith.minimumf %max3A_1175, %max3A_1183 : vector<16xf32>
      %max3A_1199 = arith.maximumf %max3A_1175, %max3A_1183 : vector<16xf32>
      %min3A_1200 = arith.minimumf %max3A_1177, %max3A_1185 : vector<16xf32>
      %max3A_1201 = arith.maximumf %max3A_1177, %max3A_1185 : vector<16xf32>
      %min3A_1202 = arith.minimumf %max3A_1179, %max3A_1187 : vector<16xf32>
      %max3A_1203 = arith.maximumf %max3A_1179, %max3A_1187 : vector<16xf32>
      %min3A_1204 = arith.minimumf %min3A_1188, %min3A_1192 : vector<16xf32>
      %max3A_1205 = arith.maximumf %min3A_1188, %min3A_1192 : vector<16xf32>
      %min3A_1206 = arith.minimumf %min3A_1190, %min3A_1194 : vector<16xf32>
      %max3A_1207 = arith.maximumf %min3A_1190, %min3A_1194 : vector<16xf32>
      %min3A_1208 = arith.minimumf %max3A_1189, %max3A_1193 : vector<16xf32>
      %max3A_1209 = arith.maximumf %max3A_1189, %max3A_1193 : vector<16xf32>
      %min3A_1210 = arith.minimumf %max3A_1191, %max3A_1195 : vector<16xf32>
      %max3A_1211 = arith.maximumf %max3A_1191, %max3A_1195 : vector<16xf32>
      %min3A_1212 = arith.minimumf %min3A_1196, %min3A_1200 : vector<16xf32>
      %max3A_1213 = arith.maximumf %min3A_1196, %min3A_1200 : vector<16xf32>
      %min3A_1214 = arith.minimumf %min3A_1198, %min3A_1202 : vector<16xf32>
      %max3A_1215 = arith.maximumf %min3A_1198, %min3A_1202 : vector<16xf32>
      %min3A_1216 = arith.minimumf %max3A_1197, %max3A_1201 : vector<16xf32>
      %max3A_1217 = arith.maximumf %max3A_1197, %max3A_1201 : vector<16xf32>
      %min3A_1218 = arith.minimumf %max3A_1199, %max3A_1203 : vector<16xf32>
      %max3A_1219 = arith.maximumf %max3A_1199, %max3A_1203 : vector<16xf32>
      %min3A_1220 = arith.minimumf %min3A_1204, %min3A_1206 : vector<16xf32>
      %max3A_1221 = arith.maximumf %min3A_1204, %min3A_1206 : vector<16xf32>
      %min3A_1222 = arith.minimumf %max3A_1205, %max3A_1207 : vector<16xf32>
      %max3A_1223 = arith.maximumf %max3A_1205, %max3A_1207 : vector<16xf32>
      %min3A_1224 = arith.minimumf %min3A_1208, %min3A_1210 : vector<16xf32>
      %max3A_1225 = arith.maximumf %min3A_1208, %min3A_1210 : vector<16xf32>
      %min3A_1226 = arith.minimumf %max3A_1209, %max3A_1211 : vector<16xf32>
      %max3A_1227 = arith.maximumf %max3A_1209, %max3A_1211 : vector<16xf32>
      %min3A_1228 = arith.minimumf %min3A_1212, %min3A_1214 : vector<16xf32>
      %max3A_1229 = arith.maximumf %min3A_1212, %min3A_1214 : vector<16xf32>
      %min3A_1230 = arith.minimumf %max3A_1213, %max3A_1215 : vector<16xf32>
      %max3A_1231 = arith.maximumf %max3A_1213, %max3A_1215 : vector<16xf32>
      %min3A_1232 = arith.minimumf %min3A_1216, %min3A_1218 : vector<16xf32>
      %max3A_1233 = arith.maximumf %min3A_1216, %min3A_1218 : vector<16xf32>
      %min3A_1234 = arith.minimumf %max3A_1217, %max3A_1219 : vector<16xf32>
      %max3A_1235 = arith.maximumf %max3A_1217, %max3A_1219 : vector<16xf32>
      %min3A_1236 = arith.minimumf %gather3A_927, %gather3A_936 : vector<16xf32>
      %max3A_1237 = arith.maximumf %gather3A_927, %gather3A_936 : vector<16xf32>
      %min3A_1238 = arith.minimumf %gather3A_945, %gather3A_954 : vector<16xf32>
      %max3A_1239 = arith.maximumf %gather3A_945, %gather3A_954 : vector<16xf32>
      %min3A_1240 = arith.minimumf %gather3A_963, %gather3A_972 : vector<16xf32>
      %max3A_1241 = arith.maximumf %gather3A_963, %gather3A_972 : vector<16xf32>
      %min3A_1242 = arith.minimumf %gather3A_981, %gather3A_990 : vector<16xf32>
      %max3A_1243 = arith.maximumf %gather3A_981, %gather3A_990 : vector<16xf32>
      %min3A_1244 = arith.minimumf %gather3A_999, %gather3A_1008 : vector<16xf32>
      %max3A_1245 = arith.maximumf %gather3A_999, %gather3A_1008 : vector<16xf32>
      %min3A_1246 = arith.minimumf %gather3A_1017, %gather3A_1026 : vector<16xf32>
      %max3A_1247 = arith.maximumf %gather3A_1017, %gather3A_1026 : vector<16xf32>
      %min3A_1248 = arith.minimumf %gather3A_1035, %gather3A_1044 : vector<16xf32>
      %max3A_1249 = arith.maximumf %gather3A_1035, %gather3A_1044 : vector<16xf32>
      %min3A_1250 = arith.minimumf %gather3A_1053, %gather3A_1062 : vector<16xf32>
      %max3A_1251 = arith.maximumf %gather3A_1053, %gather3A_1062 : vector<16xf32>
      %min3A_1252 = arith.minimumf %min3A_1236, %max3A_1239 : vector<16xf32>
      %max3A_1253 = arith.maximumf %min3A_1236, %max3A_1239 : vector<16xf32>
      %min3A_1254 = arith.minimumf %max3A_1237, %min3A_1238 : vector<16xf32>
      %max3A_1255 = arith.maximumf %max3A_1237, %min3A_1238 : vector<16xf32>
      %min3A_1256 = arith.minimumf %min3A_1240, %max3A_1243 : vector<16xf32>
      %max3A_1257 = arith.maximumf %min3A_1240, %max3A_1243 : vector<16xf32>
      %min3A_1258 = arith.minimumf %max3A_1241, %min3A_1242 : vector<16xf32>
      %max3A_1259 = arith.maximumf %max3A_1241, %min3A_1242 : vector<16xf32>
      %min3A_1260 = arith.minimumf %min3A_1244, %max3A_1247 : vector<16xf32>
      %max3A_1261 = arith.maximumf %min3A_1244, %max3A_1247 : vector<16xf32>
      %min3A_1262 = arith.minimumf %max3A_1245, %min3A_1246 : vector<16xf32>
      %max3A_1263 = arith.maximumf %max3A_1245, %min3A_1246 : vector<16xf32>
      %min3A_1264 = arith.minimumf %min3A_1248, %max3A_1251 : vector<16xf32>
      %max3A_1265 = arith.maximumf %min3A_1248, %max3A_1251 : vector<16xf32>
      %min3A_1266 = arith.minimumf %max3A_1249, %min3A_1250 : vector<16xf32>
      %max3A_1267 = arith.maximumf %max3A_1249, %min3A_1250 : vector<16xf32>
      %min3A_1268 = arith.minimumf %min3A_1252, %min3A_1254 : vector<16xf32>
      %max3A_1269 = arith.maximumf %min3A_1252, %min3A_1254 : vector<16xf32>
      %min3A_1270 = arith.minimumf %max3A_1253, %max3A_1255 : vector<16xf32>
      %max3A_1271 = arith.maximumf %max3A_1253, %max3A_1255 : vector<16xf32>
      %min3A_1272 = arith.minimumf %max3A_1257, %max3A_1259 : vector<16xf32>
      %max3A_1273 = arith.maximumf %max3A_1257, %max3A_1259 : vector<16xf32>
      %min3A_1274 = arith.minimumf %min3A_1256, %min3A_1258 : vector<16xf32>
      %max3A_1275 = arith.maximumf %min3A_1256, %min3A_1258 : vector<16xf32>
      %min3A_1276 = arith.minimumf %min3A_1260, %min3A_1262 : vector<16xf32>
      %max3A_1277 = arith.maximumf %min3A_1260, %min3A_1262 : vector<16xf32>
      %min3A_1278 = arith.minimumf %max3A_1261, %max3A_1263 : vector<16xf32>
      %max3A_1279 = arith.maximumf %max3A_1261, %max3A_1263 : vector<16xf32>
      %min3A_1280 = arith.minimumf %max3A_1265, %max3A_1267 : vector<16xf32>
      %max3A_1281 = arith.maximumf %max3A_1265, %max3A_1267 : vector<16xf32>
      %min3A_1282 = arith.minimumf %min3A_1264, %min3A_1266 : vector<16xf32>
      %max3A_1283 = arith.maximumf %min3A_1264, %min3A_1266 : vector<16xf32>
      %min3A_1284 = arith.minimumf %min3A_1268, %max3A_1273 : vector<16xf32>
      %max3A_1285 = arith.maximumf %min3A_1268, %max3A_1273 : vector<16xf32>
      %min3A_1286 = arith.minimumf %max3A_1269, %min3A_1272 : vector<16xf32>
      %max3A_1287 = arith.maximumf %max3A_1269, %min3A_1272 : vector<16xf32>
      %min3A_1288 = arith.minimumf %min3A_1270, %max3A_1275 : vector<16xf32>
      %max3A_1289 = arith.maximumf %min3A_1270, %max3A_1275 : vector<16xf32>
      %min3A_1290 = arith.minimumf %max3A_1271, %min3A_1274 : vector<16xf32>
      %max3A_1291 = arith.maximumf %max3A_1271, %min3A_1274 : vector<16xf32>
      %min3A_1292 = arith.minimumf %min3A_1276, %max3A_1281 : vector<16xf32>
      %max3A_1293 = arith.maximumf %min3A_1276, %max3A_1281 : vector<16xf32>
      %min3A_1294 = arith.minimumf %max3A_1277, %min3A_1280 : vector<16xf32>
      %max3A_1295 = arith.maximumf %max3A_1277, %min3A_1280 : vector<16xf32>
      %min3A_1296 = arith.minimumf %min3A_1278, %max3A_1283 : vector<16xf32>
      %max3A_1297 = arith.maximumf %min3A_1278, %max3A_1283 : vector<16xf32>
      %min3A_1298 = arith.minimumf %max3A_1279, %min3A_1282 : vector<16xf32>
      %max3A_1299 = arith.maximumf %max3A_1279, %min3A_1282 : vector<16xf32>
      %min3A_1300 = arith.minimumf %min3A_1284, %min3A_1288 : vector<16xf32>
      %max3A_1301 = arith.maximumf %min3A_1284, %min3A_1288 : vector<16xf32>
      %min3A_1302 = arith.minimumf %min3A_1286, %min3A_1290 : vector<16xf32>
      %max3A_1303 = arith.maximumf %min3A_1286, %min3A_1290 : vector<16xf32>
      %min3A_1304 = arith.minimumf %max3A_1285, %max3A_1289 : vector<16xf32>
      %max3A_1305 = arith.maximumf %max3A_1285, %max3A_1289 : vector<16xf32>
      %min3A_1306 = arith.minimumf %max3A_1287, %max3A_1291 : vector<16xf32>
      %max3A_1307 = arith.maximumf %max3A_1287, %max3A_1291 : vector<16xf32>
      %min3A_1308 = arith.minimumf %max3A_1293, %max3A_1297 : vector<16xf32>
      %max3A_1309 = arith.maximumf %max3A_1293, %max3A_1297 : vector<16xf32>
      %min3A_1310 = arith.minimumf %max3A_1295, %max3A_1299 : vector<16xf32>
      %max3A_1311 = arith.maximumf %max3A_1295, %max3A_1299 : vector<16xf32>
      %min3A_1312 = arith.minimumf %min3A_1292, %min3A_1296 : vector<16xf32>
      %max3A_1313 = arith.maximumf %min3A_1292, %min3A_1296 : vector<16xf32>
      %min3A_1314 = arith.minimumf %min3A_1294, %min3A_1298 : vector<16xf32>
      %max3A_1315 = arith.maximumf %min3A_1294, %min3A_1298 : vector<16xf32>
      %min3A_1316 = arith.minimumf %min3A_1300, %min3A_1302 : vector<16xf32>
      %max3A_1317 = arith.maximumf %min3A_1300, %min3A_1302 : vector<16xf32>
      %min3A_1318 = arith.minimumf %max3A_1301, %max3A_1303 : vector<16xf32>
      %max3A_1319 = arith.maximumf %max3A_1301, %max3A_1303 : vector<16xf32>
      %min3A_1320 = arith.minimumf %min3A_1304, %min3A_1306 : vector<16xf32>
      %max3A_1321 = arith.maximumf %min3A_1304, %min3A_1306 : vector<16xf32>
      %min3A_1322 = arith.minimumf %max3A_1305, %max3A_1307 : vector<16xf32>
      %max3A_1323 = arith.maximumf %max3A_1305, %max3A_1307 : vector<16xf32>
      %min3A_1324 = arith.minimumf %max3A_1309, %max3A_1311 : vector<16xf32>
      %max3A_1325 = arith.maximumf %max3A_1309, %max3A_1311 : vector<16xf32>
      %min3A_1326 = arith.minimumf %min3A_1308, %min3A_1310 : vector<16xf32>
      %max3A_1327 = arith.maximumf %min3A_1308, %min3A_1310 : vector<16xf32>
      %min3A_1328 = arith.minimumf %max3A_1313, %max3A_1315 : vector<16xf32>
      %max3A_1329 = arith.maximumf %max3A_1313, %max3A_1315 : vector<16xf32>
      %min3A_1330 = arith.minimumf %min3A_1312, %min3A_1314 : vector<16xf32>
      %max3A_1331 = arith.maximumf %min3A_1312, %min3A_1314 : vector<16xf32>
      %min3A_1332 = arith.minimumf %min3A_1316, %max3A_1325 : vector<16xf32>
      %max3A_1333 = arith.maximumf %min3A_1316, %max3A_1325 : vector<16xf32>
      %min3A_1334 = arith.minimumf %max3A_1317, %min3A_1324 : vector<16xf32>
      %max3A_1335 = arith.maximumf %max3A_1317, %min3A_1324 : vector<16xf32>
      %min3A_1336 = arith.minimumf %min3A_1318, %max3A_1327 : vector<16xf32>
      %max3A_1337 = arith.maximumf %min3A_1318, %max3A_1327 : vector<16xf32>
      %min3A_1338 = arith.minimumf %max3A_1319, %min3A_1326 : vector<16xf32>
      %max3A_1339 = arith.maximumf %max3A_1319, %min3A_1326 : vector<16xf32>
      %min3A_1340 = arith.minimumf %min3A_1320, %max3A_1329 : vector<16xf32>
      %max3A_1341 = arith.maximumf %min3A_1320, %max3A_1329 : vector<16xf32>
      %min3A_1342 = arith.minimumf %max3A_1321, %min3A_1328 : vector<16xf32>
      %max3A_1343 = arith.maximumf %max3A_1321, %min3A_1328 : vector<16xf32>
      %min3A_1344 = arith.minimumf %min3A_1322, %max3A_1331 : vector<16xf32>
      %max3A_1345 = arith.maximumf %min3A_1322, %max3A_1331 : vector<16xf32>
      %min3A_1346 = arith.minimumf %max3A_1323, %min3A_1330 : vector<16xf32>
      %max3A_1347 = arith.maximumf %max3A_1323, %min3A_1330 : vector<16xf32>
      %min3A_1348 = arith.minimumf %min3A_1332, %min3A_1340 : vector<16xf32>
      %max3A_1349 = arith.maximumf %min3A_1332, %min3A_1340 : vector<16xf32>
      %min3A_1350 = arith.minimumf %min3A_1334, %min3A_1342 : vector<16xf32>
      %max3A_1351 = arith.maximumf %min3A_1334, %min3A_1342 : vector<16xf32>
      %min3A_1352 = arith.minimumf %min3A_1336, %min3A_1344 : vector<16xf32>
      %max3A_1353 = arith.maximumf %min3A_1336, %min3A_1344 : vector<16xf32>
      %min3A_1354 = arith.minimumf %min3A_1338, %min3A_1346 : vector<16xf32>
      %max3A_1355 = arith.maximumf %min3A_1338, %min3A_1346 : vector<16xf32>
      %min3A_1356 = arith.minimumf %max3A_1333, %max3A_1341 : vector<16xf32>
      %max3A_1357 = arith.maximumf %max3A_1333, %max3A_1341 : vector<16xf32>
      %min3A_1358 = arith.minimumf %max3A_1335, %max3A_1343 : vector<16xf32>
      %max3A_1359 = arith.maximumf %max3A_1335, %max3A_1343 : vector<16xf32>
      %min3A_1360 = arith.minimumf %max3A_1337, %max3A_1345 : vector<16xf32>
      %max3A_1361 = arith.maximumf %max3A_1337, %max3A_1345 : vector<16xf32>
      %min3A_1362 = arith.minimumf %max3A_1339, %max3A_1347 : vector<16xf32>
      %max3A_1363 = arith.maximumf %max3A_1339, %max3A_1347 : vector<16xf32>
      %min3A_1364 = arith.minimumf %min3A_1348, %min3A_1352 : vector<16xf32>
      %max3A_1365 = arith.maximumf %min3A_1348, %min3A_1352 : vector<16xf32>
      %min3A_1366 = arith.minimumf %min3A_1350, %min3A_1354 : vector<16xf32>
      %max3A_1367 = arith.maximumf %min3A_1350, %min3A_1354 : vector<16xf32>
      %min3A_1368 = arith.minimumf %max3A_1349, %max3A_1353 : vector<16xf32>
      %max3A_1369 = arith.maximumf %max3A_1349, %max3A_1353 : vector<16xf32>
      %min3A_1370 = arith.minimumf %max3A_1351, %max3A_1355 : vector<16xf32>
      %max3A_1371 = arith.maximumf %max3A_1351, %max3A_1355 : vector<16xf32>
      %min3A_1372 = arith.minimumf %min3A_1356, %min3A_1360 : vector<16xf32>
      %max3A_1373 = arith.maximumf %min3A_1356, %min3A_1360 : vector<16xf32>
      %min3A_1374 = arith.minimumf %min3A_1358, %min3A_1362 : vector<16xf32>
      %max3A_1375 = arith.maximumf %min3A_1358, %min3A_1362 : vector<16xf32>
      %min3A_1376 = arith.minimumf %max3A_1357, %max3A_1361 : vector<16xf32>
      %max3A_1377 = arith.maximumf %max3A_1357, %max3A_1361 : vector<16xf32>
      %min3A_1378 = arith.minimumf %max3A_1359, %max3A_1363 : vector<16xf32>
      %max3A_1379 = arith.maximumf %max3A_1359, %max3A_1363 : vector<16xf32>
      %min3A_1380 = arith.minimumf %min3A_1364, %min3A_1366 : vector<16xf32>
      %max3A_1381 = arith.maximumf %min3A_1364, %min3A_1366 : vector<16xf32>
      %min3A_1382 = arith.minimumf %max3A_1365, %max3A_1367 : vector<16xf32>
      %max3A_1383 = arith.maximumf %max3A_1365, %max3A_1367 : vector<16xf32>
      %min3A_1384 = arith.minimumf %min3A_1368, %min3A_1370 : vector<16xf32>
      %max3A_1385 = arith.maximumf %min3A_1368, %min3A_1370 : vector<16xf32>
      %min3A_1386 = arith.minimumf %max3A_1369, %max3A_1371 : vector<16xf32>
      %max3A_1387 = arith.maximumf %max3A_1369, %max3A_1371 : vector<16xf32>
      %min3A_1388 = arith.minimumf %min3A_1372, %min3A_1374 : vector<16xf32>
      %max3A_1389 = arith.maximumf %min3A_1372, %min3A_1374 : vector<16xf32>
      %min3A_1390 = arith.minimumf %max3A_1373, %max3A_1375 : vector<16xf32>
      %max3A_1391 = arith.maximumf %max3A_1373, %max3A_1375 : vector<16xf32>
      %min3A_1392 = arith.minimumf %min3A_1376, %min3A_1378 : vector<16xf32>
      %max3A_1393 = arith.maximumf %min3A_1376, %min3A_1378 : vector<16xf32>
      %min3A_1394 = arith.minimumf %max3A_1377, %max3A_1379 : vector<16xf32>
      %max3A_1395 = arith.maximumf %max3A_1377, %max3A_1379 : vector<16xf32>
      %min3A_1396 = arith.minimumf %min3A_1220, %max3A_1395 : vector<16xf32>
      %min3A_1397 = arith.minimumf %max3A_1221, %min3A_1394 : vector<16xf32>
      %min3A_1398 = arith.minimumf %min3A_1222, %max3A_1393 : vector<16xf32>
      %min3A_1399 = arith.minimumf %max3A_1223, %min3A_1392 : vector<16xf32>
      %min3A_1400 = arith.minimumf %min3A_1224, %max3A_1391 : vector<16xf32>
      %min3A_1401 = arith.minimumf %max3A_1225, %min3A_1390 : vector<16xf32>
      %min3A_1402 = arith.minimumf %min3A_1226, %max3A_1389 : vector<16xf32>
      %min3A_1403 = arith.minimumf %max3A_1227, %min3A_1388 : vector<16xf32>
      %min3A_1404 = arith.minimumf %min3A_1228, %max3A_1387 : vector<16xf32>
      %min3A_1405 = arith.minimumf %max3A_1229, %min3A_1386 : vector<16xf32>
      %min3A_1406 = arith.minimumf %min3A_1230, %max3A_1385 : vector<16xf32>
      %min3A_1407 = arith.minimumf %max3A_1231, %min3A_1384 : vector<16xf32>
      %min3A_1408 = arith.minimumf %min3A_1232, %max3A_1383 : vector<16xf32>
      %min3A_1409 = arith.minimumf %max3A_1233, %min3A_1382 : vector<16xf32>
      %min3A_1410 = arith.minimumf %min3A_1234, %max3A_1381 : vector<16xf32>
      %min3A_1411 = arith.minimumf %max3A_1235, %min3A_1380 : vector<16xf32>
      %max3A_1412 = arith.maximumf %min3A_1396, %min3A_1397 : vector<16xf32>
      %max3A_1413 = arith.maximumf %max3A_1412, %min3A_1398 : vector<16xf32>
      %max3A_1414 = arith.maximumf %max3A_1413, %min3A_1399 : vector<16xf32>
      %max3A_1415 = arith.maximumf %max3A_1414, %min3A_1400 : vector<16xf32>
      %max3A_1416 = arith.maximumf %max3A_1415, %min3A_1401 : vector<16xf32>
      %max3A_1417 = arith.maximumf %max3A_1416, %min3A_1402 : vector<16xf32>
      %max3A_1418 = arith.maximumf %max3A_1417, %min3A_1403 : vector<16xf32>
      %max3A_1419 = arith.maximumf %max3A_1418, %min3A_1404 : vector<16xf32>
      %max3A_1420 = arith.maximumf %max3A_1419, %min3A_1405 : vector<16xf32>
      %max3A_1421 = arith.maximumf %max3A_1420, %min3A_1406 : vector<16xf32>
      %max3A_1422 = arith.maximumf %max3A_1421, %min3A_1407 : vector<16xf32>
      %max3A_1423 = arith.maximumf %max3A_1422, %min3A_1408 : vector<16xf32>
      %max3A_1424 = arith.maximumf %max3A_1423, %min3A_1409 : vector<16xf32>
      %max3A_1425 = arith.maximumf %max3A_1424, %min3A_1410 : vector<16xf32>
      %max3A_1426 = arith.maximumf %max3A_1425, %min3A_1411 : vector<16xf32>
      %mul3A_1427 = arith.constant 16 : i32
      %mul3A_1428 = arith.muli %add3A_775, %mul3A_1427 : i32
      %swap3A_1429 = arith.index_cast %mul3A_1428 : i32 to index
      %swap3A_1430 = tpu.vector_load %arg14[%swap3A_1429] {strides = array<i32>} : memref<800xf32, #tpu.memory_space<vmem>>, vector<16xf32>,
      tpu.vector_store %arg14[%swap3A_1429], %mul3A_1070 {strides = array<i32>} : memref<800xf32, #tpu.memory_space<vmem>>, vector<16xf32>,
      %swap3A_1431 = arith.index_cast %mul3A_1428 : i32 to index
      %swap3A_1432 = tpu.vector_load %arg15[%swap3A_1431] {strides = array<i32>} : memref<800xf32, #tpu.memory_space<vmem>>, vector<16xf32>,
      tpu.vector_store %arg15[%swap3A_1431], %mul3A_1075 {strides = array<i32>} : memref<800xf32, #tpu.memory_space<vmem>>, vector<16xf32>,
      %swap3A_1433 = arith.index_cast %mul3A_1428 : i32 to index
      %swap3A_1434 = tpu.vector_load %arg16[%swap3A_1433] {strides = array<i32>} : memref<800xf32, #tpu.memory_space<vmem>>, vector<16xf32>,
      tpu.vector_store %arg16[%swap3A_1433], %min3A_1066 {strides = array<i32>} : memref<800xf32, #tpu.memory_space<vmem>>, vector<16xf32>,
      %swap3A_1435 = arith.index_cast %mul3A_1428 : i32 to index
      %swap3A_1436 = tpu.vector_load %arg17[%swap3A_1435] {strides = array<i32>} : memref<800xf32, #tpu.memory_space<vmem>>, vector<16xf32>,
      tpu.vector_store %arg17[%swap3A_1435], %max3A_1426 {strides = array<i32>} : memref<800xf32, #tpu.memory_space<vmem>>, vector<16xf32>,
      %swap3A_1437 = arith.index_cast %mul3A_1428 : i32 to index
      %swap3A_1438 = tpu.vector_load %arg18[%swap3A_1437] {strides = array<i32>} : memref<800xf32, #tpu.memory_space<vmem>>, vector<16xf32>,
      tpu.vector_store %arg18[%swap3A_1437], %max3A_1067 {strides = array<i32>} : memref<800xf32, #tpu.memory_space<vmem>>, vector<16xf32>,
      %add3A_1439 = arith.constant 2 : i32
      %add3A_1440 = arith.addi %add3A_775, %add3A_1439 : i32
      %mul3A_1441 = arith.constant 512 : i32
      %mul3A_1442 = arith.muli %add3A_1440, %mul3A_1441 : i32
      %add3A_1443 = arith.constant 0 : i32
      %add3A_1444 = arith.addi %mul3A_1442, %add3A_1443 : i32
      %dma_start3A_1445 = arith.constant 0 : i32
      %dma_start3A_1446 = tpu.memref_slice %arg13[%dma_start3A_1445] : memref<512xf32, #tpu.memory_space<vmem>> -> memref<128xf32, #tpu.memory_space<vmem>>
      %dma_start3A_1447 = tpu.memref_slice %arg11[%add3A_1444] : memref<26624xi32, #tpu.memory_space<vmem>> -> memref<128xi32, #tpu.memory_space<vmem>>
      %dma_start3A_1448 = arith.constant 0 : i32
      %dma_start3A_1449 = tpu.memref_slice %arg9[%dma_start3A_1448] : memref<800000xf32, #tpu.memory_space<vmem_shared>> -> memref<800000xf32, #tpu.memory_space<vmem_shared>>
      tpu.enqueue_indirect_dma source(%dma_start3A_1449 : memref<800000xf32, #tpu.memory_space<vmem_shared>>) target(%dma_start3A_1446 : memref<128xf32, #tpu.memory_space<vmem>>) offsets(%dma_start3A_1447 : memref<128xi32, #tpu.memory_space<vmem>>) semaphore(%arg20 : memref<!tpu.dma_semaphore, #tpu.memory_space<semaphore_mem>>)
      %mul3A_1450 = arith.constant 512 : i32
      %mul3A_1451 = arith.muli %add3A_1440, %mul3A_1450 : i32
      %add3A_1452 = arith.constant 128 : i32
      %add3A_1453 = arith.addi %mul3A_1451, %add3A_1452 : i32
      %dma_start3A_1454 = arith.constant 128 : i32
      %dma_start3A_1455 = tpu.memref_slice %arg13[%dma_start3A_1454] : memref<512xf32, #tpu.memory_space<vmem>> -> memref<128xf32, #tpu.memory_space<vmem>>
      %dma_start3A_1456 = tpu.memref_slice %arg11[%add3A_1453] : memref<26624xi32, #tpu.memory_space<vmem>> -> memref<128xi32, #tpu.memory_space<vmem>>
      %dma_start3A_1457 = arith.constant 0 : i32
      %dma_start3A_1458 = tpu.memref_slice %arg9[%dma_start3A_1457] : memref<800000xf32, #tpu.memory_space<vmem_shared>> -> memref<800000xf32, #tpu.memory_space<vmem_shared>>
      tpu.enqueue_indirect_dma source(%dma_start3A_1458 : memref<800000xf32, #tpu.memory_space<vmem_shared>>) target(%dma_start3A_1455 : memref<128xf32, #tpu.memory_space<vmem>>) offsets(%dma_start3A_1456 : memref<128xi32, #tpu.memory_space<vmem>>) semaphore(%arg20 : memref<!tpu.dma_semaphore, #tpu.memory_space<semaphore_mem>>)
      %mul3A_1459 = arith.constant 512 : i32
      %mul3A_1460 = arith.muli %add3A_1440, %mul3A_1459 : i32
      %add3A_1461 = arith.constant 256 : i32
      %add3A_1462 = arith.addi %mul3A_1460, %add3A_1461 : i32
      %dma_start3A_1463 = arith.constant 256 : i32
      %dma_start3A_1464 = tpu.memref_slice %arg13[%dma_start3A_1463] : memref<512xf32, #tpu.memory_space<vmem>> -> memref<128xf32, #tpu.memory_space<vmem>>
      %dma_start3A_1465 = tpu.memref_slice %arg11[%add3A_1462] : memref<26624xi32, #tpu.memory_space<vmem>> -> memref<128xi32, #tpu.memory_space<vmem>>
      %dma_start3A_1466 = arith.constant 0 : i32
      %dma_start3A_1467 = tpu.memref_slice %arg9[%dma_start3A_1466] : memref<800000xf32, #tpu.memory_space<vmem_shared>> -> memref<800000xf32, #tpu.memory_space<vmem_shared>>
      tpu.enqueue_indirect_dma source(%dma_start3A_1467 : memref<800000xf32, #tpu.memory_space<vmem_shared>>) target(%dma_start3A_1464 : memref<128xf32, #tpu.memory_space<vmem>>) offsets(%dma_start3A_1465 : memref<128xi32, #tpu.memory_space<vmem>>) semaphore(%arg20 : memref<!tpu.dma_semaphore, #tpu.memory_space<semaphore_mem>>)
      %mul3A_1468 = arith.constant 512 : i32
      %mul3A_1469 = arith.muli %add3A_1440, %mul3A_1468 : i32
      %add3A_1470 = arith.constant 384 : i32
      %add3A_1471 = arith.addi %mul3A_1469, %add3A_1470 : i32
      %dma_start3A_1472 = arith.constant 384 : i32
      %dma_start3A_1473 = tpu.memref_slice %arg13[%dma_start3A_1472] : memref<512xf32, #tpu.memory_space<vmem>> -> memref<128xf32, #tpu.memory_space<vmem>>
      %dma_start3A_1474 = tpu.memref_slice %arg11[%add3A_1471] : memref<26624xi32, #tpu.memory_space<vmem>> -> memref<128xi32, #tpu.memory_space<vmem>>
      %dma_start3A_1475 = arith.constant 0 : i32
      %dma_start3A_1476 = tpu.memref_slice %arg9[%dma_start3A_1475] : memref<800000xf32, #tpu.memory_space<vmem_shared>> -> memref<800000xf32, #tpu.memory_space<vmem_shared>>
      tpu.enqueue_indirect_dma source(%dma_start3A_1476 : memref<800000xf32, #tpu.memory_space<vmem_shared>>) target(%dma_start3A_1473 : memref<128xf32, #tpu.memory_space<vmem>>) offsets(%dma_start3A_1474 : memref<128xi32, #tpu.memory_space<vmem>>) semaphore(%arg20 : memref<!tpu.dma_semaphore, #tpu.memory_space<semaphore_mem>>)
    }
    %scan3A_64 = arith.constant 25 : i32
    %dma_wait3A = arith.constant 0 : i32
    %dma_wait3A_65 = tpu.memref_slice %arg9[%dma_wait3A] : memref<800000xf32, #tpu.memory_space<vmem_shared>> -> memref<512xf32, #tpu.memory_space<vmem_shared>>
    %dma_wait3A_66 = arith.constant 0 : i32
    %dma_wait3A_67 = tpu.memref_slice %arg9[%dma_wait3A_66] : memref<800000xf32, #tpu.memory_space<vmem_shared>> -> memref<512xf32, #tpu.memory_space<vmem_shared>>
    tpu.wait_dma2 semaphore(%arg19 : memref<!tpu.dma_semaphore, #tpu.memory_space<semaphore_mem>>) src(%dma_wait3A_67 : memref<512xf32, #tpu.memory_space<vmem_shared>>) dst(%arg12 : memref<512xf32, #tpu.memory_space<vmem>>)
    %dma_wait3A_68 = arith.constant 0 : i32
    %dma_wait3A_69 = tpu.memref_slice %arg9[%dma_wait3A_68] : memref<800000xf32, #tpu.memory_space<vmem_shared>> -> memref<512xf32, #tpu.memory_space<vmem_shared>>
    %dma_wait3A_70 = arith.constant 0 : i32
    %dma_wait3A_71 = tpu.memref_slice %arg9[%dma_wait3A_70] : memref<800000xf32, #tpu.memory_space<vmem_shared>> -> memref<512xf32, #tpu.memory_space<vmem_shared>>
    tpu.wait_dma2 semaphore(%arg20 : memref<!tpu.dma_semaphore, #tpu.memory_space<semaphore_mem>>) src(%dma_wait3A_71 : memref<512xf32, #tpu.memory_space<vmem_shared>>) dst(%arg13 : memref<512xf32, #tpu.memory_space<vmem>>)
    "tpu.region"() ({
      %run_scoped3A = tpu.sem_alloc : memref<!tpu.dma_semaphore, #tpu.memory_space<semaphore_mem>>
      %dma_start3A_72 = tpu.memref_slice %arg4[%mul3A_2] : memref<25600xf32, #tpu.memory_space<hbm>> -> memref<800xf32, #tpu.memory_space<hbm>>
      %dma_start3A_73 = tpu.memref_slice %arg4[%mul3A_2] : memref<25600xf32, #tpu.memory_space<hbm>> -> memref<800xf32, #tpu.memory_space<hbm>>
      tpu.enqueue_dma source(%arg14 : memref<800xf32, #tpu.memory_space<vmem>>) target(%dma_start3A_73 : memref<800xf32, #tpu.memory_space<hbm>>) target_semaphore(%run_scoped3A : memref<!tpu.dma_semaphore, #tpu.memory_space<semaphore_mem>>)
      %dma_wait3A_74 = tpu.memref_slice %arg4[%mul3A_2] : memref<25600xf32, #tpu.memory_space<hbm>> -> memref<800xf32, #tpu.memory_space<hbm>>
      %dma_wait3A_75 = tpu.memref_slice %arg4[%mul3A_2] : memref<25600xf32, #tpu.memory_space<hbm>> -> memref<800xf32, #tpu.memory_space<hbm>>
      tpu.wait_dma2 semaphore(%run_scoped3A : memref<!tpu.dma_semaphore, #tpu.memory_space<semaphore_mem>>) src(%arg14 : memref<800xf32, #tpu.memory_space<vmem>>) dst(%dma_wait3A_75 : memref<800xf32, #tpu.memory_space<hbm>>)
      tpu.yield
    }) : () -> ()
    "tpu.region"() ({
      %run_scoped3A = tpu.sem_alloc : memref<!tpu.dma_semaphore, #tpu.memory_space<semaphore_mem>>
      %dma_start3A_72 = tpu.memref_slice %arg5[%mul3A_2] : memref<25600xf32, #tpu.memory_space<hbm>> -> memref<800xf32, #tpu.memory_space<hbm>>
      %dma_start3A_73 = tpu.memref_slice %arg5[%mul3A_2] : memref<25600xf32, #tpu.memory_space<hbm>> -> memref<800xf32, #tpu.memory_space<hbm>>
      tpu.enqueue_dma source(%arg15 : memref<800xf32, #tpu.memory_space<vmem>>) target(%dma_start3A_73 : memref<800xf32, #tpu.memory_space<hbm>>) target_semaphore(%run_scoped3A : memref<!tpu.dma_semaphore, #tpu.memory_space<semaphore_mem>>)
      %dma_wait3A_74 = tpu.memref_slice %arg5[%mul3A_2] : memref<25600xf32, #tpu.memory_space<hbm>> -> memref<800xf32, #tpu.memory_space<hbm>>
      %dma_wait3A_75 = tpu.memref_slice %arg5[%mul3A_2] : memref<25600xf32, #tpu.memory_space<hbm>> -> memref<800xf32, #tpu.memory_space<hbm>>
      tpu.wait_dma2 semaphore(%run_scoped3A : memref<!tpu.dma_semaphore, #tpu.memory_space<semaphore_mem>>) src(%arg15 : memref<800xf32, #tpu.memory_space<vmem>>) dst(%dma_wait3A_75 : memref<800xf32, #tpu.memory_space<hbm>>)
      tpu.yield
    }) : () -> ()
    "tpu.region"() ({
      %run_scoped3A = tpu.sem_alloc : memref<!tpu.dma_semaphore, #tpu.memory_space<semaphore_mem>>
      %dma_start3A_72 = tpu.memref_slice %arg6[%mul3A_2] : memref<25600xf32, #tpu.memory_space<hbm>> -> memref<800xf32, #tpu.memory_space<hbm>>
      %dma_start3A_73 = tpu.memref_slice %arg6[%mul3A_2] : memref<25600xf32, #tpu.memory_space<hbm>> -> memref<800xf32, #tpu.memory_space<hbm>>
      tpu.enqueue_dma source(%arg16 : memref<800xf32, #tpu.memory_space<vmem>>) target(%dma_start3A_73 : memref<800xf32, #tpu.memory_space<hbm>>) target_semaphore(%run_scoped3A : memref<!tpu.dma_semaphore, #tpu.memory_space<semaphore_mem>>)
      %dma_wait3A_74 = tpu.memref_slice %arg6[%mul3A_2] : memref<25600xf32, #tpu.memory_space<hbm>> -> memref<800xf32, #tpu.memory_space<hbm>>
      %dma_wait3A_75 = tpu.memref_slice %arg6[%mul3A_2] : memref<25600xf32, #tpu.memory_space<hbm>> -> memref<800xf32, #tpu.memory_space<hbm>>
      tpu.wait_dma2 semaphore(%run_scoped3A : memref<!tpu.dma_semaphore, #tpu.memory_space<semaphore_mem>>) src(%arg16 : memref<800xf32, #tpu.memory_space<vmem>>) dst(%dma_wait3A_75 : memref<800xf32, #tpu.memory_space<hbm>>)
      tpu.yield
    }) : () -> ()
    "tpu.region"() ({
      %run_scoped3A = tpu.sem_alloc : memref<!tpu.dma_semaphore, #tpu.memory_space<semaphore_mem>>
      %dma_start3A_72 = tpu.memref_slice %arg7[%mul3A_2] : memref<25600xf32, #tpu.memory_space<hbm>> -> memref<800xf32, #tpu.memory_space<hbm>>
      %dma_start3A_73 = tpu.memref_slice %arg7[%mul3A_2] : memref<25600xf32, #tpu.memory_space<hbm>> -> memref<800xf32, #tpu.memory_space<hbm>>
      tpu.enqueue_dma source(%arg17 : memref<800xf32, #tpu.memory_space<vmem>>) target(%dma_start3A_73 : memref<800xf32, #tpu.memory_space<hbm>>) target_semaphore(%run_scoped3A : memref<!tpu.dma_semaphore, #tpu.memory_space<semaphore_mem>>)
      %dma_wait3A_74 = tpu.memref_slice %arg7[%mul3A_2] : memref<25600xf32, #tpu.memory_space<hbm>> -> memref<800xf32, #tpu.memory_space<hbm>>
      %dma_wait3A_75 = tpu.memref_slice %arg7[%mul3A_2] : memref<25600xf32, #tpu.memory_space<hbm>> -> memref<800xf32, #tpu.memory_space<hbm>>
      tpu.wait_dma2 semaphore(%run_scoped3A : memref<!tpu.dma_semaphore, #tpu.memory_space<semaphore_mem>>) src(%arg17 : memref<800xf32, #tpu.memory_space<vmem>>) dst(%dma_wait3A_75 : memref<800xf32, #tpu.memory_space<hbm>>)
      tpu.yield
    }) : () -> ()
    "tpu.region"() ({
      %run_scoped3A = tpu.sem_alloc : memref<!tpu.dma_semaphore, #tpu.memory_space<semaphore_mem>>
      %dma_start3A_72 = tpu.memref_slice %arg8[%mul3A_2] : memref<25600xf32, #tpu.memory_space<hbm>> -> memref<800xf32, #tpu.memory_space<hbm>>
      %dma_start3A_73 = tpu.memref_slice %arg8[%mul3A_2] : memref<25600xf32, #tpu.memory_space<hbm>> -> memref<800xf32, #tpu.memory_space<hbm>>
      tpu.enqueue_dma source(%arg18 : memref<800xf32, #tpu.memory_space<vmem>>) target(%dma_start3A_73 : memref<800xf32, #tpu.memory_space<hbm>>) target_semaphore(%run_scoped3A : memref<!tpu.dma_semaphore, #tpu.memory_space<semaphore_mem>>)
      %dma_wait3A_74 = tpu.memref_slice %arg8[%mul3A_2] : memref<25600xf32, #tpu.memory_space<hbm>> -> memref<800xf32, #tpu.memory_space<hbm>>
      %dma_wait3A_75 = tpu.memref_slice %arg8[%mul3A_2] : memref<25600xf32, #tpu.memory_space<hbm>> -> memref<800xf32, #tpu.memory_space<hbm>>
      tpu.wait_dma2 semaphore(%run_scoped3A : memref<!tpu.dma_semaphore, #tpu.memory_space<semaphore_mem>>) src(%arg18 : memref<800xf32, #tpu.memory_space<vmem>>) dst(%dma_wait3A_75 : memref<800xf32, #tpu.memory_space<hbm>>)
      tpu.yield
    }) : () -> ()
    return
  }
}

module attributes {stable_mosaic.version = 14 : i64} {
  func.func @_mlp_rows_body(%arg0: i32, %arg1: memref<4000x128xf32, #tpu.memory_space<vmem>>, %arg2: memref<4000x8xf32, #tpu.memory_space<vmem>>, %arg3: memref<272x1200xf32, #tpu.memory_space<vmem>>, %arg4: memref<8x144xf32, #tpu.memory_space<vmem>>, %arg5: memref<1x1200xf32, #tpu.memory_space<vmem>>, %arg6: memref<1200x8xf32, #tpu.memory_space<vmem>>, %arg7: memref<1x1xf32, #tpu.memory_space<vmem>>, %arg8: memref<4000x8xf32, #tpu.memory_space<vmem>>) attributes {dimension_semantics = [#tpu.dimension_semantics<arbitrary>], iteration_bounds = array<i64: 25>, scalar_prefetch = 0 : i64, scratch_operands = 0 : i64, tpu.core_type = #tpu.core_type<tc>, window_params = [{transform_indices = @transform_0, window_bounds = array<i64: 4000, 128>}, {transform_indices = @transform_1, window_bounds = array<i64: 4000, 8>}, {pipeline_mode = #tpu.pipeline_mode<synchronous>, transform_indices = @transform_2, window_bounds = array<i64: 272, 1200>}, {pipeline_mode = #tpu.pipeline_mode<synchronous>, transform_indices = @transform_3, window_bounds = array<i64: 8, 144>}, {pipeline_mode = #tpu.pipeline_mode<synchronous>, transform_indices = @transform_4, window_bounds = array<i64: 1, 1200>}, {pipeline_mode = #tpu.pipeline_mode<synchronous>, transform_indices = @transform_5, window_bounds = array<i64: 1200, 8>}, {pipeline_mode = #tpu.pipeline_mode<synchronous>, transform_indices = @transform_6, window_bounds = array<i64: 1, 1>}, {transform_indices = @transform_7, window_bounds = array<i64: 4000, 8>}]} {
    %get3A = arith.constant 0 : index
    %get3A_0 = arith.constant 0 : index
    %get3A_1 = vector.load %arg2[%get3A, %get3A_0] : memref<4000x8xf32, #tpu.memory_space<vmem>>, vector<4000x8xf32>
    %get3A_2 = arith.constant 0 : index
    %get3A_3 = arith.constant 0 : index
    %get3A_4 = vector.load %arg4[%get3A_2, %get3A_3] : memref<8x144xf32, #tpu.memory_space<vmem>>, vector<8x144xf32>
    %dot_general3A = arith.constant dense<0.000000e+00> : vector<4000x144xf32>
    %dot_general3A_5 = tpu.matmul %get3A_1, %get3A_4, %dot_general3A {dimension_numbers = #tpu.dot_dimension_numbers<[1], [0], [0], [1], [0, 0, 1, 1], [], []>, transpose_lhs_hint = false} : vector<4000x8xf32>, vector<8x144xf32>, vector<4000x144xf32> -> vector<4000x144xf32>
    %iota3A = tpu.iota {dimensions = array<i32: 1>} : vector<1x144xi32>
    %jit3A = arith.constant 18 : i32
    %eq3A = arith.constant 0 : i32
    %eq3A_6 = arith.cmpi eq, %jit3A, %eq3A : i32
    %jit3A_7 = arith.constant 1 : i32
    %select_n3A = arith.select %eq3A_6, %jit3A_7, %jit3A : i32
    %rem3A = vector.broadcast %select_n3A : i32 to vector<1x144xi32>
    %rem3A_8 = arith.remsi %iota3A, %rem3A : vector<1x144xi32>
    %ne3A = arith.constant 0 : i32
    %ne3A_9 = vector.broadcast %ne3A : i32 to vector<1x144xi32>
    %ne3A_10 = arith.cmpi ne, %rem3A_8, %ne3A_9 : vector<1x144xi32>
    %lt3A = arith.constant 0 : i32
    %lt3A_11 = vector.broadcast %lt3A : i32 to vector<1x144xi32>
    %lt3A_12 = arith.cmpi slt, %rem3A_8, %lt3A_11 : vector<1x144xi32>
    %lt3A_13 = arith.constant 0 : i32
    %lt3A_14 = arith.cmpi slt, %select_n3A, %lt3A_13 : i32
    %ne3A_15 = vector.broadcast %lt3A_14 : i1 to vector<1x144xi1>
    %ne3A_16 = vector.broadcast %ne3A_15 : vector<1x144xi1> to vector<1x144xi1>
    %ne3A_17 = arith.xori %lt3A_12, %ne3A_16 : vector<1x144xi1>
    %and3A = arith.andi %ne3A_17, %ne3A_10 : vector<1x144xi1>
    %add3A = vector.broadcast %select_n3A : i32 to vector<1x144xi32>
    %add3A_18 = arith.addi %rem3A_8, %add3A : vector<1x144xi32>
    %select_n3A_19 = arith.select %and3A, %add3A_18, %rem3A_8 : vector<1x144xi1>, vector<1x144xi32>
    %convert_element_type3A = arith.sitofp %select_n3A_19 : vector<1x144xi32> to vector<1x144xf32>
    %eq3A_20 = vector.broadcast %convert_element_type3A : vector<1x144xf32> to vector<4000x144xf32>
    %eq3A_21 = arith.cmpf oeq, %dot_general3A_5, %eq3A_20 : vector<4000x144xf32>
    %convert_element_type3A_22 = arith.extui %eq3A_21 : vector<4000x144xi1> to vector<4000x144xi32>
    %convert_element_type3A_23 = arith.sitofp %convert_element_type3A_22 : vector<4000x144xi32> to vector<4000x144xf32>
    %get3A_24 = arith.constant 0 : index
    %get3A_25 = arith.constant 0 : index
    %get3A_26 = vector.load %arg1[%get3A_24, %get3A_25] : memref<4000x128xf32, #tpu.memory_space<vmem>>, vector<4000x128xf32>
    %concatenate3A = tpu.concatenate %get3A_26, %convert_element_type3A_23 in 1 : vector<4000x128xf32>, vector<4000x144xf32> -> vector<4000x272xf32>
    %get3A_27 = arith.constant 0 : index
    %get3A_28 = arith.constant 0 : index
    %get3A_29 = vector.load %arg3[%get3A_27, %get3A_28] : memref<272x1200xf32, #tpu.memory_space<vmem>>, vector<272x1200xf32>
    %dot_general3A_30 = arith.constant dense<0.000000e+00> : vector<4000x1200xf32>
    %dot_general3A_31 = tpu.matmul %concatenate3A, %get3A_29, %dot_general3A_30 {dimension_numbers = #tpu.dot_dimension_numbers<[1], [0], [0], [1], [0, 0, 1, 1], [], []>, transpose_lhs_hint = false} : vector<4000x272xf32>, vector<272x1200xf32>, vector<4000x1200xf32> -> vector<4000x1200xf32>
    %get3A_32 = arith.constant 0 : index
    %get3A_33 = arith.constant 0 : index
    %get3A_34 = vector.load %arg5[%get3A_32, %get3A_33] : memref<1x1200xf32, #tpu.memory_space<vmem>>, vector<1x1200xf32>
    %add3A_35 = vector.broadcast %get3A_34 : vector<1x1200xf32> to vector<4000x1200xf32>
    %add3A_36 = arith.addf %dot_general3A_31, %add3A_35 : vector<4000x1200xf32>
    %max3A = arith.constant 0.000000e+00 : f32
    %max3A_37 = vector.broadcast %max3A : f32 to vector<4000x1200xf32>
    %max3A_38 = arith.maximumf %add3A_36, %max3A_37 : vector<4000x1200xf32>
    %get3A_39 = arith.constant 0 : index
    %get3A_40 = arith.constant 0 : index
    %get3A_41 = vector.load %arg6[%get3A_39, %get3A_40] : memref<1200x8xf32, #tpu.memory_space<vmem>>, vector<1200x8xf32>
    %dot_general3A_42 = arith.constant dense<0.000000e+00> : vector<4000x8xf32>
    %dot_general3A_43 = tpu.matmul %max3A_38, %get3A_41, %dot_general3A_42 {dimension_numbers = #tpu.dot_dimension_numbers<[1], [0], [0], [1], [0, 0, 1, 1], [], []>, transpose_lhs_hint = false} : vector<4000x1200xf32>, vector<1200x8xf32>, vector<4000x8xf32> -> vector<4000x8xf32>
    %get3A_44 = arith.constant 0 : index
    %get3A_45 = arith.constant 0 : index
    %get3A_46 = vector.load %arg7[%get3A_44, %get3A_45] : memref<1x1xf32, #tpu.memory_space<vmem>>, vector<1x1xf32>
    %add3A_47 = vector.broadcast %get3A_46 : vector<1x1xf32> to vector<4000x8xf32>
    %add3A_48 = arith.addf %dot_general3A_43, %add3A_47 : vector<4000x8xf32>
    %max3A_49 = arith.constant 0.000000e+00 : f32
    %max3A_50 = vector.broadcast %max3A_49 : f32 to vector<4000x8xf32>
    %max3A_51 = arith.maximumf %add3A_48, %max3A_50 : vector<4000x8xf32>
    %swap3A = arith.constant 0 : index
    %swap3A_52 = arith.constant 0 : index
    %swap3A_53 = vector.load %arg8[%swap3A, %swap3A_52] : memref<4000x8xf32, #tpu.memory_space<vmem>>, vector<4000x8xf32>
    tpu.vector_store %arg8[%swap3A, %swap3A_52], %max3A_51 {strides = array<i32>} : memref<4000x8xf32, #tpu.memory_space<vmem>>, vector<4000x8xf32>,
    return
  }
  func.func @transform_0(%arg0: i32) -> (i32, i32) {
    %c0_i32 = arith.constant 0 : i32
    %c0_i32_0 = arith.constant 0 : i32
    return %arg0, %c0_i32 : i32, i32
  }
  func.func @transform_1(%arg0: i32) -> (i32, i32) {
    %c0_i32 = arith.constant 0 : i32
    %c0_i32_0 = arith.constant 0 : i32
    return %arg0, %c0_i32 : i32, i32
  }
  func.func @transform_2(%arg0: i32) -> (i32, i32) {
    %c0_i32 = arith.constant 0 : i32
    %c0_i32_0 = arith.constant 0 : i32
    %c0_i32_1 = arith.constant 0 : i32
    return %c0_i32, %c0_i32_0 : i32, i32
  }
  func.func @transform_3(%arg0: i32) -> (i32, i32) {
    %c0_i32 = arith.constant 0 : i32
    %c0_i32_0 = arith.constant 0 : i32
    %c0_i32_1 = arith.constant 0 : i32
    return %c0_i32, %c0_i32_0 : i32, i32
  }
  func.func @transform_4(%arg0: i32) -> (i32, i32) {
    %c0_i32 = arith.constant 0 : i32
    %c0_i32_0 = arith.constant 0 : i32
    %c0_i32_1 = arith.constant 0 : i32
    return %c0_i32, %c0_i32_0 : i32, i32
  }
  func.func @transform_5(%arg0: i32) -> (i32, i32) {
    %c0_i32 = arith.constant 0 : i32
    %c0_i32_0 = arith.constant 0 : i32
    %c0_i32_1 = arith.constant 0 : i32
    return %c0_i32, %c0_i32_0 : i32, i32
  }
  func.func @transform_6(%arg0: i32) -> (i32, i32) {
    %c0_i32 = arith.constant 0 : i32
    %c0_i32_0 = arith.constant 0 : i32
    %c0_i32_1 = arith.constant 0 : i32
    return %c0_i32, %c0_i32_0 : i32, i32
  }
  func.func @transform_7(%arg0: i32) -> (i32, i32) {
    %c0_i32 = arith.constant 0 : i32
    %c0_i32_0 = arith.constant 0 : i32
    return %arg0, %c0_i32 : i32, i32
  }
}

module attributes {stable_mosaic.version = 14 : i64} {
  func.func @_group_mlp_body(%arg0: i32, %arg1: memref<1x1024xf32, #tpu.memory_space<vmem>>, %arg2: memref<1x1024xf32, #tpu.memory_space<vmem>>, %arg3: memref<1x1024xf32, #tpu.memory_space<vmem>>, %arg4: memref<1x1024xf32, #tpu.memory_space<vmem>>, %arg5: memref<1x1024xf32, #tpu.memory_space<vmem>>, %arg6: memref<150x5xf32, #tpu.memory_space<vmem>>, %arg7: memref<150x1xf32, #tpu.memory_space<vmem>>, %arg8: memref<1x150xf32, #tpu.memory_space<vmem>>, %arg9: memref<1x1xf32, #tpu.memory_space<vmem>>, %arg10: memref<1x1024xf32, #tpu.memory_space<vmem>>) attributes {dimension_semantics = [#tpu.dimension_semantics<arbitrary>], iteration_bounds = array<i64: 25>, scalar_prefetch = 0 : i64, scratch_operands = 0 : i64, tpu.core_type = #tpu.core_type<tc>, window_params = [{transform_indices = @transform_0, window_bounds = array<i64: 1, 1024>}, {transform_indices = @transform_1, window_bounds = array<i64: 1, 1024>}, {transform_indices = @transform_2, window_bounds = array<i64: 1, 1024>}, {transform_indices = @transform_3, window_bounds = array<i64: 1, 1024>}, {transform_indices = @transform_4, window_bounds = array<i64: 1, 1024>}, {pipeline_mode = #tpu.pipeline_mode<synchronous>, transform_indices = @transform_5, window_bounds = array<i64: 150, 5>}, {pipeline_mode = #tpu.pipeline_mode<synchronous>, transform_indices = @transform_6, window_bounds = array<i64: 150, 1>}, {pipeline_mode = #tpu.pipeline_mode<synchronous>, transform_indices = @transform_7, window_bounds = array<i64: 1, 150>}, {pipeline_mode = #tpu.pipeline_mode<synchronous>, transform_indices = @transform_8, window_bounds = array<i64: 1, 1>}, {transform_indices = @transform_9, window_bounds = array<i64: 1, 1024>}]} {
    %get3A = arith.constant 0 : index
    %get3A_0 = arith.constant 0 : index
    %get3A_1 = vector.load %arg1[%get3A, %get3A_0] : memref<1x1024xf32, #tpu.memory_space<vmem>>, vector<1x1024xf32>
    %get3A_2 = arith.constant 0 : index
    %get3A_3 = arith.constant 0 : index
    %get3A_4 = vector.load %arg2[%get3A_2, %get3A_3] : memref<1x1024xf32, #tpu.memory_space<vmem>>, vector<1x1024xf32>
    %get3A_5 = arith.constant 0 : index
    %get3A_6 = arith.constant 0 : index
    %get3A_7 = vector.load %arg3[%get3A_5, %get3A_6] : memref<1x1024xf32, #tpu.memory_space<vmem>>, vector<1x1024xf32>
    %get3A_8 = arith.constant 0 : index
    %get3A_9 = arith.constant 0 : index
    %get3A_10 = vector.load %arg4[%get3A_8, %get3A_9] : memref<1x1024xf32, #tpu.memory_space<vmem>>, vector<1x1024xf32>
    %get3A_11 = arith.constant 0 : index
    %get3A_12 = arith.constant 0 : index
    %get3A_13 = vector.load %arg5[%get3A_11, %get3A_12] : memref<1x1024xf32, #tpu.memory_space<vmem>>, vector<1x1024xf32>
    %concatenate3A = tpu.concatenate %get3A_1, %get3A_4, %get3A_7, %get3A_10, %get3A_13 in 0 : vector<1x1024xf32>, vector<1x1024xf32>, vector<1x1024xf32>, vector<1x1024xf32>, vector<1x1024xf32> -> vector<5x1024xf32>
    %get3A_14 = arith.constant 0 : index
    %get3A_15 = arith.constant 0 : index
    %get3A_16 = vector.load %arg6[%get3A_14, %get3A_15] : memref<150x5xf32, #tpu.memory_space<vmem>>, vector<150x5xf32>
    %dot_general3A = arith.constant dense<0.000000e+00> : vector<150x1024xf32>
    %dot_general3A_17 = tpu.matmul %get3A_16, %concatenate3A, %dot_general3A {dimension_numbers = #tpu.dot_dimension_numbers<[1], [0], [0], [1], [0, 0, 1, 1], [], []>, transpose_lhs_hint = false} : vector<150x5xf32>, vector<5x1024xf32>, vector<150x1024xf32> -> vector<150x1024xf32>
    %get3A_18 = arith.constant 0 : index
    %get3A_19 = arith.constant 0 : index
    %get3A_20 = vector.load %arg7[%get3A_18, %get3A_19] : memref<150x1xf32, #tpu.memory_space<vmem>>, vector<150x1xf32>
    %add3A = vector.broadcast %get3A_20 : vector<150x1xf32> to vector<150x1024xf32>
    %add3A_21 = arith.addf %dot_general3A_17, %add3A : vector<150x1024xf32>
    %max3A = arith.constant 0.000000e+00 : f32
    %max3A_22 = vector.broadcast %max3A : f32 to vector<150x1024xf32>
    %max3A_23 = arith.maximumf %add3A_21, %max3A_22 : vector<150x1024xf32>
    %get3A_24 = arith.constant 0 : index
    %get3A_25 = arith.constant 0 : index
    %get3A_26 = vector.load %arg8[%get3A_24, %get3A_25] : memref<1x150xf32, #tpu.memory_space<vmem>>, vector<1x150xf32>
    %dot_general3A_27 = arith.constant dense<0.000000e+00> : vector<1x1024xf32>
    %dot_general3A_28 = tpu.matmul %get3A_26, %max3A_23, %dot_general3A_27 {dimension_numbers = #tpu.dot_dimension_numbers<[1], [0], [0], [1], [0, 0, 1, 1], [], []>, transpose_lhs_hint = false} : vector<1x150xf32>, vector<150x1024xf32>, vector<1x1024xf32> -> vector<1x1024xf32>
    %get3A_29 = arith.constant 0 : index
    %get3A_30 = arith.constant 0 : index
    %get3A_31 = vector.load %arg9[%get3A_29, %get3A_30] : memref<1x1xf32, #tpu.memory_space<vmem>>, vector<1x1xf32>
    %add3A_32 = vector.broadcast %get3A_31 : vector<1x1xf32> to vector<1x1024xf32>
    %add3A_33 = arith.addf %dot_general3A_28, %add3A_32 : vector<1x1024xf32>
    %logistic3A = arith.negf %add3A_33 : vector<1x1024xf32>
    %logistic3A_34 = math.exp %logistic3A : vector<1x1024xf32>
    %logistic3A_35 = arith.constant 1.000000e+00 : f32
    %logistic3A_36 = vector.broadcast %logistic3A_35 : f32 to vector<1x1024xf32>
    %logistic3A_37 = arith.addf %logistic3A_36, %logistic3A_34 : vector<1x1024xf32>
    %logistic3A_38 = arith.divf %logistic3A_36, %logistic3A_37 : vector<1x1024xf32>
    %swap3A = arith.constant 0 : index
    %swap3A_39 = arith.constant 0 : index
    %swap3A_40 = vector.load %arg10[%swap3A, %swap3A_39] : memref<1x1024xf32, #tpu.memory_space<vmem>>, vector<1x1024xf32>
    tpu.vector_store %arg10[%swap3A, %swap3A_39], %logistic3A_38 {strides = array<i32>} : memref<1x1024xf32, #tpu.memory_space<vmem>>, vector<1x1024xf32>,
    return
  }
  func.func @transform_0(%arg0: i32) -> (i32, i32) {
    %c0_i32 = arith.constant 0 : i32
    %c0_i32_0 = arith.constant 0 : i32
    return %c0_i32, %arg0 : i32, i32
  }
  func.func @transform_1(%arg0: i32) -> (i32, i32) {
    %c0_i32 = arith.constant 0 : i32
    %c0_i32_0 = arith.constant 0 : i32
    return %c0_i32, %arg0 : i32, i32
  }
  func.func @transform_2(%arg0: i32) -> (i32, i32) {
    %c0_i32 = arith.constant 0 : i32
    %c0_i32_0 = arith.constant 0 : i32
    return %c0_i32, %arg0 : i32, i32
  }
  func.func @transform_3(%arg0: i32) -> (i32, i32) {
    %c0_i32 = arith.constant 0 : i32
    %c0_i32_0 = arith.constant 0 : i32
    return %c0_i32, %arg0 : i32, i32
  }
  func.func @transform_4(%arg0: i32) -> (i32, i32) {
    %c0_i32 = arith.constant 0 : i32
    %c0_i32_0 = arith.constant 0 : i32
    return %c0_i32, %arg0 : i32, i32
  }
  func.func @transform_5(%arg0: i32) -> (i32, i32) {
    %c0_i32 = arith.constant 0 : i32
    %c0_i32_0 = arith.constant 0 : i32
    %c0_i32_1 = arith.constant 0 : i32
    return %c0_i32, %c0_i32_0 : i32, i32
  }
  func.func @transform_6(%arg0: i32) -> (i32, i32) {
    %c0_i32 = arith.constant 0 : i32
    %c0_i32_0 = arith.constant 0 : i32
    %c0_i32_1 = arith.constant 0 : i32
    return %c0_i32, %c0_i32_0 : i32, i32
  }
  func.func @transform_7(%arg0: i32) -> (i32, i32) {
    %c0_i32 = arith.constant 0 : i32
    %c0_i32_0 = arith.constant 0 : i32
    %c0_i32_1 = arith.constant 0 : i32
    return %c0_i32, %c0_i32_0 : i32, i32
  }
  func.func @transform_8(%arg0: i32) -> (i32, i32) {
    %c0_i32 = arith.constant 0 : i32
    %c0_i32_0 = arith.constant 0 : i32
    %c0_i32_1 = arith.constant 0 : i32
    return %c0_i32, %c0_i32_0 : i32, i32
  }
  func.func @transform_9(%arg0: i32) -> (i32, i32) {
    %c0_i32 = arith.constant 0 : i32
    %c0_i32_0 = arith.constant 0 : i32
    return %c0_i32, %arg0 : i32, i32
  }
}

</mosaic_0001>

<sc_bundles>
// kernel: kernel.5.cloned.1.call-start
scs
__scs_entry_jumppad:
0x0: {  	(pc) =	sbr.rel $0x88, $3  }
0x1: {  	(tag) =	ssettag $0x0;
	lr =	simm.s32 $0x1  }
0x2: {  	[smem:$0x3F95] =	sst lr;
	_ =	strace $0xD0000000  }
0x3: {  	_ = 	snop  }
0x4: {  	_ = 	snop  }
0x5: {  	_ = 	snop  }
0x6: {  	_ = 	snop  }
0x7: {  	_ = 	snop  }
__scs_overlays_trampoline_lowered:
0x8: {  	[smem:$0x3FA4] =	sst s0  }
0x9: {  	[smem:$0x3FA5] =	sst s1  }
0xa: {  	[smem:$0x3FA6] =	sst s2  }
0xb: {  	[smem:$0x3FA7] =	sst s3  }
0xc: {  	[smem:$0x3FA8] =	sst s4  }
0xd: {  	[smem:$0x3FA9] =	sst s5  }
0xe: {  	[smem:$0x3FAA] =	sst s6  }
0xf: {  	[smem:$0x3FAB] =	sst s7  }
0x10: {  	[smem:$0x3FAC] =	sst s8  }
0x11: {  	[smem:$0x3FAD] =	sst s9;
	s0 =	simm.s32 @!p0 $0x0  }
0x12: {  	s1 =	sld [smem:$0x3F93];
	s0 =	simm.s32 @p0 $0x1  }
0x13: {  	[smem:$0x3FAE] =	sst s0;
	s0 =	simm.s32 @!p1 $0x0  }
0x14: {  	s2 =	sld [smem:$0x3F92];
	s0 =	simm.s32 @p1 $0x1  }
0x15: {  	[smem:$0x3FAF] =	sst s0;
	s0 =	simm.s32 @!p2 $0x0  }
0x16: {  	s3 =	sld [smem:$0x3FDB];
	s0 =	simm.s32 @p2 $0x1  }
0x17: {  	s4 =	simm.s32 $0x1BF5;
	[smem:$0x3FB1] =	sst s0  }
0x18: {  	s0 =	sld [smem:$0x3F94];
	_ =	swait.ge [sflag:s4], $0x0  }
0x19: {  	s7 =	sld [smem:$0x3F95]  }
0x1a: {  	s8 =	sadd.s32 $0xFFFFE003, lr  }
0x1b: {  	s9 =	sadd.s32 $0xFFFFFEF7, lr;
	s5 =	simm.s32 $0xFFFFFFFF;
	p2 =	slt.u32 s8, $0xFFFFF086  }
0x1c: {  	p1 =	slt.u32 s9, $0xF7A;
	s5 =	simm.s32 @!p2 $0x0  }
0x1d: {  	s5 =	simm.s32 @p1 $0x1;
	p0 =	seq.s32 s7, s2  }
0x1e: {  	s7 =	smul.u32 @!p0 $0xF7A, s2;
	p2 =	seq.s32 @!p0 s5, $0x0  }
0x1f: {  	s9 =	smul.u32 $0xF7A, s1;
	s8 =	simm.s32 @!p0 $0x1BF5;
	p2 =	por !p2, p0  }
0x20: {  	[sflag:s8] =	ssyncset.s32 @!p0 $0xFFFFF086;
	s6 =	sadd.s32 @!p0 s3, s7;
	s7 =	simm.s32 @!p0 $0x108  }
0x21: {  	s3 =	sadd.s32 s3, s9;
	s6 =	sadd.s32 @!p0 $0x88, s6;
	s7 =	simm.s32 @p2 $0x1082  }
0x22: {  	[simem:s7], [sflag:s8] =	dma.local @!p0 [hbm:s6], $0xF7A  }
0x23: {  	s9 =	sor.u32 $0xD0000000, s2;
	s6 =	simm.s32 $0x108;
	_ =	swait.ge @!p0 [sflag:s8], $0x0  }
0x24: {  	s3 =	sadd.s32 $0x88, s3;
	s6 =	simm.s32 @!p1 $0x1082;
	[sflag:s4] =	ssyncset.s32 $0xFFFFF086  }
0x25: {  	[simem:s6], [sflag:s4] =	dma.local [hbm:s3], $0xF7A  }
0x26: {  	[smem:$0x3F95] =	sst s1;
	(tag) =	ssettag s2;
	_ =	strace s9  }
0x27: {  	s1 =	sld [smem:$0x3FA5]  }
0x28: {  	s2 =	sld [smem:$0x3FA6]  }
0x29: {  	s4 =	sld [smem:$0x3FA8]  }
0x2a: {  	p0 =	seq.s32 s5, $0x0;
	s5 =	sld [smem:$0x3FA9]  }
0x2b: {  	s6 =	sld [smem:$0x3FAA]  }
0x2c: {  	s7 =	sld [smem:$0x3FAB]  }
0x2d: {  	s3 =	simm.s32 $0x108;
	s8 =	sld [smem:$0x3FAC]  }
0x2e: {  	s3 =	simm.s32 @!p0 $0x1082;
	s9 =	sld [smem:$0x3FAD]  }
0x2f: {  	lr =	sadd.s32 s0, s3;
	s0 =	sld [smem:$0x3FA4]  }
0x30: {  	s3 =	sld [smem:$0x3FA7]  }
0x31: {  	[smem:$0x3FB0] =	sst s10  }
0x32: {  	s10 =	sld [smem:$0x3FAE];
	_ =	sdelay $0x3  }
0x33: {  	p0 =	seq.s32 s10, $0x1;
	s10 =	sld [smem:$0x3FB0];
	_ =	sdelay $0x3  }
0x34: {  	[smem:$0x3FB0] =	sst s10  }
0x35: {  	s10 =	sld [smem:$0x3FAF];
	_ =	sdelay $0x3  }
0x36: {  	p1 =	seq.s32 s10, $0x1;
	s10 =	sld [smem:$0x3FB0];
	_ =	sdelay $0x3  }
0x37: {  	[smem:$0x3FB0] =	sst s10  }
0x38: {  	s10 =	sld [smem:$0x3FB1]  }
0x39: {  	_ = 	snop;
	(pc) =	sbr.ind lr, $3  }
0x3a: {  	_ = 	snop  }
0x3b: {  	_ = 	snop  }
0x3c: {  	p2 =	seq.s32 s10, $0x1;
	s10 =	sld [smem:$0x3FB0]  }
0x3d: {  	_ =	shalt  }
0x3e: {  	_ =	shalt  }
0x3f: {  	_ =	shalt  }
0x40: {  	_ =	shalt  }
0x41: {  	_ =	shalt  }
0x42: {  	_ =	shalt  }
0x43: {  	_ =	shalt  }
0x44: {  	_ =	shalt  }
0x45: {  	_ =	shalt  }
0x46: {  	_ =	shalt  }
0x47: {  	_ =	shalt  }
0x48: {  	_ =	shalt  }
0x49: {  	_ =	shalt  }
0x4a: {  	_ =	shalt  }
0x4b: {  	_ =	shalt  }
0x4c: {  	_ =	shalt  }
0x4d: {  	_ =	shalt  }
0x4e: {  	_ =	shalt  }
0x4f: {  	_ =	shalt  }
0x50: {  	_ =	shalt  }
0x51: {  	_ =	shalt  }
0x52: {  	_ =	shalt  }
0x53: {  	_ =	shalt  }
0x54: {  	_ =	shalt  }
0x55: {  	_ =	shalt  }
0x56: {  	_ =	shalt  }
0x57: {  	_ =	shalt  }
0x58: {  	_ =	shalt  }
0x59: {  	_ =	shalt  }
0x5a: {  	_ =	shalt  }
0x5b: {  	_ =	shalt  }
0x5c: {  	_ =	shalt  }
0x5d: {  	_ =	shalt  }
0x5e: {  	_ =	shalt  }
0x5f: {  	_ =	shalt  }
0x60: {  	_ =	shalt  }
0x61: {  	_ =	shalt  }
0x62: {  	_ =	shalt  }
0x63: {  	_ =	shalt  }
0x64: {  	_ =	shalt  }
0x65: {  	_ =	shalt  }
0x66: {  	_ =	shalt  }
0x67: {  	_ =	shalt  }
0x68: {  	_ =	shalt  }
0x69: {  	_ =	shalt  }
0x6a: {  	_ =	shalt  }
0x6b: {  	_ =	shalt  }
0x6c: {  	_ =	shalt  }
0x6d: {  	_ =	shalt  }
0x6e: {  	_ =	shalt  }
0x6f: {  	_ =	shalt  }
0x70: {  	_ =	shalt  }
0x71: {  	_ =	shalt  }
0x72: {  	_ =	shalt  }
0x73: {  	_ =	shalt  }
0x74: {  	_ =	shalt  }
0x75: {  	_ =	shalt  }
0x76: {  	_ =	shalt  }
0x77: {  	_ =	shalt  }
0x78: {  	_ =	shalt  }
0x79: {  	_ =	shalt  }
0x7a: {  	_ =	shalt  }
0x7b: {  	_ =	shalt  }
0x7c: {  	_ =	shalt  }
0x7d: {  	_ =	shalt  }
0x7e: {  	_ =	shalt  }
0x7f: {  	_ =	shalt  }
0x80: {  	_ =	shalt  }
0x81: {  	_ =	shalt  }
0x82: {  	_ =	shalt  }
0x83: {  	_ =	shalt  }
0x84: {  	_ =	shalt  }
0x85: {  	_ =	shalt  }
0x86: {  	_ =	shalt  }
0x87: {  	_ =	shalt  }
.Lfunc_end0:
.L_simem_size_0:
called_computation_lowered:
.L_overlay_start_0:
0x88: {  	s2 =	sld [smem:$0x3FD9]  }
0x89: {  	s3 =	sld [smem:$0x3FFE];
	_ =	sdelay $0x1  }
0x8a: {  	s1 =	srdreg.scid  }
0x8b: {  	s0 =	sand.u32 $0x1, s1  }
0x8c: {  	s16 =	sshll.u32 s0, $0xA;
	s2 =	sadd.s32 s3, s2  }
0x8d: {  	s2 =	sadd.s32 s2, s16  }
0x8e: {  	[smem:$0x3FBC] =	sst s2  }
0x8f: {  	_ = 	snop  }
0x90: {  	(tm) =	ssettm $0x1  }
0x91: {  	s17 =	sld [smem:$0x3FFB];
	_ =	sdelay $0x3  }
0x92: {  	_ =	strace s17  }
0x93: {  	s2 =	sld [smem:$0x3FFC];
	_ =	sdelay $0x3  }
0x94: {  	_ =	strace s2  }
0x95: {  	s2 =	sld [smem:$0x3FFD];
	_ =	sdelay $0x3  }
0x96: {  	_ =	strace s2  }
0x97: {  	_ =	strace $0x8FFFFFFF  }
0x98: {  	s18 =	sld [smem:$0x3FDB];
	_ =	sdelay $0x1  }
0x99: {  	s19 =	simm.s32 $_scs_section_size  }
0x9a: {  	s4 =	simm.s32 $_size__tile_overlayer_lowered;
	s5 =	simm.s32 $_tile_overlayer_lowered  }
0x9b: {  	s22 =	simm.s32 $0x1BFF;
	s21 =	sshll.u32 s5, $0x1;
	s2 =	sadd.s32 s19, s18  }
0x9c: {  	s6 =	simm.s32 $0x0;
	s20 =	sshll.u32 s4, $0x1;
	s4 =	sadd.s32 s21, s2  }
0x9d: {  	[timem:s6], [sflag:s22] =	dma.local [hbm:s4], s20  }
0x9e: {  	_ =	swait.ge [sflag:s22], s20  }
0x9f: {  	s3 =	ssub.s32 $0x0, s20;
	[sflag:s22] =	ssyncset.done $0x0  }
0xa0: {  	[sflag:s22] =	ssyncadd.s32 s3;
	_ =	sdelay $0x1  }
0xa1: {  	s23 =	simm.s32 $0x1B8B  }
0xa2: {  	_ =	swait.ge [sflag:s23], $0x1  }
0xa3: {  	[sflag:s23] =	ssyncset.done $0x0  }
0xa4: {  	s25 =	simm.s32 $0x1B8E;
	s24 =	sld [smem:$0x3FFE];
	[sflag:s23] =	ssyncadd.s32 $0xFFFFFFFF  }
0xa5: {  	s26 =	simm.s32 $execute0_lowered;
	[smem:$0x3FD2] =	sst s25  }
0xa6: {  	s4 =	sshll.u32 s26, $0x1;
	_ =	strace $0x80000046;
	[dreg:$0x1] =	wrdreg $0xFFFFFFFF  }
0xa7: {  	s28 =	simm.s32 $_size_execute0_lowered;
	s2 =	sadd.s32 s2, s4;
	[dreg:$0x0] =	wrdreg $0x0  }
0xa8: {  	s4 =	sshll.u32 s28, $0x1;
	[dreg:$0x2] =	wrdreg s2  }
0xa9: {  	[dreg:$0x3] =	wrdreg s4  }
0xaa: {  	[dreg:$0x4] =	wrdreg $0xC0  }
0xab: {  	_ =	task [dreg:s6], $0x5FFFF  }
0xac: {  	[dreg:$0x1] =	wrdreg $0xFFFFFFFF  }
0xad: {  	[dreg:$0x0] =	wrdreg $0x60  }
0xae: {  	[dreg:$0x2] =	wrdreg s24  }
0xaf: {  	[dreg:$0x3] =	wrdreg $0x0  }
0xb0: {  	[dreg:$0x4] =	wrdreg $0x9  }
0xb1: {  	_ =	task.clear_ibuf [dreg:s6], $0x5FFFF;
	_ =	strace $0x90000046  }
0xb2: {  	s29 =	simm.s32 $0x9;
	_ =	strace $0x80000048  }
0xb3: {  	_ =	swait.ge [sflag:s29], $0x1  }
0xb4: {  	[sflag:s29] =	ssyncadd.s32 $0xFFFFFFFF  }
0xb5: {  	_ =	strace $0x90000048  }
0xb6: {  	_ =	sfence  }
0xb7: {  	s30 =	sld [smem:$0x0];
	_ =	sdelay $0x2  }
0xb8: {  	s31 =	sshll.u32 s1, $0xD;
	s1 =	sshrl.u32 s1, $0x2  }
0xb9: {  	s3 =	sand.u32 $0x4000, s31;
	s1 =	sadd.s32 s1, s30  }
0xba: {  	s0 =	sor.u32 s3, s0;
	s1 =	sshll.u32 s1, $0x11  }
0xbb: {  	s0 =	sor.u32 s1, s0  }
0xbc: {  	s0 =	sadd.s32 $0x8F2B, s0  }
0xbd: {  	[sflag:s0] =	ssyncadd.remote.s32 $0x1  }
0xbe: {  	_ =	sfence.sel $0xFFFF  }
0xbf: {  	[dreg:$0x0] =	wrdreg $0xFFFFFFFF;
	(pc) =	sbr.abs _section_cstart, $3  }
0xc0: {  	[dreg:$0x1] =	wrdreg $0xFFFFFFFF  }
0xc1: {  	_ =	task.clear_ibuf [dreg:s6], $0x2FFFF;
	_ =	strace $0x9FFFFFFF  }
0xc2: {  	(tm) =	ssettm $0x7FFFFFFF  }
0xc3: {  	_ =	shalt  }
tec
execute0_lowered:
.L_overlay_start_1:
0x0: {  	(tag) =	ssettag $0x1  }
0x1: {  	s0 =	rddreg [dreg:$0x0]  }
0x2: {  	s1 =	srdreg.scid;
	s7 =	stileid.u32  }
0x3: {  	s2 =	rddreg [dreg:$0x1];
	s3 =	simm.s32 $0x0;
	s15 =	simm.s32 $0xC350  }
0x4: {  	s16 =	simm.s32 $0x3;
	s18 =	simm.s32 $0x80;
	s19 =	simm.s32 $0x18D50  }
0x5: {  	v0 =	vlaneseq.u32;
	s21 =	simm.s32 $0x18DD0;
	s28 =	simm.s32 $0x18F50;
	s30 =	simm.s32 $0x18FD0  }
0x6: {  	s20 =	simm.s32 $0x190D0;
	s22 =	simm.s32 $0x1;
	s29 =	simm.s32 $0x0;
	v10 =	vmul.u32 $0x20, v0  }
0x7: {  	s1 =	sand.u32 $0x1, s1;
	s4 =	sshll.u32 s7, $0x1;
	[smem:$0x7FF] =	sst s3  }
0x8: {  	s6 =	sadd.s32 $0x2600, s0;
	s7 =	smul.u32 $0xC350, s7;
	s4 =	sor.u32 s1, s4;
	v1 =	vor.u32 $0x1E, v10  }
0x9: {  	_ =	strace $0x80000047;
	s1 =	ssub.s32 $0x2, s1;
	s5 =	smul.u32 $0xC80, s4;
	v11 =	vor.u32 $0x1, v10;
	v12 =	vor.u32 $0x2, v10;
	v0 =	vor.u32 $0x16, v10;
	[tilespmem:$0x1FF60] =	vst v1  }
0xa: {  	s4 =	smul.u32 $0x64, s4;
	s23 =	sshrl.u32 s1, $0x1;
	s24 =	sshrl.u32 s7, $0x3;
	v13 =	vor.u32 $0x3, v10;
	v14 =	vor.u32 $0x4, v10;
	v5 =	vor.u32 $0x17, v10;
	[tilespmem:$0x1FF80] =	vst v0  }
0xb: {  	s8 =	sadd.s32 $0x61A8, s7;
	s25 =	sadd.s32 s7, s2;
	v15 =	vor.u32 $0x5, v10;
	v16 =	vor.u32 $0x6, v10;
	v6 =	vor.u32 $0x18, v10;
	s1 =	ssub.s32 s1, s23;
	[tilespmem:$0x1FF90] =	vst v5  }
0xc: {  	v17 =	vor.u32 $0x7, v10;
	v19 =	vor.u32 $0x9, v10;
	v7 =	vor.u32 $0x19, v10;
	[dreg:$0x4] =	wrdreg s25;
	s26 =	sshrl.u32 s8, $0x3;
	s31 =	sadd.s32 s8, s2;
	[tilespmem:$0x1FFA0] =	vst v6  }
0xd: {  	v20 =	vor.u32 $0xA, v10;
	v21 =	vor.u32 $0xB, v10;
	v8 =	vor.u32 $0x1A, v10;
	s23 =	simm.s32 $0x18E50;
	s25 =	simm.s32 $0x18ED0;
	[tilespmem:$0x1FFB0] =	vst v7;
	s5 =	sadd.s32 s5, s0  }
0xe: {  	v22 =	vor.u32 $0xC, v10;
	v23 =	vor.u32 $0xD, v10;
	v9 =	vor.u32 $0x1B, v10;
	[tilespmem:$0x1FFC0] =	vst v8;
	s0 =	sadd.s32 s4, s0;
	s4 =	sadd.s32 s6, s24;
	[dreg:$0x6] =	wrdreg s31  }
0xf: {  	v24 =	vor.u32 $0xE, v10;
	v25 =	vor.u32 $0xF, v10;
	v37 =	vor.u32 $0x1C, v10;
	[tilespmem:$0x1FFD0] =	vst v9;
	s14 =	smax.u32 s1, $0x1;
	s1 =	simm.s32 $0x19050;
	s24 =	simm.s32 $0x2  }
0x10: {  	v26 =	vor.u32 $0x10, v10;
	v27 =	vor.u32 $0x11, v10;
	v48 =	vor.u32 $0x1D, v10;
	[tilespmem:$0x1FFE0] =	vst v37;
	[dreg:$0x3] =	wrdreg s4;
	s4 =	sadd.s32 s6, s26;
	s8 =	sadd.s32 $0x1AE00, s5  }
0x11: {  	v18 =	vor.u32 $0x8, v10;
	v28 =	vor.u32 $0x12, v10;
	v1 =	vor.u32 $0x1F, v10;
	[tilespmem:$0x1FFF0] =	vst v48;
	s9 =	sadd.s32 $0x34000, s0;
	s10 =	sadd.s32 $0x34E00, s0;
	s11 =	sadd.s32 $0x35C00, s0  }
0x12: {  	v29 =	vor.u32 $0x13, v10;
	v30 =	vor.u32 $0x14, v10;
	v31 =	vor.u32 $0x15, v10;
	[tilespmem:$0x1FF70] =	vst v1;
	s12 =	sadd.s32 $0x36A00, s0;
	s13 =	sadd.s32 $0x37800, s0;
	[dreg:$0x5] =	wrdreg s4  }
.LBB2_1:
0x13: {  	s0 =	rddreg [dreg:$0x3]  }
0x14: {  	[tilespmem:s15], [sflag:$0x3] =	stream.linear.gather [hbm4b:s0+s3], $0x61A8, $0x38;
	[tilespmem:$0x1A2D0] =	vst v63  }
0x15: {  	_ =	swait.ge [sflag:s16], $0x61A8  }
0x16: {  	[sflag:s16] =	ssyncset.done $0x0  }
0x17: {  	s5 =	rddreg [dreg:$0x4];
	[sflag:s16] =	ssyncadd.s32 $0xFFFF9E58  }
0x18: {  	[spmem:s5] =	stream.linear.scatter [tilespmem:s15], [sflag:$0x3], $0x61A8, $0x38;
	[tilespmem:$0x1A2D0] =	vst v63  }
0x19: {  	_ =	swait.ge [sflag:s16], $0x61A8  }
0x1a: {  	[sflag:s16] =	ssyncset.done $0x0  }
0x1b: {  	s6 =	rddreg [dreg:$0x5];
	[sflag:s16] =	ssyncadd.s32 $0xFFFF9E58  }
0x1c: {  	[tilespmem:s15], [sflag:$0x3] =	stream.linear.gather [hbm4b:s6+s3], $0x61A8, $0x38;
	[tilespmem:$0x1A2D0] =	vst v63  }
0x1d: {  	_ =	swait.ge [sflag:s16], $0x61A8  }
0x1e: {  	[sflag:s16] =	ssyncset.done $0x0  }
0x1f: {  	s7 =	rddreg [dreg:$0x6];
	[sflag:s16] =	ssyncadd.s32 $0xFFFF9E58  }
0x20: {  	[spmem:s7] =	stream.linear.scatter [tilespmem:s15], [sflag:$0x3], $0x61A8, $0x38;
	[tilespmem:$0x1A2D0] =	vst v63  }
0x21: {  	_ =	swait.ge [sflag:s16], $0x61A8  }
0x22: {  	[sflag:s16] =	ssyncset.done $0x0  }
0x23: {  	[sflag:s16] =	ssyncadd.s32 $0xFFFF9E58  }
0x24: {  	s17 =	simm.s32 $0x12550;
	[bflag:$0x0] =	sbarrier.arrive $0xFFFF  }
0x25: {  	[tilespmem:s17], [sflag:$0x3] =	stream.linear.gather [hbm4b:s8+s3], $0x6800, $0x38;
	[tilespmem:$0x1A2D0] =	vst v63  }
0x26: {  	_ =	swait.ge [sflag:s16], $0x6800  }
0x27: {  	[sflag:s16] =	ssyncset.done $0x0  }
0x28: {  	[sflag:s16] =	ssyncadd.s32 $0xFFFF9800  }
0x29: {  	[tilespmem:s19], [sflag:$0x1] =	stream.indirect.gather [spmem:s2], $0x1, s17, s18, $0xb8;
	[tilespmem:$0x1A2D0] =	vst v63  }
0x2a: {  	s26 =	simm.s32 $0x125D0  }
0x2b: {  	[tilespmem:s21], [sflag:$0x1] =	stream.indirect.gather [spmem:s2], $0x1, s26, s18, $0xb8;
	[tilespmem:$0x1A2D0] =	vst v63  }
0x2c: {  	s4 =	simm.s32 $0x12650  }
0x2d: {  	[tilespmem:s23], [sflag:$0x1] =	stream.indirect.gather [spmem:s2], $0x1, s4, s18, $0xb8;
	[tilespmem:$0x1A2D0] =	vst v63  }
0x2e: {  	s5 =	simm.s32 $0x126D0  }
0x2f: {  	[tilespmem:s25], [sflag:$0x1] =	stream.indirect.gather [spmem:s2], $0x1, s5, s18, $0xb8;
	[tilespmem:$0x1A2D0] =	vst v63  }
0x30: {  	s6 =	simm.s32 $0x12750  }
0x31: {  	[tilespmem:s28], [sflag:$0x2] =	stream.indirect.gather [spmem:s2], $0x1, s6, s18, $0xb8;
	[tilespmem:$0x1A2D0] =	vst v63  }
0x32: {  	s7 =	simm.s32 $0x127D0  }
0x33: {  	[tilespmem:s30], [sflag:$0x2] =	stream.indirect.gather [spmem:s2], $0x1, s7, s18, $0xb8;
	[tilespmem:$0x1A2D0] =	vst v63  }
0x34: {  	s31 =	simm.s32 $0x19160;
	s17 =	simm.s32 $0x12850  }
0x35: {  	[tilespmem:s1], [sflag:$0x2] =	stream.indirect.gather [spmem:s2], $0x1, s17, s18, $0xb8;
	[tilespmem:$0x1A2D0] =	vst v63  }
0x36: {  	s0 =	simm.s32 $0x194E0;
	s26 =	simm.s32 $0x128D0;
	s4 =	simm.s32 $0x19F60  }
0x37: {  	[tilespmem:s20], [sflag:$0x2] =	stream.indirect.gather [spmem:s2], $0x1, s26, s18, $0xb8;
	[tilespmem:$0x1A2D0] =	vst v63  }
0x38: {  	s5 =	simm.s32 $0x0;
	s17 =	simm.s32 $0x19BE0;
	s26 =	simm.s32 $0x19860  }
.LBB2_2:
0x39: {  	_ =	swait.ge [sflag:s22], $0x200  }
0x3a: {  	[sflag:s22] =	ssyncset.done $0x0  }
0x3b: {  	[sflag:s22] =	ssyncadd.s32 $0xFFFFFE00  }
0x3c: {  	v1 =	vld.idx.msk [tilespmem:v10+s19+$0x0], $0xffff  }
0x3d: {  	v2 =	vld.idx.msk [tilespmem:v11+s19+$0x0], $0xffff;
	_ =	sdelay $0x1  }
0x3e: {  	v52 =	vld.idx.msk [tilespmem:v12+s19+$0x0], $0xffff;
	_ =	sdelay $0x1  }
0x3f: {  	v53 =	vld.idx.msk [tilespmem:v13+s19+$0x0], $0xffff  }
0x40: {  	v4 =	vmul.f32 v1, v1;
	v32 =	vmul.f32 v2, v2  }
0x41: {  	v54 =	vld.idx.msk [tilespmem:v14+s19+$0x0], $0xffff;
	v3 =	vadd.f32 v2, v1  }
0x42: {  	v61 =	vmul.f32 v52, v52;
	v4 =	vadd.f32 v32, v4  }
0x43: {  	v55 =	vld.idx.msk [tilespmem:v15+s19+$0x0], $0xffff;
	v3 =	vadd.f32 v52, v3  }
0x44: {  	v62 =	vmul.f32 v53, v53;
	v4 =	vadd.f32 v61, v4  }
0x45: {  	v56 =	vld.idx.msk [tilespmem:v16+s19+$0x0], $0xffff;
	v3 =	vadd.f32 v53, v3  }
0x46: {  	v63 =	vmul.f32 v54, v54;
	v4 =	vadd.f32 v62, v4  }
0x47: {  	v57 =	vld.idx.msk [tilespmem:v17+s19+$0x0], $0xffff;
	v3 =	vadd.f32 v54, v3  }
0x48: {  	v36 =	vmul.f32 v55, v55;
	v4 =	vadd.f32 v63, v4  }
0x49: {  	v59 =	vld.idx.msk [tilespmem:v18+s19+$0x0], $0xffff;
	v3 =	vadd.f32 v55, v3  }
0x4a: {  	v38 =	vmul.f32 v56, v56;
	v4 =	vadd.f32 v36, v4  }
0x4b: {  	v61 =	vld.idx.msk [tilespmem:v19+s19+$0x0], $0xffff;
	v3 =	vadd.f32 v56, v3  }
0x4c: {  	v39 =	vmul.f32 v57, v57;
	v4 =	vadd.f32 v38, v4  }
0x4d: {  	v62 =	vld.idx.msk [tilespmem:v20+s19+$0x0], $0xffff;
	v3 =	vadd.f32 v57, v3  }
0x4e: {  	v40 =	vmul.f32 v59, v59;
	v4 =	vadd.f32 v39, v4  }
0x4f: {  	v58 =	vmin.f32 v1, v2;
	v60 =	vmax.f32 v1, v2;
	v1 =	vld.idx.msk [tilespmem:v21+s19+$0x0], $0xffff;
	v3 =	vadd.f32 v59, v3  }
0x50: {  	v2 =	vmin.f32 v58, v52;
	v41 =	vmul.f32 v61, v61;
	v4 =	vadd.f32 v40, v4  }
0x51: {  	v34 =	vmin.f32 v2, v53;
	v2 =	vld.idx.msk [tilespmem:v22+s19+$0x0], $0xffff;
	v3 =	vadd.f32 v61, v3  }
0x52: {  	v36 =	vmul.f32 v62, v62;
	v32 =	vadd.f32 v41, v4  }
0x53: {  	v35 =	vadd.f32 v62, v3;
	v3 =	vld.idx.msk [tilespmem:v23+s19+$0x0], $0xffff  }
0x54: {  	v42 =	vmul.f32 v1, v1;
	v32 =	vadd.f32 v36, v32  }
0x55: {  	v4 =	vld.idx.msk [tilespmem:v24+s19+$0x0], $0xffff  }
0x56: {  	v43 =	vmul.f32 v2, v2;
	v32 =	vadd.f32 v42, v32  }
0x57: {  	v33 =	vmax.f32 v60, v52;
	v63 =	vld.idx.msk [tilespmem:v25+s19+$0x0], $0xffff  }
0x58: {  	v35 =	vadd.f32 v1, v35;
	v44 =	vmul.f32 v3, v3;
	v32 =	vadd.f32 v43, v32  }
0x59: {  	v33 =	vmax.f32 v33, v53;
	v34 =	vmin.f32 v34, v54;
	v38 =	vld.idx.msk [tilespmem:v26+s19+$0x0], $0xffff  }
0x5a: {  	v35 =	vadd.f32 v2, v35;
	v45 =	vmul.f32 v4, v4;
	v32 =	vadd.f32 v44, v32  }
0x5b: {  	v33 =	vmax.f32 v33, v54;
	v34 =	vmin.f32 v34, v55;
	v39 =	vld.idx.msk [tilespmem:v27+s19+$0x0], $0xffff  }
0x5c: {  	v46 =	vmul.f32 v63, v63;
	v35 =	vadd.f32 v3, v35;
	v32 =	vadd.f32 v45, v32  }
0x5d: {  	v33 =	vmax.f32 v33, v55;
	v34 =	vmin.f32 v34, v56;
	v40 =	vld.idx.msk [tilespmem:v28+s19+$0x0], $0xffff  }
0x5e: {  	v47 =	vmul.f32 v38, v38;
	v41 =	vld.idx.msk [tilespmem:v29+s19+$0x0], $0xffff;
	v35 =	vadd.f32 v4, v35;
	v32 =	vadd.f32 v46, v32  }
0x5f: {  	v33 =	vmax.f32 v33, v56;
	v34 =	vmin.f32 v34, v57;
	v42 =	vld.idx.msk [tilespmem:v30+s19+$0x0], $0xffff  }
0x60: {  	v48 =	vmul.f32 v39, v39;
	v44 =	vld.idx.msk [tilespmem:v0+s19+$0x0], $0xffff;
	v35 =	vadd.f32 v63, v35;
	v32 =	vadd.f32 v47, v32  }
0x61: {  	v33 =	vmax.f32 v33, v57;
	v34 =	vmin.f32 v34, v59;
	v0 =	vld [tilespmem:$0x1FFF0]  }
0x62: {  	v49 =	vmul.f32 v40, v40;
	v35 =	vadd.f32 v38, v35;
	v32 =	vadd.f32 v48, v32  }
0x63: {  	v33 =	vmax.f32 v33, v59;
	v34 =	vmin.f32 v34, v61;
	v43 =	vld.idx.msk [tilespmem:v31+s19+$0x0], $0xffff  }
0x64: {  	v50 =	vmul.f32 v41, v41;
	v35 =	vadd.f32 v39, v35;
	v32 =	vadd.f32 v49, v32  }
0x65: {  	v33 =	vmax.f32 v33, v61;
	v34 =	vmin.f32 v34, v62  }
0x66: {  	v51 =	vmul.f32 v42, v42;
	v35 =	vadd.f32 v40, v35;
	v32 =	vadd.f32 v50, v32  }
0x67: {  	v33 =	vmax.f32 v33, v62;
	v34 =	vmin.f32 v34, v1;
	v45 =	vld.idx.msk [tilespmem:v5+s19+$0x0], $0xffff  }
0x68: {  	v46 =	vld.idx.msk [tilespmem:v6+s19+$0x0], $0xffff;
	v48 =	vmul.f32 v43, v43;
	v35 =	vadd.f32 v41, v35;
	v32 =	vadd.f32 v51, v32  }
0x69: {  	v33 =	vmax.f32 v33, v1;
	v34 =	vmin.f32 v34, v2;
	v51 =	vld.idx.msk [tilespmem:v0+s19+$0x0], $0xffff  }
0x6a: {  	v36 =	vmul.f32 v44, v44;
	v35 =	vadd.f32 v42, v35;
	v0 =	vld [tilespmem:$0x1FF60];
	v32 =	vadd.f32 v48, v32  }
0x6b: {  	v33 =	vmax.f32 v33, v2;
	v34 =	vmin.f32 v34, v3;
	v47 =	vld.idx.msk [tilespmem:v7+s19+$0x0], $0xffff  }
0x6c: {  	v35 =	vadd.f32 v43, v35;
	v32 =	vadd.f32 v36, v32;
	v36 =	vmul.f32 v45, v45  }
0x6d: {  	v33 =	vmax.f32 v33, v3;
	v34 =	vmin.f32 v34, v4  }
0x6e: {  	v35 =	vadd.f32 v44, v35;
	v32 =	vadd.f32 v36, v32;
	v36 =	vmul.f32 v46, v46  }
0x6f: {  	v33 =	vmax.f32 v33, v4;
	v34 =	vmin.f32 v34, v63  }
0x70: {  	v49 =	vld.idx.msk [tilespmem:v9+s19+$0x0], $0xffff;
	v35 =	vadd.f32 v45, v35;
	v32 =	vadd.f32 v36, v32;
	v36 =	vmul.f32 v47, v47  }
0x71: {  	v33 =	vmax.f32 v33, v63;
	v34 =	vmin.f32 v34, v38;
	v48 =	vld.idx.msk [tilespmem:v8+s19+$0x0], $0xffff  }
0x72: {  	v33 =	vmax.f32 v33, v38;
	v35 =	vadd.f32 v46, v35;
	v36 =	vadd.f32 v36, v32;
	v32 =	vld.idx.msk [tilespmem:v0+s19+$0x0], $0xffff  }
0x73: {  	v34 =	vmin.f32 v34, v39;
	v33 =	vmax.f32 v33, v39;
	v0 =	vld [tilespmem:$0x1FF70]  }
0x74: {  	v34 =	vmin.f32 v34, v40;
	v33 =	vmax.f32 v33, v40;
	v35 =	vadd.f32 v47, v35  }
0x75: {  	v34 =	vmin.f32 v34, v41;
	v33 =	vmax.f32 v33, v41;
	v50 =	vld.idx.msk [tilespmem:v37+s19+$0x0], $0xffff  }
0x76: {  	v34 =	vmin.f32 v34, v42;
	v33 =	vmax.f32 v33, v42;
	v35 =	vadd.f32 v48, v35  }
0x77: {  	v34 =	vmin.f32 v34, v43;
	v5 =	vmax.f32 v33, v43  }
0x78: {  	v34 =	vmin.f32 v34, v44;
	v37 =	vmul.f32 v48, v48;
	v35 =	vadd.f32 v49, v35  }
0x79: {  	v5 =	vmax.f32 v5, v44;
	v34 =	vmin.f32 v34, v45  }
0x7a: {  	v36 =	vadd.f32 v37, v36;
	v37 =	vmul.f32 v49, v49;
	v35 =	vadd.f32 v50, v35  }
0x7b: {  	v5 =	vmax.f32 v5, v45;
	v34 =	vmin.f32 v34, v46;
	v33 =	vld.idx.msk [tilespmem:v0+s19+$0x0], $0xffff  }
0x7c: {  	v36 =	vadd.f32 v37, v36;
	v37 =	vmul.f32 v50, v50;
	v35 =	vadd.f32 v51, v35  }
0x7d: {  	v5 =	vmax.f32 v5, v46;
	v6 =	vmin.f32 v34, v47  }
0x7e: {  	v36 =	vadd.f32 v37, v36;
	v37 =	vmul.f32 v51, v51;
	v35 =	vadd.f32 v32, v35  }
0x7f: {  	v5 =	vmax.f32 v5, v47;
	v6 =	vmin.f32 v6, v48  }
0x80: {  	v36 =	vadd.f32 v37, v36;
	v37 =	vmul.f32 v32, v32;
	v35 =	vadd.f32 v33, v35  }
0x81: {  	v5 =	vmax.f32 v5, v48;
	v6 =	vmin.f32 v6, v49  }
0x82: {  	v36 =	vadd.f32 v37, v36;
	v37 =	vmul.f32 v33, v33;
	v34 =	vmul.f32 $3.125000000e-02, v35  }
0x83: {  	v5 =	vmax.f32 v5, v49;
	v6 =	vmin.f32 v6, v50  }
0x84: {  	v6 =	vmin.f32 v6, v51;
	v36 =	vadd.f32 v37, v36;
	v35 =	vmul.f32 v34, v35  }
0x85: {  	v5 =	vmax.f32 v5, v50;
	v37 =	vmin.f32 v6, v32;
	v6 =	vmax.f32 v52, v53  }
0x86: {  	v36 =	vsub.f32 v36, v35;
	v35 =	vmax.f32 v5, v51;
	v5 =	vmin.f32 v52, v53  }
0x87: {  	v52 =	vmin.f32 v54, v55;
	v53 =	vmax.f32 v54, v55;
	v54 =	vmin.f32 v56, v57  }
0x88: {  	v55 =	vmax.f32 v56, v57;
	v56 =	vmin.f32 v59, v61;
	v57 =	vmax.f32 v59, v61  }
0x89: {  	v59 =	vmin.f32 v62, v1;
	v1 =	vmax.f32 v62, v1;
	v61 =	vmin.f32 v2, v3  }
0x8a: {  	v2 =	vmax.f32 v2, v3;
	v3 =	vmin.f32 v4, v63;
	v4 =	vmax.f32 v4, v63  }
0x8b: {  	v62 =	vmin.f32 v58, v6;
	v6 =	vmax.f32 v58, v6;
	v58 =	vmin.f32 v60, v5  }
0x8c: {  	v5 =	vmax.f32 v60, v5;
	v60 =	vmin.f32 v52, v55;
	v52 =	vmax.f32 v52, v55  }
0x8d: {  	v55 =	vmin.f32 v53, v54;
	v53 =	vmax.f32 v53, v54;
	v54 =	vmin.f32 v56, v1  }
0x8e: {  	v1 =	vmax.f32 v56, v1;
	v56 =	vmin.f32 v57, v59;
	v57 =	vmax.f32 v57, v59  }
0x8f: {  	v59 =	vmin.f32 v61, v4;
	v4 =	vmax.f32 v61, v4;
	v61 =	vmin.f32 v2, v3  }
0x90: {  	v2 =	vmax.f32 v2, v3;
	v36 =	vmul.f32 $3.225806360e-02, v36;
	v3 =	vmin.f32 v62, v58  }
0x91: {  	v58 =	vmax.f32 v62, v58;
	v62 =	vmin.f32 v6, v5;
	v5 =	vmax.f32 v6, v5  }
0x92: {  	v6 =	vmin.f32 v52, v53;
	v52 =	vmax.f32 v52, v53;
	v53 =	vmin.f32 v60, v55  }
0x93: {  	v55 =	vmax.f32 v60, v55;
	v60 =	vmin.f32 v54, v56;
	v54 =	vmax.f32 v54, v56  }
0x94: {  	v56 =	vmin.f32 v1, v57;
	v1 =	vmax.f32 v1, v57;
	v57 =	vmin.f32 v4, v2  }
0x95: {  	v2 =	vmax.f32 v4, v2;
	v4 =	vmin.f32 v59, v61;
	v59 =	vmax.f32 v59, v61  }
0x96: {  	v61 =	vmin.f32 v3, v52;
	v3 =	vmax.f32 v3, v52;
	v52 =	vmin.f32 v58, v6  }
0x97: {  	v6 =	vmax.f32 v58, v6;
	v58 =	vmin.f32 v62, v55;
	v55 =	vmax.f32 v62, v55  }
0x98: {  	v62 =	vmin.f32 v5, v53;
	v5 =	vmax.f32 v5, v53;
	v53 =	vmin.f32 v60, v2  }
0x99: {  	v2 =	vmax.f32 v60, v2;
	v60 =	vmin.f32 v54, v57;
	v54 =	vmax.f32 v54, v57  }
0x9a: {  	v57 =	vmin.f32 v56, v59;
	v56 =	vmax.f32 v56, v59;
	v59 =	vmin.f32 v1, v4  }
0x9b: {  	v1 =	vmax.f32 v1, v4;
	v4 =	vmin.f32 v61, v58;
	v58 =	vmax.f32 v61, v58  }
0x9c: {  	v61 =	vmin.f32 v52, v62;
	v52 =	vmax.f32 v52, v62;
	v62 =	vmin.f32 v3, v55  }
0x9d: {  	v3 =	vmax.f32 v3, v55;
	v55 =	vmin.f32 v6, v5;
	v5 =	vmax.f32 v6, v5  }
0x9e: {  	v6 =	vmin.f32 v2, v56;
	v2 =	vmax.f32 v2, v56;
	v56 =	vmin.f32 v54, v1  }
0x9f: {  	v1 =	vmax.f32 v54, v1;
	v54 =	vmin.f32 v53, v57;
	v53 =	vmax.f32 v53, v57  }
0xa0: {  	v57 =	vmin.f32 v60, v59;
	v59 =	vmax.f32 v60, v59;
	v60 =	vmin.f32 v4, v61  }
0xa1: {  	v4 =	vmax.f32 v4, v61;
	v61 =	vmin.f32 v58, v52;
	v52 =	vmax.f32 v58, v52  }
0xa2: {  	v58 =	vmin.f32 v62, v55;
	v55 =	vmax.f32 v62, v55;
	v62 =	vmin.f32 v3, v5  }
0xa3: {  	v3 =	vmax.f32 v3, v5;
	v5 =	vmin.f32 v2, v1;
	v1 =	vmax.f32 v2, v1  }
0xa4: {  	v2 =	vmin.f32 v6, v56;
	v6 =	vmax.f32 v6, v56;
	v56 =	vmin.f32 v53, v59  }
0xa5: {  	v53 =	vmax.f32 v53, v59;
	v59 =	vmin.f32 v54, v57;
	v54 =	vmax.f32 v54, v57  }
0xa6: {  	v57 =	vmin.f32 v60, v1;
	v1 =	vmax.f32 v60, v1;
	v60 =	vmin.f32 v4, v5  }
0xa7: {  	v4 =	vmax.f32 v4, v5;
	v5 =	vmin.f32 v61, v6;
	v6 =	vmax.f32 v61, v6  }
0xa8: {  	v61 =	vmin.f32 v52, v2;
	v2 =	vmax.f32 v52, v2;
	v52 =	vmin.f32 v58, v53  }
0xa9: {  	v53 =	vmax.f32 v58, v53;
	v58 =	vmin.f32 v55, v56;
	v55 =	vmax.f32 v55, v56  }
0xaa: {  	v56 =	vmin.f32 v62, v54;
	v54 =	vmax.f32 v62, v54;
	v62 =	vmin.f32 v3, v59  }
0xab: {  	v3 =	vmax.f32 v3, v59;
	v59 =	vmin.f32 v57, v52;
	v52 =	vmax.f32 v57, v52  }
0xac: {  	v57 =	vmin.f32 v60, v58;
	v58 =	vmax.f32 v60, v58;
	v60 =	vmin.f32 v5, v56  }
0xad: {  	v5 =	vmax.f32 v5, v56;
	v56 =	vmin.f32 v61, v62;
	v61 =	vmax.f32 v61, v62  }
0xae: {  	v62 =	vmin.f32 v1, v53;
	v1 =	vmax.f32 v1, v53;
	v53 =	vmin.f32 v4, v55  }
0xaf: {  	v4 =	vmax.f32 v4, v55;
	v55 =	vmin.f32 v6, v54;
	v6 =	vmax.f32 v6, v54  }
0xb0: {  	v54 =	vmin.f32 v2, v3;
	v2 =	vmax.f32 v2, v3;
	v63 =	vmin.f32 v59, v60  }
0xb1: {  	v59 =	vmax.f32 v59, v60;
	v60 =	vmin.f32 v57, v56;
	v56 =	vmax.f32 v57, v56  }
0xb2: {  	v57 =	vmin.f32 v52, v5;
	v5 =	vmax.f32 v52, v5;
	v52 =	vmin.f32 v58, v61  }
0xb3: {  	v58 =	vmax.f32 v58, v61;
	v7 =	vmin.f32 v62, v55;
	v55 =	vmax.f32 v62, v55  }
0xb4: {  	v0 =	vmin.f32 v53, v54;
	v53 =	vmax.f32 v53, v54;
	v54 =	vmin.f32 v1, v6  }
0xb5: {  	v6 =	vmax.f32 v1, v6;
	v8 =	vmin.f32 v4, v2;
	v9 =	vmax.f32 v4, v2  }
0xb6: {  	v3 =	vmin.f32 v63, v60;
	v4 =	vmax.f32 v63, v60;
	v2 =	vmin.f32 v59, v56  }
0xb7: {  	v1 =	vmax.f32 v59, v56;
	v63 =	vmin.f32 v57, v52;
	v62 =	vmax.f32 v57, v52  }
0xb8: {  	v61 =	vmin.f32 v5, v58;
	v60 =	vmax.f32 v5, v58;
	v59 =	vmin.f32 v7, v0  }
0xb9: {  	v58 =	vmax.f32 v7, v0;
	v57 =	vmin.f32 v55, v53;
	v56 =	vmax.f32 v55, v53  }
0xba: {  	v55 =	vmin.f32 v54, v8;
	v54 =	vmax.f32 v54, v8;
	v53 =	vmin.f32 v6, v9  }
0xbb: {  	v52 =	vmax.f32 v6, v9;
	v0 =	vmin.f32 v38, v39;
	v5 =	vmax.f32 v38, v39  }
0xbc: {  	v6 =	vmin.f32 v40, v41;
	v7 =	vmax.f32 v40, v41;
	v8 =	vmin.f32 v42, v43  }
0xbd: {  	v9 =	vmax.f32 v42, v43;
	v38 =	vmin.f32 v44, v45;
	v39 =	vmax.f32 v44, v45  }
0xbe: {  	v40 =	vmin.f32 v46, v47;
	v41 =	vmax.f32 v46, v47;
	v42 =	vmin.f32 v48, v49  }
0xbf: {  	v43 =	vmax.f32 v48, v49;
	v44 =	vmin.f32 v50, v51;
	v45 =	vmax.f32 v50, v51  }
0xc0: {  	v46 =	vmin.f32 v32, v33;
	v47 =	vmax.f32 v32, v33;
	v48 =	vmin.f32 v0, v7  }
0xc1: {  	v0 =	vmax.f32 v0, v7;
	v7 =	vmin.f32 v5, v6;
	v5 =	vmax.f32 v5, v6  }
0xc2: {  	v6 =	vmin.f32 v8, v39;
	v8 =	vmax.f32 v8, v39;
	v39 =	vmin.f32 v9, v38  }
0xc3: {  	v9 =	vmax.f32 v9, v38;
	v38 =	vmin.f32 v40, v43;
	v40 =	vmax.f32 v40, v43  }
0xc4: {  	v43 =	vmin.f32 v41, v42;
	v41 =	vmax.f32 v41, v42;
	v42 =	vmin.f32 v44, v47  }
0xc5: {  	v44 =	vmax.f32 v44, v47;
	v47 =	vmin.f32 v45, v46;
	v45 =	vmax.f32 v45, v46  }
0xc6: {  	v46 =	vmin.f32 v48, v7;
	v7 =	vmax.f32 v48, v7;
	v48 =	vmin.f32 v0, v5  }
0xc7: {  	v0 =	vmax.f32 v0, v5;
	v5 =	vmin.f32 v8, v9;
	v8 =	vmax.f32 v8, v9  }
0xc8: {  	v9 =	vmin.f32 v6, v39;
	v6 =	vmax.f32 v6, v39;
	v39 =	vmin.f32 v38, v43  }
0xc9: {  	v38 =	vmax.f32 v38, v43;
	v43 =	vmin.f32 v40, v41;
	v40 =	vmax.f32 v40, v41  }
0xca: {  	v41 =	vmin.f32 v44, v45;
	v44 =	vmax.f32 v44, v45;
	v45 =	vmin.f32 v42, v47  }
0xcb: {  	v42 =	vmax.f32 v42, v47;
	v47 =	vmin.f32 v46, v8;
	v8 =	vmax.f32 v46, v8  }
0xcc: {  	v46 =	vmin.f32 v7, v5;
	v5 =	vmax.f32 v7, v5;
	v7 =	vmin.f32 v48, v6  }
0xcd: {  	v6 =	vmax.f32 v48, v6;
	v48 =	vmin.f32 v0, v9;
	v0 =	vmax.f32 v0, v9  }
0xce: {  	v9 =	vmin.f32 v39, v44;
	v39 =	vmax.f32 v39, v44;
	v44 =	vmin.f32 v38, v41  }
0xcf: {  	v38 =	vmax.f32 v38, v41;
	v41 =	vmin.f32 v43, v42;
	v42 =	vmax.f32 v43, v42  }
0xd0: {  	v43 =	vmin.f32 v40, v45;
	v40 =	vmax.f32 v40, v45;
	v45 =	vmin.f32 v47, v7  }
0xd1: {  	v7 =	vmax.f32 v47, v7;
	v47 =	vmin.f32 v46, v48;
	v46 =	vmax.f32 v46, v48  }
0xd2: {  	v48 =	vmin.f32 v8, v6;
	v6 =	vmax.f32 v8, v6;
	v8 =	vmin.f32 v5, v0  }
0xd3: {  	v0 =	vmax.f32 v5, v0;
	v5 =	vmin.f32 v39, v42;
	v39 =	vmax.f32 v39, v42  }
0xd4: {  	v42 =	vmin.f32 v38, v40;
	v38 =	vmax.f32 v38, v40;
	v40 =	vmin.f32 v9, v41  }
0xd5: {  	v9 =	vmax.f32 v9, v41;
	v41 =	vmin.f32 v44, v43;
	v43 =	vmax.f32 v44, v43  }
0xd6: {  	v44 =	vmin.f32 v45, v47;
	v45 =	vmax.f32 v45, v47;
	v47 =	vmin.f32 v7, v46  }
0xd7: {  	v7 =	vmax.f32 v7, v46;
	v46 =	vmin.f32 v48, v8;
	v8 =	vmax.f32 v48, v8  }
0xd8: {  	v48 =	vmin.f32 v6, v0;
	v0 =	vmax.f32 v6, v0;
	v6 =	vmin.f32 v39, v38  }
0xd9: {  	v38 =	vmax.f32 v39, v38;
	v49 =	vmin.f32 v5, v42;
	v5 =	vmax.f32 v5, v42  }
0xda: {  	v50 =	vmin.f32 v9, v43;
	v9 =	vmax.f32 v9, v43;
	v43 =	vmin.f32 v40, v41  }
0xdb: {  	v40 =	vmax.f32 v40, v41;
	v41 =	vmin.f32 v44, v38;
	v38 =	vmax.f32 v44, v38  }
0xdc: {  	v44 =	vmin.f32 v45, v6;
	v6 =	vmax.f32 v45, v6;
	v45 =	vmin.f32 v47, v5  }
0xdd: {  	v5 =	vmax.f32 v47, v5;
	v47 =	vmin.f32 v7, v49;
	v7 =	vmax.f32 v7, v49  }
0xde: {  	v39 =	vmin.f32 v46, v9;
	v9 =	vmax.f32 v46, v9;
	v46 =	vmin.f32 v8, v50  }
0xdf: {  	v8 =	vmax.f32 v8, v50;
	v42 =	vmin.f32 v48, v40;
	v40 =	vmax.f32 v48, v40  }
0xe0: {  	v48 =	vmin.f32 v0, v43;
	v0 =	vmax.f32 v0, v43;
	v43 =	vmin.f32 v41, v39  }
0xe1: {  	v39 =	vmax.f32 v41, v39;
	v41 =	vmin.f32 v44, v46;
	v44 =	vmax.f32 v44, v46  }
0xe2: {  	v46 =	vmin.f32 v45, v42;
	v42 =	vmax.f32 v45, v42;
	v45 =	vmin.f32 v47, v48  }
0xe3: {  	v47 =	vmax.f32 v47, v48;
	v48 =	vmin.f32 v38, v9;
	v9 =	vmax.f32 v38, v9  }
0xe4: {  	v38 =	vmin.f32 v6, v8;
	v6 =	vmax.f32 v6, v8;
	v8 =	vmin.f32 v5, v40  }
0xe5: {  	v5 =	vmax.f32 v5, v40;
	v40 =	vmin.f32 v7, v0;
	v0 =	vmax.f32 v7, v0  }
0xe6: {  	v7 =	vmin.f32 v43, v46;
	v43 =	vmax.f32 v43, v46;
	v46 =	vmin.f32 v41, v45  }
0xe7: {  	v41 =	vmax.f32 v41, v45;
	v45 =	vmin.f32 v39, v42;
	v39 =	vmax.f32 v39, v42  }
0xe8: {  	v42 =	vmin.f32 v44, v47;
	v44 =	vmax.f32 v44, v47;
	v47 =	vmin.f32 v48, v8  }
0xe9: {  	v8 =	vmax.f32 v48, v8;
	v48 =	vmin.f32 v38, v40;
	v38 =	vmax.f32 v38, v40  }
0xea: {  	v51 =	vmin.f32 v9, v5;
	v5 =	vmax.f32 v9, v5;
	v9 =	vmax.f32 v6, v0  }
0xeb: {  	v0 =	vmin.f32 v6, v0;
	v6 =	vmin.f32 v5, v9;
	v5 =	vmax.f32 v5, v9  }
0xec: {  	v9 =	vmax.f32 v51, v0;
	v3 =	vmin.f32 v3, v5;
	v4 =	vmin.f32 v4, v6  }
0xed: {  	v0 =	vmin.f32 v51, v0;
	v2 =	vmin.f32 v2, v9;
	v3 =	vmax.f32 v3, v4  }
0xee: {  	v0 =	vmin.f32 v1, v0;
	v4 =	vmax.f32 v8, v38;
	v1 =	vmax.f32 v3, v2  }
0xef: {  	v2 =	vmin.f32 v8, v38;
	v3 =	vmin.f32 v63, v4;
	v0 =	vmax.f32 v1, v0  }
0xf0: {  	v1 =	vmax.f32 v47, v48;
	v2 =	vmin.f32 v62, v2;
	v0 =	vmax.f32 v0, v3  }
0xf1: {  	v3 =	vmin.f32 v47, v48;
	v1 =	vmin.f32 v61, v1;
	v0 =	vmax.f32 v0, v2  }
0xf2: {  	v2 =	vmax.f32 v39, v44;
	v3 =	vmin.f32 v60, v3;
	v0 =	vmax.f32 v0, v1  }
0xf3: {  	v1 =	vmin.f32 v39, v44;
	v2 =	vmin.f32 v59, v2;
	v0 =	vmax.f32 v0, v3  }
0xf4: {  	v3 =	vmax.f32 v45, v42;
	v1 =	vmin.f32 v58, v1;
	v0 =	vmax.f32 v0, v2  }
0xf5: {  	v2 =	vmin.f32 v45, v42;
	v3 =	vmin.f32 v57, v3;
	v0 =	vmax.f32 v0, v1  }
0xf6: {  	v1 =	vmax.f32 v43, v41;
	v2 =	vmin.f32 v56, v2;
	v0 =	vmax.f32 v0, v3  }
0xf7: {  	v3 =	vmin.f32 v43, v41;
	v1 =	vmin.f32 v55, v1;
	v0 =	vmax.f32 v0, v2  }
0xf8: {  	v2 =	vmax.f32 v7, v46;
	v3 =	vmin.f32 v54, v3;
	v0 =	vmax.f32 v0, v1  }
0xf9: {  	[tilespmem:s31+$0xFFFFFFF0] =	vst v34;
	v1 =	vmin.f32 v7, v46;
	v2 =	vmin.f32 v53, v2;
	v0 =	vmax.f32 v0, v3  }
0xfa: {  	[tilespmem:s0+$0xFFFFFFF0] =	vst v36;
	v3 =	vmin.f32 v37, v33;
	v1 =	vmin.f32 v52, v1;
	v0 =	vmax.f32 v0, v2  }
0xfb: {  	v2 =	vmax.f32 v35, v32;
	[tilespmem:s26+$0xFFFFFFF0] =	vst v3;
	v0 =	vmax.f32 v0, v1  }
0xfc: {  	s6 =	sshra.s32 s5, $0x2;
	v1 =	vmax.f32 v2, v33;
	[tilespmem:s17+$0xFFFFFFF0] =	vst v0  }
0xfd: {  	s7 =	sadd.s32 $0x12950, s6;
	[tilespmem:s4+$0xFFFFFFF0] =	vst v1  }
0xfe: {  	[tilespmem:s19], [sflag:$0x1] =	stream.indirect.gather [spmem:s2], $0x1, s7, s18, $0xb8;
	[tilespmem:$0x1A2D0] =	vst v63  }
0xff: {  	s7 =	sadd.s32 $0x129D0, s6  }
0x100: {  	[tilespmem:s21], [sflag:$0x1] =	stream.indirect.gather [spmem:s2], $0x1, s7, s18, $0xb8;
	[tilespmem:$0x1A2D0] =	vst v63  }
0x101: {  	s7 =	sadd.s32 $0x12A50, s6  }
0x102: {  	[tilespmem:s23], [sflag:$0x1] =	stream.indirect.gather [spmem:s2], $0x1, s7, s18, $0xb8;
	[tilespmem:$0x1A2D0] =	vst v63  }
0x103: {  	s7 =	sadd.s32 $0x12AD0, s6  }
0x104: {  	[tilespmem:s25], [sflag:$0x1] =	stream.indirect.gather [spmem:s2], $0x1, s7, s18, $0xb8;
	[tilespmem:$0x1A2D0] =	vst v63  }
0x105: {  	_ =	swait.ge [sflag:s24], $0x200  }
0x106: {  	v9 =	vld [tilespmem:$0x1FF80];
	_ =	sdelay $0x5  }
0x107: {  	[sflag:s24] =	ssyncset.done $0x0  }
0x108: {  	[sflag:s24] =	ssyncadd.s32 $0xFFFFFE00  }
0x109: {  	v44 =	vld.idx.msk [tilespmem:v9+s28+$0x0], $0xffff  }
0x10a: {  	v9 =	vld [tilespmem:$0x1FF90];
	_ =	sdelay $0x7  }
0x10b: {  	v45 =	vld.idx.msk [tilespmem:v9+s28+$0x0], $0xffff  }
0x10c: {  	v9 =	vld [tilespmem:$0x1FFA0];
	_ =	sdelay $0x7  }
0x10d: {  	v46 =	vld.idx.msk [tilespmem:v9+s28+$0x0], $0xffff  }
0x10e: {  	v9 =	vld [tilespmem:$0x1FFB0]  }
0x10f: {  	v0 =	vld.idx.msk [tilespmem:v10+s28+$0x0], $0xffff  }
0x110: {  	v1 =	vld.idx.msk [tilespmem:v11+s28+$0x0], $0xffff;
	_ =	sdelay $0x1  }
0x111: {  	v52 =	vld.idx.msk [tilespmem:v12+s28+$0x0], $0xffff;
	_ =	sdelay $0x1  }
0x112: {  	v53 =	vld.idx.msk [tilespmem:v13+s28+$0x0], $0xffff  }
0x113: {  	v54 =	vld.idx.msk [tilespmem:v14+s28+$0x0], $0xffff;
	v2 =	vadd.f32 v1, v0  }
0x114: {  	v47 =	vld.idx.msk [tilespmem:v9+s28+$0x0], $0xffff  }
0x115: {  	v3 =	vmul.f32 v0, v0;
	v4 =	vmul.f32 v1, v1;
	v2 =	vadd.f32 v52, v2;
	v9 =	vld [tilespmem:$0x1FFC0]  }
0x116: {  	v55 =	vld.idx.msk [tilespmem:v15+s28+$0x0], $0xffff  }
0x117: {  	v3 =	vadd.f32 v4, v3;
	v4 =	vmul.f32 v52, v52;
	v2 =	vadd.f32 v53, v2  }
0x118: {  	v56 =	vld.idx.msk [tilespmem:v16+s28+$0x0], $0xffff;
	v57 =	vmin.f32 v0, v1;
	v59 =	vmax.f32 v0, v1  }
0x119: {  	v3 =	vadd.f32 v4, v3;
	v4 =	vmul.f32 v53, v53;
	v2 =	vadd.f32 v54, v2  }
0x11a: {  	v58 =	vld.idx.msk [tilespmem:v17+s28+$0x0], $0xffff;
	v0 =	vmin.f32 v57, v52;
	v6 =	vmax.f32 v59, v52  }
0x11b: {  	v60 =	vld.idx.msk [tilespmem:v18+s28+$0x0], $0xffff;
	v3 =	vadd.f32 v4, v3;
	v4 =	vmul.f32 v54, v54;
	v2 =	vadd.f32 v55, v2  }
0x11c: {  	v61 =	vld.idx.msk [tilespmem:v19+s28+$0x0], $0xffff;
	v0 =	vmin.f32 v0, v53;
	v6 =	vmax.f32 v6, v53  }
0x11d: {  	v3 =	vadd.f32 v4, v3;
	v4 =	vmul.f32 v55, v55;
	v2 =	vadd.f32 v56, v2;
	v48 =	vld.idx.msk [tilespmem:v9+s28+$0x0], $0xffff  }
0x11e: {  	v0 =	vmin.f32 v0, v54;
	v6 =	vmax.f32 v6, v54;
	v9 =	vld [tilespmem:$0x1FFD0]  }
0x11f: {  	v3 =	vadd.f32 v4, v3;
	v4 =	vmul.f32 v56, v56;
	v2 =	vadd.f32 v58, v2  }
0x120: {  	v1 =	vld.idx.msk [tilespmem:v20+s28+$0x0], $0xffff;
	v0 =	vmin.f32 v0, v55;
	v6 =	vmax.f32 v6, v55  }
0x121: {  	v3 =	vadd.f32 v4, v3;
	v4 =	vmul.f32 v58, v58;
	v5 =	vadd.f32 v60, v2  }
0x122: {  	v7 =	vmul.f32 v60, v60;
	v0 =	vmin.f32 v0, v56;
	v6 =	vmax.f32 v6, v56;
	v2 =	vld.idx.msk [tilespmem:v21+s28+$0x0], $0xffff  }
0x123: {  	v0 =	vmin.f32 v0, v58;
	v4 =	vadd.f32 v4, v3;
	v5 =	vadd.f32 v61, v5  }
0x124: {  	v8 =	vmul.f32 v61, v61;
	v6 =	vmax.f32 v6, v58;
	v0 =	vmin.f32 v0, v60;
	v3 =	vld.idx.msk [tilespmem:v22+s28+$0x0], $0xffff  }
0x125: {  	v6 =	vmax.f32 v6, v60;
	v7 =	vadd.f32 v7, v4;
	v4 =	vld.idx.msk [tilespmem:v23+s28+$0x0], $0xffff;
	v5 =	vadd.f32 v1, v5  }
0x126: {  	v0 =	vmin.f32 v0, v61;
	v6 =	vmax.f32 v6, v61;
	v49 =	vld.idx.msk [tilespmem:v9+s28+$0x0], $0xffff  }
0x127: {  	v7 =	vadd.f32 v8, v7;
	v8 =	vmul.f32 v1, v1;
	v5 =	vadd.f32 v2, v5;
	v9 =	vld [tilespmem:$0x1FFE0]  }
0x128: {  	v62 =	vld.idx.msk [tilespmem:v24+s28+$0x0], $0xffff;
	v0 =	vmin.f32 v0, v1;
	v6 =	vmax.f32 v6, v1  }
0x129: {  	v7 =	vadd.f32 v8, v7;
	v8 =	vmul.f32 v2, v2;
	v5 =	vadd.f32 v3, v5  }
0x12a: {  	v63 =	vld.idx.msk [tilespmem:v25+s28+$0x0], $0xffff;
	v0 =	vmin.f32 v0, v2;
	v6 =	vmax.f32 v6, v2  }
0x12b: {  	v7 =	vadd.f32 v8, v7;
	v8 =	vmul.f32 v3, v3;
	v5 =	vadd.f32 v4, v5  }
0x12c: {  	v38 =	vld.idx.msk [tilespmem:v26+s28+$0x0], $0xffff;
	v0 =	vmin.f32 v0, v3;
	v6 =	vmax.f32 v6, v3  }
0x12d: {  	v39 =	vld.idx.msk [tilespmem:v27+s28+$0x0], $0xffff;
	v7 =	vadd.f32 v8, v7;
	v8 =	vmul.f32 v4, v4;
	v5 =	vadd.f32 v62, v5  }
0x12e: {  	v40 =	vld.idx.msk [tilespmem:v28+s28+$0x0], $0xffff;
	v0 =	vmin.f32 v0, v4;
	v6 =	vmax.f32 v6, v4  }
0x12f: {  	v7 =	vadd.f32 v8, v7;
	v8 =	vmul.f32 v62, v62;
	v5 =	vadd.f32 v63, v5;
	v50 =	vld.idx.msk [tilespmem:v9+s28+$0x0], $0xffff  }
0x130: {  	v0 =	vmin.f32 v0, v62;
	v6 =	vmax.f32 v6, v62;
	v9 =	vld [tilespmem:$0x1FFF0]  }
0x131: {  	v7 =	vadd.f32 v8, v7;
	v8 =	vmul.f32 v63, v63;
	v5 =	vadd.f32 v38, v5  }
0x132: {  	v41 =	vld.idx.msk [tilespmem:v29+s28+$0x0], $0xffff;
	v0 =	vmin.f32 v0, v63;
	v6 =	vmax.f32 v6, v63  }
0x133: {  	v7 =	vadd.f32 v8, v7;
	v8 =	vmul.f32 v38, v38;
	v5 =	vadd.f32 v39, v5  }
0x134: {  	v42 =	vld.idx.msk [tilespmem:v30+s28+$0x0], $0xffff;
	v0 =	vmin.f32 v0, v38;
	v6 =	vmax.f32 v6, v38  }
0x135: {  	v7 =	vadd.f32 v8, v7;
	v8 =	vmul.f32 v39, v39;
	v5 =	vadd.f32 v40, v5  }
0x136: {  	v43 =	vld.idx.msk [tilespmem:v31+s28+$0x0], $0xffff;
	v0 =	vmin.f32 v0, v39;
	v6 =	vmax.f32 v6, v39  }
0x137: {  	v7 =	vadd.f32 v8, v7;
	v8 =	vmul.f32 v40, v40;
	v5 =	vadd.f32 v41, v5  }
0x138: {  	v0 =	vmin.f32 v0, v40;
	v6 =	vmax.f32 v6, v40;
	v51 =	vld.idx.msk [tilespmem:v9+s28+$0x0], $0xffff  }
0x139: {  	v7 =	vadd.f32 v8, v7;
	v8 =	vmul.f32 v41, v41;
	v5 =	vadd.f32 v42, v5;
	v9 =	vld [tilespmem:$0x1FF60]  }
0x13a: {  	v0 =	vmin.f32 v0, v41;
	v6 =	vmax.f32 v6, v41  }
0x13b: {  	v7 =	vadd.f32 v8, v7;
	v8 =	vmul.f32 v42, v42;
	v5 =	vadd.f32 v43, v5  }
0x13c: {  	v0 =	vmin.f32 v0, v42;
	v6 =	vmax.f32 v6, v42  }
0x13d: {  	v7 =	vadd.f32 v8, v7;
	v8 =	vmul.f32 v43, v43;
	v5 =	vadd.f32 v44, v5  }
0x13e: {  	v0 =	vmin.f32 v0, v43;
	v6 =	vmax.f32 v6, v43  }
0x13f: {  	v7 =	vadd.f32 v8, v7;
	v8 =	vmul.f32 v44, v44;
	v5 =	vadd.f32 v45, v5  }
0x140: {  	v0 =	vmin.f32 v0, v44;
	v6 =	vmax.f32 v6, v44  }
0x141: {  	v7 =	vadd.f32 v8, v7;
	v8 =	vmul.f32 v45, v45;
	v5 =	vadd.f32 v46, v5;
	v32 =	vld.idx.msk [tilespmem:v9+s28+$0x0], $0xffff  }
0x142: {  	v0 =	vmin.f32 v0, v45;
	v6 =	vmax.f32 v6, v45;
	v9 =	vld [tilespmem:$0x1FF70]  }
0x143: {  	v7 =	vadd.f32 v8, v7;
	v8 =	vmul.f32 v46, v46;
	v5 =	vadd.f32 v47, v5  }
0x144: {  	v0 =	vmin.f32 v0, v46;
	v6 =	vmax.f32 v6, v46  }
0x145: {  	v7 =	vadd.f32 v8, v7;
	v8 =	vmul.f32 v47, v47;
	v5 =	vadd.f32 v48, v5  }
0x146: {  	v0 =	vmin.f32 v0, v47;
	v6 =	vmax.f32 v6, v47  }
0x147: {  	v7 =	vadd.f32 v8, v7;
	v8 =	vmul.f32 v48, v48;
	v5 =	vadd.f32 v49, v5  }
0x148: {  	v0 =	vmin.f32 v0, v48;
	v6 =	vmax.f32 v6, v48  }
0x149: {  	v7 =	vadd.f32 v8, v7;
	v8 =	vmul.f32 v49, v49;
	v5 =	vadd.f32 v50, v5  }
0x14a: {  	v0 =	vmin.f32 v0, v49;
	v6 =	vmax.f32 v6, v49;
	v33 =	vld.idx.msk [tilespmem:v9+s28+$0x0], $0xffff  }
0x14b: {  	v7 =	vadd.f32 v8, v7;
	v8 =	vmul.f32 v50, v50;
	v5 =	vadd.f32 v51, v5  }
0x14c: {  	v0 =	vmin.f32 v0, v50;
	v6 =	vmax.f32 v6, v50  }
0x14d: {  	v7 =	vadd.f32 v8, v7;
	v8 =	vmul.f32 v51, v51;
	v5 =	vadd.f32 v32, v5  }
0x14e: {  	v36 =	vmin.f32 v0, v51;
	v0 =	vmax.f32 v6, v51  }
0x14f: {  	v7 =	vadd.f32 v8, v7;
	v8 =	vmul.f32 v32, v32;
	v5 =	vadd.f32 v33, v5  }
0x150: {  	[tilespmem:$0x1FF50] =	vst v0;
	v0 =	vmin.f32 v52, v53  }
0x151: {  	v7 =	vadd.f32 v8, v7;
	v8 =	vmul.f32 v33, v33;
	v35 =	vmul.f32 $3.125000000e-02, v5  }
0x152: {  	v6 =	vmin.f32 v54, v55;
	v34 =	vmin.f32 v59, v0  }
0x153: {  	v9 =	vmax.f32 v56, v58;
	v7 =	vadd.f32 v8, v7;
	v5 =	vmul.f32 v35, v5  }
0x154: {  	v0 =	vmax.f32 v59, v0;
	v8 =	vmin.f32 v56, v58;
	v58 =	vmin.f32 v6, v9  }
0x155: {  	v6 =	vmax.f32 v6, v9;
	v37 =	vsub.f32 v7, v5;
	v5 =	vmax.f32 v52, v53  }
0x156: {  	v7 =	vmax.f32 v54, v55;
	v52 =	vmin.f32 v60, v61;
	v53 =	vmax.f32 v60, v61  }
0x157: {  	v61 =	vmin.f32 v1, v2;
	v1 =	vmax.f32 v1, v2;
	v2 =	vmin.f32 v3, v4  }
0x158: {  	v3 =	vmax.f32 v3, v4;
	v4 =	vmin.f32 v62, v63;
	v62 =	vmax.f32 v62, v63  }
0x159: {  	v63 =	vmin.f32 v57, v5;
	v5 =	vmax.f32 v57, v5;
	v9 =	vmin.f32 v7, v8  }
0x15a: {  	v7 =	vmax.f32 v7, v8;
	v8 =	vmin.f32 v52, v1;
	v1 =	vmax.f32 v52, v1  }
0x15b: {  	v60 =	vmin.f32 v53, v61;
	v53 =	vmax.f32 v53, v61;
	v61 =	vmin.f32 v2, v62  }
0x15c: {  	v2 =	vmax.f32 v2, v62;
	v62 =	vmin.f32 v3, v4;
	v3 =	vmax.f32 v3, v4  }
0x15d: {  	v4 =	vmin.f32 v63, v34;
	v56 =	vmax.f32 v63, v34;
	v63 =	vmin.f32 v5, v0  }
0x15e: {  	v0 =	vmax.f32 v5, v0;
	v5 =	vmin.f32 v6, v7;
	v6 =	vmax.f32 v6, v7  }
0x15f: {  	v7 =	vmin.f32 v58, v9;
	v9 =	vmax.f32 v58, v9;
	v34 =	vmin.f32 v8, v60  }
0x160: {  	v8 =	vmax.f32 v8, v60;
	v52 =	vmin.f32 v1, v53;
	v1 =	vmax.f32 v1, v53  }
0x161: {  	v60 =	vmin.f32 v2, v3;
	v2 =	vmax.f32 v2, v3;
	v3 =	vmin.f32 v61, v62  }
0x162: {  	v54 =	vmax.f32 v61, v62;
	v61 =	vmin.f32 v4, v6;
	v4 =	vmax.f32 v4, v6  }
0x163: {  	v6 =	vmin.f32 v56, v5;
	v5 =	vmax.f32 v56, v5;
	v62 =	vmin.f32 v63, v9  }
0x164: {  	v9 =	vmax.f32 v63, v9;
	v63 =	vmin.f32 v0, v7;
	v0 =	vmax.f32 v0, v7  }
0x165: {  	v7 =	vmin.f32 v34, v2;
	v2 =	vmax.f32 v34, v2;
	v58 =	vmin.f32 v8, v60  }
0x166: {  	v8 =	vmax.f32 v8, v60;
	v34 =	vmin.f32 v52, v54;
	v52 =	vmax.f32 v52, v54  }
0x167: {  	v60 =	vmin.f32 v1, v3;
	v1 =	vmax.f32 v1, v3;
	v3 =	vmin.f32 v61, v62  }
0x168: {  	v55 =	vmax.f32 v61, v62;
	v61 =	vmin.f32 v6, v63;
	v6 =	vmax.f32 v6, v63  }
0x169: {  	v62 =	vmin.f32 v4, v9;
	v4 =	vmax.f32 v4, v9;
	v9 =	vmin.f32 v5, v0  }
0x16a: {  	v0 =	vmax.f32 v5, v0;
	v5 =	vmin.f32 v2, v52;
	v2 =	vmax.f32 v2, v52  }
0x16b: {  	v63 =	vmin.f32 v8, v1;
	v1 =	vmax.f32 v8, v1;
	v8 =	vmin.f32 v7, v34  }
0x16c: {  	v7 =	vmax.f32 v7, v34;
	v34 =	vmin.f32 v58, v60;
	v54 =	vmax.f32 v58, v60  }
0x16d: {  	v58 =	vmin.f32 v3, v61;
	v3 =	vmax.f32 v3, v61;
	v60 =	vmin.f32 v55, v6  }
0x16e: {  	v6 =	vmax.f32 v55, v6;
	v61 =	vmin.f32 v62, v9;
	v9 =	vmax.f32 v62, v9  }
0x16f: {  	v57 =	vmin.f32 v4, v0;
	v0 =	vmax.f32 v4, v0;
	v4 =	vmin.f32 v2, v1  }
0x170: {  	v1 =	vmax.f32 v2, v1;
	v2 =	vmin.f32 v5, v63;
	v5 =	vmax.f32 v5, v63  }
0x171: {  	v62 =	vmin.f32 v7, v54;
	v7 =	vmax.f32 v7, v54;
	v63 =	vmin.f32 v8, v34  }
0x172: {  	v8 =	vmax.f32 v8, v34;
	v34 =	vmin.f32 v58, v1;
	v1 =	vmax.f32 v58, v1  }
0x173: {  	v58 =	vmin.f32 v3, v4;
	v3 =	vmax.f32 v3, v4;
	v4 =	vmin.f32 v60, v5  }
0x174: {  	v5 =	vmax.f32 v60, v5;
	v56 =	vmin.f32 v6, v2;
	v2 =	vmax.f32 v6, v2  }
0x175: {  	v6 =	vmin.f32 v61, v7;
	v7 =	vmax.f32 v61, v7;
	v60 =	vmin.f32 v9, v62  }
0x176: {  	v9 =	vmax.f32 v9, v62;
	v61 =	vmin.f32 v57, v8;
	v8 =	vmax.f32 v57, v8  }
0x177: {  	v62 =	vmin.f32 v0, v63;
	v0 =	vmax.f32 v0, v63;
	v63 =	vmin.f32 v34, v6  }
0x178: {  	v6 =	vmax.f32 v34, v6;
	v34 =	vmin.f32 v58, v60;
	v55 =	vmax.f32 v58, v60  }
0x179: {  	v60 =	vmin.f32 v4, v61;
	v4 =	vmax.f32 v4, v61;
	v61 =	vmin.f32 v56, v62  }
0x17a: {  	v56 =	vmax.f32 v56, v62;
	v62 =	vmin.f32 v1, v7;
	v1 =	vmax.f32 v1, v7  }
0x17b: {  	v7 =	vmin.f32 v3, v9;
	v3 =	vmax.f32 v3, v9;
	v9 =	vmin.f32 v5, v8  }
0x17c: {  	v5 =	vmax.f32 v5, v8;
	v8 =	vmin.f32 v2, v0;
	v0 =	vmax.f32 v2, v0  }
0x17d: {  	v2 =	vmin.f32 v63, v60;
	v54 =	vmax.f32 v63, v60;
	v63 =	vmin.f32 v34, v61  }
0x17e: {  	v52 =	vmax.f32 v34, v61;
	v53 =	vmin.f32 v6, v4;
	v6 =	vmax.f32 v6, v4  }
0x17f: {  	v59 =	vmin.f32 v55, v56;
	v55 =	vmax.f32 v55, v56;
	v56 =	vmin.f32 v62, v9  }
0x180: {  	v9 =	vmax.f32 v62, v9;
	v57 =	vmin.f32 v7, v8;
	v7 =	vmax.f32 v7, v8  }
0x181: {  	v8 =	vmin.f32 v1, v5;
	v5 =	vmax.f32 v1, v5;
	v4 =	vmax.f32 v2, v63  }
0x182: {  	v1 =	vmax.f32 v54, v52;
	v62 =	vmax.f32 v53, v59;
	v61 =	vmin.f32 v6, v55  }
0x183: {  	v60 =	vmax.f32 v6, v55;
	v58 =	vmax.f32 v56, v57;
	v6 =	vmin.f32 v40, v41;
	v34 =	vmovc v31  }
0x184: {  	v31 =	vmovc v30;
	v30 =	vmovc v29;
	v29 =	vmov v28;
	v28 =	vmov v27;
	v27 =	vmov v26  }
0x185: {  	v26 =	vmovc v25;
	v25 =	vmovc v24;
	v24 =	vmov v23;
	v23 =	vmov v22;
	v22 =	vmov v21  }
0x186: {  	v21 =	vmovc v20;
	v20 =	vmovc v19;
	v19 =	vmov v18;
	v18 =	vmov v17;
	v17 =	vmov v16  }
0x187: {  	v16 =	vmovc v15;
	v15 =	vmovc v14;
	v14 =	vmov v13;
	v13 =	vmov v12;
	v12 =	vmov v11  }
0x188: {  	v11 =	vmovc v10;
	v10 =	vmin.f32 v3, v0;
	v0 =	vmax.f32 v3, v0;
	v3 =	vmin.f32 v2, v63  }
0x189: {  	v2 =	vmin.f32 v54, v52;
	v63 =	vmin.f32 v53, v59;
	v59 =	vmin.f32 v56, v57  }
0x18a: {  	v57 =	vmin.f32 v9, v7;
	v56 =	vmax.f32 v9, v7;
	v7 =	vmax.f32 v40, v41  }
0x18b: {  	v9 =	vmax.f32 v42, v43;
	v40 =	vmax.f32 v46, v47;
	v41 =	vmin.f32 v48, v49  }
0x18c: {  	v55 =	vmin.f32 v8, v10;
	v54 =	vmax.f32 v8, v10;
	v53 =	vmin.f32 v5, v0  }
0x18d: {  	v52 =	vmax.f32 v5, v0;
	v0 =	vmin.f32 v38, v39;
	v5 =	vmax.f32 v38, v39  }
0x18e: {  	v8 =	vmin.f32 v42, v43;
	v10 =	vmin.f32 v44, v45;
	v38 =	vmax.f32 v44, v45  }
0x18f: {  	v39 =	vmin.f32 v46, v47;
	v42 =	vmax.f32 v48, v49;
	v48 =	vmin.f32 v50, v51  }
0x190: {  	v44 =	vmax.f32 v50, v51;
	v45 =	vmin.f32 v32, v33;
	v49 =	vmax.f32 v32, v33  }
0x191: {  	v51 =	vmin.f32 v40, v41;
	v40 =	vmax.f32 v40, v41;
	v50 =	vmin.f32 v0, v7  }
0x192: {  	v0 =	vmax.f32 v0, v7;
	v7 =	vmin.f32 v5, v6;
	v5 =	vmax.f32 v5, v6  }
0x193: {  	v6 =	vmin.f32 v8, v38;
	v8 =	vmax.f32 v8, v38;
	v38 =	vmin.f32 v9, v10  }
0x194: {  	v9 =	vmax.f32 v9, v10;
	v10 =	vmin.f32 v39, v42;
	v39 =	vmax.f32 v39, v42  }
0x195: {  	v41 =	vmin.f32 v48, v49;
	v43 =	vmax.f32 v48, v49;
	v48 =	vmin.f32 v44, v45  }
0x196: {  	v44 =	vmax.f32 v44, v45;
	v49 =	vmin.f32 v50, v7;
	v7 =	vmax.f32 v50, v7  }
0x197: {  	v50 =	vmin.f32 v0, v5;
	v0 =	vmax.f32 v0, v5;
	v5 =	vmin.f32 v8, v9  }
0x198: {  	v8 =	vmax.f32 v8, v9;
	v9 =	vmin.f32 v6, v38;
	v6 =	vmax.f32 v6, v38  }
0x199: {  	v38 =	vmin.f32 v10, v51;
	v10 =	vmax.f32 v10, v51;
	v42 =	vmin.f32 v39, v40  }
0x19a: {  	v39 =	vmax.f32 v39, v40;
	v40 =	vmin.f32 v43, v44;
	v43 =	vmax.f32 v43, v44  }
0x19b: {  	v51 =	vmin.f32 v41, v48;
	v41 =	vmax.f32 v41, v48;
	v48 =	vmin.f32 v49, v8  }
0x19c: {  	v8 =	vmax.f32 v49, v8;
	v49 =	vmin.f32 v7, v5;
	v5 =	vmax.f32 v7, v5  }
0x19d: {  	v7 =	vmin.f32 v50, v6;
	v6 =	vmax.f32 v50, v6;
	v50 =	vmin.f32 v0, v9  }
0x19e: {  	v0 =	vmax.f32 v0, v9;
	v9 =	vmin.f32 v38, v43;
	v38 =	vmax.f32 v38, v43  }
0x19f: {  	v43 =	vmin.f32 v10, v40;
	v10 =	vmax.f32 v10, v40;
	v40 =	vmin.f32 v42, v41  }
0x1a0: {  	v41 =	vmax.f32 v42, v41;
	v42 =	vmin.f32 v39, v51;
	v39 =	vmax.f32 v39, v51  }
0x1a1: {  	v51 =	vmin.f32 v48, v7;
	v7 =	vmax.f32 v48, v7;
	v48 =	vmin.f32 v49, v50  }
0x1a2: {  	v45 =	vmax.f32 v49, v50;
	v49 =	vmin.f32 v8, v6;
	v6 =	vmax.f32 v8, v6  }
0x1a3: {  	v8 =	vmin.f32 v5, v0;
	v0 =	vmax.f32 v5, v0;
	v5 =	vmin.f32 v38, v41  }
0x1a4: {  	v38 =	vmax.f32 v38, v41;
	v50 =	vmin.f32 v10, v39;
	v10 =	vmax.f32 v10, v39  }
0x1a5: {  	v39 =	vmin.f32 v9, v40;
	v9 =	vmax.f32 v9, v40;
	v40 =	vmin.f32 v43, v42  }
0x1a6: {  	v42 =	vmax.f32 v43, v42;
	v43 =	vmin.f32 v51, v48;
	v44 =	vmax.f32 v51, v48  }
0x1a7: {  	v51 =	vmin.f32 v7, v45;
	v7 =	vmax.f32 v7, v45;
	v48 =	vmin.f32 v49, v8  }
0x1a8: {  	v8 =	vmax.f32 v49, v8;
	v47 =	vmin.f32 v6, v0;
	v0 =	vmax.f32 v6, v0  }
0x1a9: {  	v6 =	vmin.f32 v38, v10;
	v10 =	vmax.f32 v38, v10;
	v49 =	vmin.f32 v5, v50  }
0x1aa: {  	v5 =	vmax.f32 v5, v50;
	v50 =	vmin.f32 v9, v42;
	v9 =	vmax.f32 v9, v42  }
0x1ab: {  	v42 =	vmin.f32 v39, v40;
	v39 =	vmax.f32 v39, v40;
	v40 =	vmin.f32 v43, v10  }
0x1ac: {  	v10 =	vmax.f32 v43, v10;
	v43 =	vmin.f32 v44, v6;
	v6 =	vmax.f32 v44, v6  }
0x1ad: {  	v44 =	vmin.f32 v51, v5;
	v5 =	vmax.f32 v51, v5;
	v46 =	vmin.f32 v7, v49  }
0x1ae: {  	v7 =	vmax.f32 v7, v49;
	v51 =	vmin.f32 v48, v9;
	v9 =	vmax.f32 v48, v9  }
0x1af: {  	v48 =	vmin.f32 v8, v50;
	v8 =	vmax.f32 v8, v50;
	v49 =	vmin.f32 v47, v39  }
0x1b0: {  	v39 =	vmax.f32 v47, v39;
	v50 =	vmin.f32 v0, v42;
	v0 =	vmax.f32 v0, v42  }
0x1b1: {  	v42 =	vmin.f32 v40, v51;
	v38 =	vmax.f32 v40, v51;
	v40 =	vmin.f32 v43, v48  }
0x1b2: {  	v43 =	vmax.f32 v43, v48;
	v51 =	vmin.f32 v44, v49;
	v41 =	vmax.f32 v44, v49  }
0x1b3: {  	v48 =	vmin.f32 v46, v50;
	v46 =	vmax.f32 v46, v50;
	v49 =	vmin.f32 v10, v9  }
0x1b4: {  	v9 =	vmax.f32 v10, v9;
	v10 =	vmin.f32 v6, v8;
	v6 =	vmax.f32 v6, v8  }
0x1b5: {  	v8 =	vmin.f32 v5, v39;
	v5 =	vmax.f32 v5, v39;
	v50 =	vmin.f32 v7, v0  }
0x1b6: {  	v0 =	vmax.f32 v7, v0;
	v7 =	vmin.f32 v42, v51;
	v42 =	vmax.f32 v42, v51  }
0x1b7: {  	v51 =	vmin.f32 v40, v48;
	v40 =	vmax.f32 v40, v48;
	v44 =	vmin.f32 v38, v41  }
0x1b8: {  	v38 =	vmax.f32 v38, v41;
	v41 =	vmin.f32 v43, v46;
	v43 =	vmax.f32 v43, v46  }
0x1b9: {  	v48 =	vmin.f32 v49, v8;
	v8 =	vmax.f32 v49, v8;
	v49 =	vmin.f32 v10, v50  }
0x1ba: {  	v10 =	vmax.f32 v10, v50;
	v50 =	vmin.f32 v9, v5;
	v5 =	vmax.f32 v9, v5  }
0x1bb: {  	v9 =	vmin.f32 v6, v0;
	v0 =	vmax.f32 v6, v0;
	v6 =	vmin.f32 v7, v51  }
0x1bc: {  	v7 =	vmax.f32 v7, v51;
	v51 =	vmin.f32 v5, v0;
	v0 =	vmax.f32 v5, v0  }
0x1bd: {  	v0 =	vmin.f32 v3, v0;
	v3 =	vmin.f32 v4, v51;
	v4 =	vmax.f32 v50, v9  }
0x1be: {  	v5 =	vmin.f32 v50, v9;
	v2 =	vmin.f32 v2, v4;
	v0 =	vmax.f32 v0, v3  }
0x1bf: {  	v1 =	vmin.f32 v1, v5;
	v0 =	vmax.f32 v0, v2;
	v2 =	vmax.f32 v8, v10  }
0x1c0: {  	v3 =	vmin.f32 v8, v10;
	v2 =	vmin.f32 v63, v2;
	v0 =	vmax.f32 v0, v1  }
0x1c1: {  	v1 =	vmin.f32 v62, v3;
	v0 =	vmax.f32 v0, v2;
	v2 =	vmax.f32 v48, v49  }
0x1c2: {  	v3 =	vmin.f32 v48, v49;
	v2 =	vmin.f32 v61, v2;
	v0 =	vmax.f32 v0, v1  }
0x1c3: {  	v1 =	vmin.f32 v60, v3;
	v0 =	vmax.f32 v0, v2;
	v2 =	vmax.f32 v38, v43  }
0x1c4: {  	v3 =	vmin.f32 v38, v43;
	v2 =	vmin.f32 v59, v2;
	v0 =	vmax.f32 v0, v1  }
0x1c5: {  	v1 =	vmin.f32 v58, v3;
	v0 =	vmax.f32 v0, v2;
	v2 =	vmax.f32 v44, v41  }
0x1c6: {  	v3 =	vmin.f32 v44, v41;
	v2 =	vmin.f32 v57, v2;
	v0 =	vmax.f32 v0, v1  }
0x1c7: {  	v1 =	vmin.f32 v56, v3;
	v0 =	vmax.f32 v0, v2;
	v2 =	vmax.f32 v42, v40  }
0x1c8: {  	v2 =	vmin.f32 v55, v2;
	v0 =	vmax.f32 v0, v1  }
0x1c9: {  	v0 =	vmax.f32 v0, v2;
	v2 =	vmul.f32 $3.225806360e-02, v37  }
0x1ca: {  	[tilespmem:s31+$0x0] =	vst v35  }
0x1cb: {  	[tilespmem:s0+$0x0] =	vst v2;
	v2 =	vld [tilespmem:$0x1FF50]  }
0x1cc: {  	v3 =	vmin.f32 v42, v40  }
0x1cd: {  	v1 =	vmin.f32 v54, v3  }
0x1ce: {  	v3 =	vmin.f32 v53, v7;
	v0 =	vmax.f32 v0, v1;
	v1 =	vmin.f32 v36, v32  }
0x1cf: {  	v4 =	vmin.f32 v52, v6;
	v0 =	vmax.f32 v0, v3;
	v1 =	vmin.f32 v1, v33  }
0x1d0: {  	v0 =	vmax.f32 v0, v4;
	[tilespmem:s26+$0x0] =	vst v1;
	v2 =	vmax.f32 v2, v32  }
0x1d1: {  	[tilespmem:s17+$0x0] =	vst v0;
	v1 =	vmax.f32 v2, v33  }
0x1d2: {  	s7 =	sadd.s32 $0x12B50, s6;
	[tilespmem:s4+$0x0] =	vst v1  }
0x1d3: {  	[tilespmem:s28], [sflag:$0x2] =	stream.indirect.gather [spmem:s2], $0x1, s7, s18, $0xb8;
	[tilespmem:$0x1A2D0] =	vst v63  }
0x1d4: {  	p0 =	sne.s32 s5, $0x18000;
	v9 =	vld [tilespmem:$0x1FFD0];
	s7 =	sadd.s32 $0x12BD0, s6  }
0x1d5: {  	v5 =	vld [tilespmem:$0x1FF90];
	[tilespmem:s30], [sflag:$0x2] =	stream.indirect.gather [spmem:s2], $0x1, s7, s18, $0xb8  }
.Ltmp0:
0x1d6: {  	s5 =	sadd.s32 $0x1000, s5;
	s31 =	sadd.s32 $0x20, s31;
	v6 =	vld [tilespmem:$0x1FFA0];
	v10 =	vmov v11;
	v11 =	vmov v12;
	(pc) =	sbr.rel @p0 .LBB2_2-.Ltmp0, $4  }
0x1d7: {  	v8 =	vld [tilespmem:$0x1FFC0];
	v12 =	vmovc v13;
	v13 =	vmovc v14;
	v14 =	vmov v15;
	v15 =	vmov v16;
	v16 =	vmov v17;
	s0 =	sadd.s32 $0x20, s0;
	s26 =	sadd.s32 $0x20, s26;
	s7 =	sadd.s32 $0x12C50, s6  }
0x1d8: {  	v17 =	vmovc v18;
	v18 =	vmovc v19;
	v19 =	vmov v20;
	v20 =	vmov v21;
	v21 =	vmov v22;
	v7 =	vld [tilespmem:$0x1FFB0];
	[tilespmem:s1], [sflag:$0x2] =	stream.indirect.gather [spmem:s2], $0x1, s7, s18, $0xb8  }
0x1d9: {  	v22 =	vmovc v23;
	v23 =	vmovc v24;
	v24 =	vmov v25;
	v25 =	vmov v26;
	v26 =	vmov v27;
	v37 =	vld [tilespmem:$0x1FFE0];
	s17 =	sadd.s32 $0x20, s17;
	s4 =	sadd.s32 $0x20, s4;
	s6 =	sadd.s32 $0x12CD0, s6  }
0x1da: {  	v27 =	vmovc v28;
	v28 =	vmovc v29;
	v29 =	vmov v30;
	v30 =	vmov v31;
	v31 =	vmov v34;
	v0 =	vld [tilespmem:$0x1FF80];
	[tilespmem:s20], [sflag:$0x2] =	stream.indirect.gather [spmem:s2], $0x1, s6, s18, $0xb8  }
0x1db: {  	_ =	swait.ge [sflag:s22], $0x200  }
0x1dc: {  	[sflag:s22] =	ssyncset.done $0x0  }
0x1dd: {  	[sflag:s22] =	ssyncadd.s32 $0xFFFFFE00  }
0x1de: {  	_ =	swait.ge [sflag:s24], $0x200  }
0x1df: {  	[sflag:s24] =	ssyncset.done $0x0  }
0x1e0: {  	s0 =	simm.s32 $0x19150;
	[sflag:s24] =	ssyncadd.s32 $0xFFFFFE00  }
0x1e1: {  	[hbm4b:s9+s3] =	stream.linear.scatter [tilespmem:s0], [sflag:$0x3], $0x320, $0x38;
	[tilespmem:$0x1A2D0] =	vst v63  }
0x1e2: {  	_ =	swait.ge [sflag:s16], $0x320  }
0x1e3: {  	[sflag:s16] =	ssyncset.done $0x0  }
0x1e4: {  	s7 =	simm.s32 $0x194D0;
	[sflag:s16] =	ssyncadd.s32 $0xFFFFFCE0  }
0x1e5: {  	[hbm4b:s10+s3] =	stream.linear.scatter [tilespmem:s7], [sflag:$0x3], $0x320, $0x38;
	[tilespmem:$0x1A2D0] =	vst v63  }
0x1e6: {  	_ =	swait.ge [sflag:s16], $0x320  }
0x1e7: {  	[sflag:s16] =	ssyncset.done $0x0  }
0x1e8: {  	s17 =	simm.s32 $0x19850;
	[sflag:s16] =	ssyncadd.s32 $0xFFFFFCE0  }
0x1e9: {  	[hbm4b:s11+s3] =	stream.linear.scatter [tilespmem:s17], [sflag:$0x3], $0x320, $0x38;
	[tilespmem:$0x1A2D0] =	vst v63  }
0x1ea: {  	_ =	swait.ge [sflag:s16], $0x320  }
0x1eb: {  	[sflag:s16] =	ssyncset.done $0x0  }
0x1ec: {  	s26 =	simm.s32 $0x19BD0;
	[sflag:s16] =	ssyncadd.s32 $0xFFFFFCE0  }
0x1ed: {  	[hbm4b:s12+s3] =	stream.linear.scatter [tilespmem:s26], [sflag:$0x3], $0x320, $0x38;
	[tilespmem:$0x1A2D0] =	vst v63  }
0x1ee: {  	s29 =	sadd.s32 $0x1, s29;
	_ =	swait.ge [sflag:s16], $0x320  }
0x1ef: {  	p0 =	sne.s32 s29, s14;
	[sflag:s16] =	ssyncset.done $0x0  }
.Ltmp1:
0x1f0: {  	s31 =	simm.s32 $0x19F50;
	[sflag:s16] =	ssyncadd.s32 $0xFFFFFCE0;
	(pc) =	sbr.rel @p0 .LBB2_1-.Ltmp1, $4  }
0x1f1: {  	[hbm4b:s13+s3] =	stream.linear.scatter [tilespmem:s31], [sflag:$0x3], $0x320, $0x38;
	[tilespmem:$0x1A2D0] =	vst v63  }
0x1f2: {  	_ =	swait.ge [sflag:s16], $0x320  }
0x1f3: {  	[sflag:s16] =	ssyncset.done $0x0  }
0x1f4: {  	[sflag:s16] =	ssyncadd.s32 $0xFFFFFCE0  }
0x1f5: {  	_ =	sfence.sel $0x180000  }
0x1f6: {  	[bflag:$0x0] =	sbarrier.arrive $0xFFFF  }
0x1f7: {  	_ =	strace $0x90000047  }
0x1f8: {  	s0 =	stileid.u32;
	[bflag:$0x2] =	sbarrier.arrive $0xFFFF  }
0x1f9: {  	p0 =	sne.s32 s0, $0x0;
	s0 =	rddreg [dreg:$0x2]  }
0x1fa: {  	s0 =	sadd.s32 @!p0 $0x100000, s0  }
0x1fb: {  	[sflag:s0] =	ssyncadd.tile.s32 @!p0 $0x1;
	_ =	shalt  }
.Lfunc_end2:
_tile_overlayer_lowered:
.L_overlay_start_2:
0x1fc: {  	(tag) =	ssettag $0x2  }
0x1fd: {  	s0 =	rddreg [dreg:$0x0];
	s2 =	stileid.u32  }
0x1fe: {  	s1 =	rddreg [dreg:$0x1];
	p0 =	sne.s32 s2, $0x0  }
0x1ff: {  	s3 =	rddreg [dreg:$0x2];
	[bflag:$0x3] =	sbarrier.arrive $0xFFFF;
	s2 =	simm.s32 @!p0 $0x1C03  }
0x200: {  	[timem:s3], [sflag:s2] =	dma.local @!p0 [hbm:s0], s1  }
0x201: {  	s0 =	simm.s32 @!p0 $0x3  }
0x202: {  	_ =	swait.ge @!p0 [sflag:s0], s1  }
0x203: {  	s1 =	ssub.s32 @!p0 $0x0, s1;
	[sflag:s0] =	ssyncset.done @!p0 $0x0  }
0x204: {  	[sflag:s0] =	ssyncadd.s32 @!p0 s1  }
0x205: {  	[bflag:$0x3] =	sbarrier.arrive $0xFFFF  }
0x206: {  	_ =	shalt  }

</sc_bundles>
